<compile_context>
chip_gen: v7x
topology: tpu7x:2x2x1
jax: 0.10.2.dev20260603
libtpu: 0.0.44.dev20260713+nightly
codegen_flags: <defaults>
</compile_context>

<pallas_src>
import dataclasses
import functools

import numpy as np
import jax
import jax.numpy as jnp
from jax import lax
from jax.experimental import pallas as pl
from jax.experimental.pallas import tpu as pltpu
from jax.experimental.pallas import tpu_sc as plsc

_M0 = 0.05
_HW = 1024
_B = 64
_NTILES = 32
_ROWS_PER_TILE = _HW // _NTILES
_ROWS_PER_DMA = 8
_NBATCH = _ROWS_PER_TILE // _ROWS_PER_DMA
_NCHUNK = _HW // 16


def _build_constants():
    ys = np.linspace(32.0, 1.0, 32).astype(np.float32)
    xs = np.linspace(1.0, 32.0, 32).astype(np.float32)
    gy, gx = np.meshgrid(ys, xs, indexing="ij")
    prod = np.stack([gy.reshape(-1), gx.reshape(-1)], -1)
    grid = prod[:, [1, 0]]
    diff = grid[:, None, :] - grid[None, :, :]
    d2 = (diff * diff).sum(-1)
    dist = np.sqrt(d2.astype(np.float32), dtype=np.float32)
    r_dist = np.square(dist)
    order = np.argsort(d2, axis=1, kind="stable")
    d2_sorted = np.take_along_axis(r_dist, order, axis=1).astype(np.float32)
    idx64 = (order.astype(np.int32) * _B).astype(np.int32)
    return d2_sorted.reshape(-1), idx64.reshape(-1)


_D2S_FLAT, _IDX64_FLAT = _build_constants()


def _sqrt16x4(xs):
    gs, hs = [], []
    for x in xs:
        i = plsc.bitcast(x, jnp.int32)
        i = jnp.int32(0x5F3759DF) - lax.shift_right_arithmetic(i, jnp.int32(1))
        gs.append(plsc.bitcast(i, jnp.float32))
        hs.append(jnp.float32(0.5) * x)
    for _ in range(3):
        gs = [g * (jnp.float32(1.5) - h * g * g) for g, h in zip(gs, hs)]
    return [x * g for x, g in zip(xs, gs)]


def _dtm_sc_kernel(wt_hbm, idx_hbm, d2_hbm, out_hbm,
                   wt_v, idx_v, d2_v, out_v, st_v, flag_s,
                   sem_wt, sem_a, sem_b, sem_out):
    wid = lax.axis_index("s") * 2 + lax.axis_index("c")
    row0 = wid * _ROWS_PER_TILE

    half = (_HW // 2) * _B
    cp_wt0 = pltpu.async_copy(wt_hbm.at[pl.ds(0, half)],
                              wt_v.at[pl.ds(0, half)], sem_wt)
    cp_wt1 = pltpu.async_copy(wt_hbm.at[pl.ds(half, half)],
                              wt_v.at[pl.ds(half, half)], sem_out)

    sz = _ROWS_PER_DMA * _HW

    def batch_copies(n, par, do_start):
        off = (row0 + n * _ROWS_PER_DMA) * _HW
        dst = par * sz
        for sem, p in ((sem_a, 0), (sem_b, 1)):
            @pl.when(par == p)
            def _(sem=sem):
                if do_start:
                    pltpu.async_copy(idx_hbm.at[pl.ds(off, sz)],
                                     idx_v.at[pl.ds(dst, sz)], sem)
                    pltpu.async_copy(d2_hbm.at[pl.ds(off, sz)],
                                     d2_v.at[pl.ds(dst, sz)], sem)
                else:
                    pltpu.make_async_copy(idx_hbm.at[pl.ds(off, sz)],
                                          idx_v.at[pl.ds(dst, sz)],
                                          sem).wait()
                    pltpu.make_async_copy(d2_hbm.at[pl.ds(off, sz)],
                                          d2_v.at[pl.ds(dst, sz)],
                                          sem).wait()

    batch_copies(jnp.int32(0), jnp.int32(0), True)

    zero = jnp.zeros((16,), jnp.float32)

    def colsum_body(r, s):
        out = list(s)
        for rr in range(4):
            base = (4 * r + rr) * _B
            for g in range(4):
                out[g] = out[g] + wt_v[pl.ds(base + 16 * g, 16)]
        return tuple(out)

    cp_wt0.wait()
    sums = lax.fori_loop(0, _HW // 8, colsum_body, (zero, zero, zero, zero))
    cp_wt1.wait()
    sums = lax.fori_loop(_HW // 8, _HW // 4, colsum_body, sums)
    wbv = tuple(jnp.float32(_M0) * s for s in sums)

    lane = lax.iota(jnp.int32, 16)
    wt_views = tuple(wt_v.at[pl.ds(16 * g, _HW * _B - 48)] for g in range(4))

    def batch_body(n, _):
        par = lax.rem(n, jnp.int32(2))

        @pl.when(n < _NBATCH - 1)
        def _():
            batch_copies(n + 1, lax.rem(n + 1, jnp.int32(2)), True)

        batch_copies(n, par, False)
        pbase = par * sz

        def row_body(r, _):
            base = pbase + r * _HW
            for g in range(4):
                st_v[pl.ds(16 * g, 16)] = wbv[g]
                st_v[pl.ds(64 + 16 * g, 16)] = zero
            flag_s[0] = jnp.int32(1)

            def chunk_body(c, _):
                @pl.when(flag_s[0] != 0)
                def _():
                    rm = [st_v[pl.ds(16 * g, 16)] for g in range(4)]
                    a = [st_v[pl.ds(64 + 16 * g, 16)] for g in range(4)]
                    k0 = base + c * 32
                    for h in range(2):
                        idx_vec = idx_v[pl.ds(k0 + 16 * h, 16)]
                        d2_vec = d2_v[pl.ds(k0 + 16 * h, 16)]
                        for l in range(16):
                            jvl = (jnp.full((16,), idx_vec[l], jnp.int32)
                                   + lane)
                            d2vec = jnp.full((16,), d2_vec[l], jnp.float32)
                            for g in range(4):
                                wv = plsc.load_gather(wt_views[g], [jvl])
                                dq = jnp.minimum(wv, rm[g])
                                a[g] = a[g] + d2vec * dq
                                rm[g] = rm[g] - dq
                    for g in range(4):
                        st_v[pl.ds(16 * g, 16)] = rm[g]
                        st_v[pl.ds(64 + 16 * g, 16)] = a[g]
                    done = ((rm[0] <= zero) & (rm[1] <= zero)
                            & (rm[2] <= zero) & (rm[3] <= zero))
                    flag_s[0] = jnp.where(jnp.all(done), jnp.int32(0),
                                          jnp.int32(1))
                return 0

            lax.fori_loop(0, _NCHUNK // 2, chunk_body, 0)
            obase = (n * _ROWS_PER_DMA + r) * _B
            vals = [st_v[pl.ds(64 + 16 * g, 16)] / wbv[g] for g in range(4)]
            roots = _sqrt16x4(vals)
            for g in range(4):
                out_v[pl.ds(obase + 16 * g, 16)] = roots[g]
            return 0

        lax.fori_loop(0, _ROWS_PER_DMA, row_body, 0)
        return 0

    lax.fori_loop(0, _NBATCH, batch_body, 0)

    pltpu.async_copy(
        out_v, out_hbm.at[pl.ds(row0 * _B, _ROWS_PER_TILE * _B)], sem_out
    ).wait()


def kernel(weight):
    wt_flat = weight.T.reshape(-1)
    idx_c = jnp.asarray(_IDX64_FLAT)
    d2_c = jnp.asarray(_D2S_FLAT)

    mesh = plsc.VectorSubcoreMesh(core_axis_name="c", subcore_axis_name="s")
    cp = pltpu.CompilerParams()
    if "needs_layout_passes" in pltpu.CompilerParams.__dataclass_fields__:
        cp = dataclasses.replace(cp, needs_layout_passes=False)
    k = functools.partial(
        pl.kernel,
        compiler_params=cp,
        out_type=jax.ShapeDtypeStruct((_HW * _B,), jnp.float32),
        mesh=mesh,
        scratch_types=[
            pltpu.VMEM((_HW * _B,), jnp.float32),
            pltpu.VMEM((2 * _ROWS_PER_DMA * _HW,), jnp.int32),
            pltpu.VMEM((2 * _ROWS_PER_DMA * _HW,), jnp.float32),
            pltpu.VMEM((_ROWS_PER_TILE * _B,), jnp.float32),
            pltpu.VMEM((128,), jnp.float32),
            pltpu.SMEM((1,), jnp.int32),
            pltpu.SemaphoreType.DMA,
            pltpu.SemaphoreType.DMA,
            pltpu.SemaphoreType.DMA,
            pltpu.SemaphoreType.DMA,
        ],
    )(_dtm_sc_kernel)
    out_t = k(wt_flat, idx_c, d2_c)
    return out_t.reshape(_HW, _B).T

# --- scband reference (transcript-rebuilt; emitter-appended) ---
"""Pipeline reference for scband-dtmlayer-73847667688044 (READ-ONLY COPY).

The authoritative reference and input builder live on the scoring server;
editing this copy changes nothing except your own understanding.
"""

import jax, jax.numpy as jnp
import numpy as np

M0 = 0.05
SIZE = [32, 32]
LIMS = [[1, 32], [1, 32]]
R = 2


def make_grid():
    (h0, h1), (w0, w1) = LIMS
    H, W = SIZE
    # torch: for i==0 linspace(end, start, steps); for i==1 linspace(start, end, steps)
    ys = jnp.linspace(float(h1), float(h0), H)
    xs = jnp.linspace(float(w0), float(w1), W)
    gy, gx = jnp.meshgrid(ys, xs, indexing='ij')
    prod = jnp.stack([gy.reshape(-1), gx.reshape(-1)], axis=-1)
    # index_select columns [1, 0] -> swap columns
    grid = prod[:, jnp.array([1, 0])]
    return grid


def cal_dist(grid):
    X = grid[:, None, :]
    Y = grid[None, :, :]
    return jnp.sqrt(jnp.sum((X - Y) ** 2, -1))


def setup_inputs(seed: int = 0) -> dict:
    key = jax.random.key(seed)
    weight = jax.random.uniform(key, (64, 1024), dtype=jnp.float32)
    return {"weight": weight}


def reference(weight):
    dist = cal_dist(make_grid())  # [HW, HW]
    HW = weight.shape[-1]
    weight_bound = M0 * jnp.sum(weight, -1, keepdims=True)  # [B, 1]
    # no_grad block in torch: determine data-dependent max_k
    sorted_weight = jnp.sort(weight, -1)
    sorted_weight_cumsum = jnp.cumsum(sorted_weight, -1)
    ks = jax.vmap(lambda a, v: jnp.searchsorted(a, v))(sorted_weight_cumsum, weight_bound[:, 0])
    max_k = jnp.minimum(jnp.max(ks) + 1, HW)
    # knn: smallest max_k distances per grid point (computed at static full width HW;
    # top_k's first max_k columns are identical to top_k(-dist, max_k))
    neg_d, knn_index = jax.lax.top_k(-dist, HW)
    knn_dist = -neg_d  # [HW, HW]
    # dtm_using_knn (r == 2 path)
    knn_weight = weight[:, knn_index]  # gather -> [B, HW, HW]
    cum_knn_weight = jnp.cumsum(knn_weight, -1)
    wb = weight_bound[:, :, None]  # [B, 1, 1]
    # searchsorted(side='left') == count of elements strictly < value
    kk = jnp.sum(cum_knn_weight < wb, axis=-1)  # [B, HW]
    kk = jnp.minimum(kk, max_k - 1)
    r_dist = jnp.square(knn_dist)[None, :, :]  # [1, HW, HW]
    cum_dist = jnp.cumsum(r_dist * knn_weight, -1)
    vals = cum_dist + r_dist * (wb - cum_knn_weight)
    dtm_val = jnp.take_along_axis(vals, kk[:, :, None], axis=-1)
    dtm_val = jnp.sqrt(dtm_val / wb)
    return dtm_val[..., 0]

if __name__ == "__main__":
    import jax
    _d = setup_inputs()
    print(jax.jit(kernel)(*tuple(_d.values())))

</pallas_src>

<mosaic_0001>
#map = affine_map<(d0, d1) -> (0)>
module attributes {stable_mosaic.version = 14 : i64} {
  func.func @_dtm_sc_kernel(%arg0: i32, %arg1: i32, %arg2: memref<65536xf32, #tpu.memory_space<hbm>>, %arg3: memref<1048576xi32, #tpu.memory_space<hbm>>, %arg4: memref<1048576xf32, #tpu.memory_space<hbm>>, %arg5: memref<65536xf32, #tpu.memory_space<hbm>>, %arg6: memref<65536xf32, #tpu.memory_space<vmem>>, %arg7: memref<16384xi32, #tpu.memory_space<vmem>>, %arg8: memref<16384xf32, #tpu.memory_space<vmem>>, %arg9: memref<2048xf32, #tpu.memory_space<vmem>>, %arg10: memref<128xf32, #tpu.memory_space<vmem>>, %arg11: memref<1xi32, #tpu.memory_space<smem>>, %arg12: memref<!tpu.dma_semaphore, #tpu.memory_space<semaphore_mem>>, %arg13: memref<!tpu.dma_semaphore, #tpu.memory_space<semaphore_mem>>, %arg14: memref<!tpu.dma_semaphore, #tpu.memory_space<semaphore_mem>>, %arg15: memref<!tpu.dma_semaphore, #tpu.memory_space<semaphore_mem>>) attributes {dimension_semantics = [#tpu.dimension_semantics<core_parallel>, #tpu.dimension_semantics<subcore_parallel>], iteration_bounds = array<i64: 2, 16>, scalar_prefetch = 0 : i64, scratch_operands = 10 : i64, tpu.core_type = #tpu.core_type<sc_vector_subcore>, window_params = [{transform_indices = #map}, {transform_indices = #map}, {transform_indices = #map}, {transform_indices = #map}]} {
    %mul3A = arith.constant 2 : i32
    %mul3A_0 = arith.muli %arg1, %mul3A : i32
    %add3A = arith.addi %mul3A_0, %arg0 : i32
    %mul3A_1 = arith.constant 32 : i32
    %mul3A_2 = arith.muli %add3A, %mul3A_1 : i32
    %dma_start3A = arith.constant 0 : i32
    %dma_start3A_3 = tpu.memref_slice %arg6[%dma_start3A] : memref<65536xf32, #tpu.memory_space<vmem>> -> memref<32768xf32, #tpu.memory_space<vmem>>
    %dma_start3A_4 = arith.constant 0 : i32
    %dma_start3A_5 = tpu.memref_slice %arg2[%dma_start3A_4] : memref<65536xf32, #tpu.memory_space<hbm>> -> memref<32768xf32, #tpu.memory_space<hbm>>
    %dma_start3A_6 = arith.constant 0 : i32
    %dma_start3A_7 = tpu.memref_slice %arg6[%dma_start3A_6] : memref<65536xf32, #tpu.memory_space<vmem>> -> memref<32768xf32, #tpu.memory_space<vmem>>
    %dma_start3A_8 = arith.constant 0 : i32
    %dma_start3A_9 = tpu.memref_slice %arg2[%dma_start3A_8] : memref<65536xf32, #tpu.memory_space<hbm>> -> memref<32768xf32, #tpu.memory_space<hbm>>
    tpu.enqueue_dma source(%dma_start3A_9 : memref<32768xf32, #tpu.memory_space<hbm>>) target(%dma_start3A_7 : memref<32768xf32, #tpu.memory_space<vmem>>) target_semaphore(%arg12 : memref<!tpu.dma_semaphore, #tpu.memory_space<semaphore_mem>>)
    %dma_start3A_10 = arith.constant 32768 : i32
    %dma_start3A_11 = tpu.memref_slice %arg6[%dma_start3A_10] : memref<65536xf32, #tpu.memory_space<vmem>> -> memref<32768xf32, #tpu.memory_space<vmem>>
    %dma_start3A_12 = arith.constant 32768 : i32
    %dma_start3A_13 = tpu.memref_slice %arg2[%dma_start3A_12] : memref<65536xf32, #tpu.memory_space<hbm>> -> memref<32768xf32, #tpu.memory_space<hbm>>
    %dma_start3A_14 = arith.constant 32768 : i32
    %dma_start3A_15 = tpu.memref_slice %arg6[%dma_start3A_14] : memref<65536xf32, #tpu.memory_space<vmem>> -> memref<32768xf32, #tpu.memory_space<vmem>>
    %dma_start3A_16 = arith.constant 32768 : i32
    %dma_start3A_17 = tpu.memref_slice %arg2[%dma_start3A_16] : memref<65536xf32, #tpu.memory_space<hbm>> -> memref<32768xf32, #tpu.memory_space<hbm>>
    tpu.enqueue_dma source(%dma_start3A_17 : memref<32768xf32, #tpu.memory_space<hbm>>) target(%dma_start3A_15 : memref<32768xf32, #tpu.memory_space<vmem>>) target_semaphore(%arg15 : memref<!tpu.dma_semaphore, #tpu.memory_space<semaphore_mem>>)
    %mul3A_18 = arith.constant 0 : i32
    %mul3A_19 = arith.constant 8 : i32
    %mul3A_20 = arith.muli %mul3A_18, %mul3A_19 : i32
    %add3A_21 = arith.addi %mul3A_2, %mul3A_20 : i32
    %mul3A_22 = arith.constant 1024 : i32
    %mul3A_23 = arith.muli %add3A_21, %mul3A_22 : i32
    %mul3A_24 = arith.constant 0 : i32
    %mul3A_25 = arith.constant 8192 : i32
    %mul3A_26 = arith.muli %mul3A_24, %mul3A_25 : i32
    %eq3A = arith.constant 0 : i32
    %eq3A_27 = arith.constant 0 : i32
    %eq3A_28 = arith.cmpi eq, %eq3A, %eq3A_27 : i32
    %convert_element_type3A = arith.extui %eq3A_28 : i1 to i32
    %cond3A = arith.constant 0 : i32
    %cond3A_29 = arith.cmpi ne, %convert_element_type3A, %cond3A : i32
    scf.if %cond3A_29 {
      %dma_start3A_88 = tpu.memref_slice %arg7[%mul3A_26] : memref<16384xi32, #tpu.memory_space<vmem>> -> memref<8192xi32, #tpu.memory_space<vmem>>
      %dma_start3A_89 = tpu.memref_slice %arg3[%mul3A_23] : memref<1048576xi32, #tpu.memory_space<hbm>> -> memref<8192xi32, #tpu.memory_space<hbm>>
      %dma_start3A_90 = tpu.memref_slice %arg7[%mul3A_26] : memref<16384xi32, #tpu.memory_space<vmem>> -> memref<8192xi32, #tpu.memory_space<vmem>>
      %dma_start3A_91 = tpu.memref_slice %arg3[%mul3A_23] : memref<1048576xi32, #tpu.memory_space<hbm>> -> memref<8192xi32, #tpu.memory_space<hbm>>
      tpu.enqueue_dma source(%dma_start3A_91 : memref<8192xi32, #tpu.memory_space<hbm>>) target(%dma_start3A_90 : memref<8192xi32, #tpu.memory_space<vmem>>) target_semaphore(%arg13 : memref<!tpu.dma_semaphore, #tpu.memory_space<semaphore_mem>>)
      %dma_start3A_92 = tpu.memref_slice %arg8[%mul3A_26] : memref<16384xf32, #tpu.memory_space<vmem>> -> memref<8192xf32, #tpu.memory_space<vmem>>
      %dma_start3A_93 = tpu.memref_slice %arg4[%mul3A_23] : memref<1048576xf32, #tpu.memory_space<hbm>> -> memref<8192xf32, #tpu.memory_space<hbm>>
      %dma_start3A_94 = tpu.memref_slice %arg8[%mul3A_26] : memref<16384xf32, #tpu.memory_space<vmem>> -> memref<8192xf32, #tpu.memory_space<vmem>>
      %dma_start3A_95 = tpu.memref_slice %arg4[%mul3A_23] : memref<1048576xf32, #tpu.memory_space<hbm>> -> memref<8192xf32, #tpu.memory_space<hbm>>
      tpu.enqueue_dma source(%dma_start3A_95 : memref<8192xf32, #tpu.memory_space<hbm>>) target(%dma_start3A_94 : memref<8192xf32, #tpu.memory_space<vmem>>) target_semaphore(%arg13 : memref<!tpu.dma_semaphore, #tpu.memory_space<semaphore_mem>>)
    } else {
    }
    %eq3A_30 = arith.constant 0 : i32
    %eq3A_31 = arith.constant 1 : i32
    %eq3A_32 = arith.cmpi eq, %eq3A_30, %eq3A_31 : i32
    %convert_element_type3A_33 = arith.extui %eq3A_32 : i1 to i32
    %cond3A_34 = arith.constant 0 : i32
    %cond3A_35 = arith.cmpi ne, %convert_element_type3A_33, %cond3A_34 : i32
    scf.if %cond3A_35 {
      %dma_start3A_88 = tpu.memref_slice %arg7[%mul3A_26] : memref<16384xi32, #tpu.memory_space<vmem>> -> memref<8192xi32, #tpu.memory_space<vmem>>
      %dma_start3A_89 = tpu.memref_slice %arg3[%mul3A_23] : memref<1048576xi32, #tpu.memory_space<hbm>> -> memref<8192xi32, #tpu.memory_space<hbm>>
      %dma_start3A_90 = tpu.memref_slice %arg7[%mul3A_26] : memref<16384xi32, #tpu.memory_space<vmem>> -> memref<8192xi32, #tpu.memory_space<vmem>>
      %dma_start3A_91 = tpu.memref_slice %arg3[%mul3A_23] : memref<1048576xi32, #tpu.memory_space<hbm>> -> memref<8192xi32, #tpu.memory_space<hbm>>
      tpu.enqueue_dma source(%dma_start3A_91 : memref<8192xi32, #tpu.memory_space<hbm>>) target(%dma_start3A_90 : memref<8192xi32, #tpu.memory_space<vmem>>) target_semaphore(%arg14 : memref<!tpu.dma_semaphore, #tpu.memory_space<semaphore_mem>>)
      %dma_start3A_92 = tpu.memref_slice %arg8[%mul3A_26] : memref<16384xf32, #tpu.memory_space<vmem>> -> memref<8192xf32, #tpu.memory_space<vmem>>
      %dma_start3A_93 = tpu.memref_slice %arg4[%mul3A_23] : memref<1048576xf32, #tpu.memory_space<hbm>> -> memref<8192xf32, #tpu.memory_space<hbm>>
      %dma_start3A_94 = tpu.memref_slice %arg8[%mul3A_26] : memref<16384xf32, #tpu.memory_space<vmem>> -> memref<8192xf32, #tpu.memory_space<vmem>>
      %dma_start3A_95 = tpu.memref_slice %arg4[%mul3A_23] : memref<1048576xf32, #tpu.memory_space<hbm>> -> memref<8192xf32, #tpu.memory_space<hbm>>
      tpu.enqueue_dma source(%dma_start3A_95 : memref<8192xf32, #tpu.memory_space<hbm>>) target(%dma_start3A_94 : memref<8192xf32, #tpu.memory_space<vmem>>) target_semaphore(%arg14 : memref<!tpu.dma_semaphore, #tpu.memory_space<semaphore_mem>>)
    } else {
    }
    %broadcast_in_dim3A = arith.constant 0.000000e+00 : f32
    %broadcast_in_dim3A_36 = vector.broadcast %broadcast_in_dim3A : f32 to vector<16xf32>
    %dma_wait3A = arith.constant 0 : i32
    %dma_wait3A_37 = tpu.memref_slice %arg6[%dma_wait3A] : memref<65536xf32, #tpu.memory_space<vmem>> -> memref<32768xf32, #tpu.memory_space<vmem>>
    %dma_wait3A_38 = arith.constant 0 : i32
    %dma_wait3A_39 = tpu.memref_slice %arg2[%dma_wait3A_38] : memref<65536xf32, #tpu.memory_space<hbm>> -> memref<32768xf32, #tpu.memory_space<hbm>>
    %dma_wait3A_40 = arith.constant 0 : i32
    %dma_wait3A_41 = tpu.memref_slice %arg6[%dma_wait3A_40] : memref<65536xf32, #tpu.memory_space<vmem>> -> memref<32768xf32, #tpu.memory_space<vmem>>
    %dma_wait3A_42 = arith.constant 0 : i32
    %dma_wait3A_43 = tpu.memref_slice %arg2[%dma_wait3A_42] : memref<65536xf32, #tpu.memory_space<hbm>> -> memref<32768xf32, #tpu.memory_space<hbm>>
    tpu.wait_dma2 semaphore(%arg12 : memref<!tpu.dma_semaphore, #tpu.memory_space<semaphore_mem>>) src(%dma_wait3A_43 : memref<32768xf32, #tpu.memory_space<hbm>>) dst(%dma_wait3A_41 : memref<32768xf32, #tpu.memory_space<vmem>>)
    %scan3A = arith.constant 0 : i32
    %scan3A_44 = arith.constant 128 : i32
    %scan3A_45 = arith.addi %scan3A, %scan3A_44 : i32
    %scan3A_46 = arith.constant 1 : i32
    %scan3A_47:4 = scf.for %scan3A_88 = %scan3A to %scan3A_45 step %scan3A_46 iter_args(%scan3A_89 = %broadcast_in_dim3A_36, %scan3A_90 = %broadcast_in_dim3A_36, %scan3A_91 = %broadcast_in_dim3A_36, %scan3A_92 = %broadcast_in_dim3A_36) -> (vector<16xf32>, vector<16xf32>, vector<16xf32>, vector<16xf32>)  : i32 {
      %mul3A_93 = arith.constant 4 : i32
      %mul3A_94 = arith.muli %mul3A_93, %scan3A_88 : i32
      %add3A_95 = arith.constant 0 : i32
      %add3A_96 = arith.addi %mul3A_94, %add3A_95 : i32
      %mul3A_97 = arith.constant 64 : i32
      %mul3A_98 = arith.muli %add3A_96, %mul3A_97 : i32
      %add3A_99 = arith.constant 0 : i32
      %add3A_100 = arith.addi %mul3A_98, %add3A_99 : i32
      %get3A = arith.index_cast %add3A_100 : i32 to index
      %get3A_101 = tpu.vector_load %arg6[%get3A] {strides = array<i32>} : memref<65536xf32, #tpu.memory_space<vmem>>, vector<16xf32>,
      %add3A_102 = arith.addf %scan3A_89, %get3A_101 : vector<16xf32>
      %add3A_103 = arith.constant 16 : i32
      %add3A_104 = arith.addi %mul3A_98, %add3A_103 : i32
      %get3A_105 = arith.index_cast %add3A_104 : i32 to index
      %get3A_106 = tpu.vector_load %arg6[%get3A_105] {strides = array<i32>} : memref<65536xf32, #tpu.memory_space<vmem>>, vector<16xf32>,
      %add3A_107 = arith.addf %scan3A_90, %get3A_106 : vector<16xf32>
      %add3A_108 = arith.constant 32 : i32
      %add3A_109 = arith.addi %mul3A_98, %add3A_108 : i32
      %get3A_110 = arith.index_cast %add3A_109 : i32 to index
      %get3A_111 = tpu.vector_load %arg6[%get3A_110] {strides = array<i32>} : memref<65536xf32, #tpu.memory_space<vmem>>, vector<16xf32>,
      %add3A_112 = arith.addf %scan3A_91, %get3A_111 : vector<16xf32>
      %add3A_113 = arith.constant 48 : i32
      %add3A_114 = arith.addi %mul3A_98, %add3A_113 : i32
      %get3A_115 = arith.index_cast %add3A_114 : i32 to index
      %get3A_116 = tpu.vector_load %arg6[%get3A_115] {strides = array<i32>} : memref<65536xf32, #tpu.memory_space<vmem>>, vector<16xf32>,
      %add3A_117 = arith.addf %scan3A_92, %get3A_116 : vector<16xf32>
      %mul3A_118 = arith.constant 4 : i32
      %mul3A_119 = arith.muli %mul3A_118, %scan3A_88 : i32
      %add3A_120 = arith.constant 1 : i32
      %add3A_121 = arith.addi %mul3A_119, %add3A_120 : i32
      %mul3A_122 = arith.constant 64 : i32
      %mul3A_123 = arith.muli %add3A_121, %mul3A_122 : i32
      %add3A_124 = arith.constant 0 : i32
      %add3A_125 = arith.addi %mul3A_123, %add3A_124 : i32
      %get3A_126 = arith.index_cast %add3A_125 : i32 to index
      %get3A_127 = tpu.vector_load %arg6[%get3A_126] {strides = array<i32>} : memref<65536xf32, #tpu.memory_space<vmem>>, vector<16xf32>,
      %add3A_128 = arith.addf %add3A_102, %get3A_127 : vector<16xf32>
      %add3A_129 = arith.constant 16 : i32
      %add3A_130 = arith.addi %mul3A_123, %add3A_129 : i32
      %get3A_131 = arith.index_cast %add3A_130 : i32 to index
      %get3A_132 = tpu.vector_load %arg6[%get3A_131] {strides = array<i32>} : memref<65536xf32, #tpu.memory_space<vmem>>, vector<16xf32>,
      %add3A_133 = arith.addf %add3A_107, %get3A_132 : vector<16xf32>
      %add3A_134 = arith.constant 32 : i32
      %add3A_135 = arith.addi %mul3A_123, %add3A_134 : i32
      %get3A_136 = arith.index_cast %add3A_135 : i32 to index
      %get3A_137 = tpu.vector_load %arg6[%get3A_136] {strides = array<i32>} : memref<65536xf32, #tpu.memory_space<vmem>>, vector<16xf32>,
      %add3A_138 = arith.addf %add3A_112, %get3A_137 : vector<16xf32>
      %add3A_139 = arith.constant 48 : i32
      %add3A_140 = arith.addi %mul3A_123, %add3A_139 : i32
      %get3A_141 = arith.index_cast %add3A_140 : i32 to index
      %get3A_142 = tpu.vector_load %arg6[%get3A_141] {strides = array<i32>} : memref<65536xf32, #tpu.memory_space<vmem>>, vector<16xf32>,
      %add3A_143 = arith.addf %add3A_117, %get3A_142 : vector<16xf32>
      %mul3A_144 = arith.constant 4 : i32
      %mul3A_145 = arith.muli %mul3A_144, %scan3A_88 : i32
      %add3A_146 = arith.constant 2 : i32
      %add3A_147 = arith.addi %mul3A_145, %add3A_146 : i32
      %mul3A_148 = arith.constant 64 : i32
      %mul3A_149 = arith.muli %add3A_147, %mul3A_148 : i32
      %add3A_150 = arith.constant 0 : i32
      %add3A_151 = arith.addi %mul3A_149, %add3A_150 : i32
      %get3A_152 = arith.index_cast %add3A_151 : i32 to index
      %get3A_153 = tpu.vector_load %arg6[%get3A_152] {strides = array<i32>} : memref<65536xf32, #tpu.memory_space<vmem>>, vector<16xf32>,
      %add3A_154 = arith.addf %add3A_128, %get3A_153 : vector<16xf32>
      %add3A_155 = arith.constant 16 : i32
      %add3A_156 = arith.addi %mul3A_149, %add3A_155 : i32
      %get3A_157 = arith.index_cast %add3A_156 : i32 to index
      %get3A_158 = tpu.vector_load %arg6[%get3A_157] {strides = array<i32>} : memref<65536xf32, #tpu.memory_space<vmem>>, vector<16xf32>,
      %add3A_159 = arith.addf %add3A_133, %get3A_158 : vector<16xf32>
      %add3A_160 = arith.constant 32 : i32
      %add3A_161 = arith.addi %mul3A_149, %add3A_160 : i32
      %get3A_162 = arith.index_cast %add3A_161 : i32 to index
      %get3A_163 = tpu.vector_load %arg6[%get3A_162] {strides = array<i32>} : memref<65536xf32, #tpu.memory_space<vmem>>, vector<16xf32>,
      %add3A_164 = arith.addf %add3A_138, %get3A_163 : vector<16xf32>
      %add3A_165 = arith.constant 48 : i32
      %add3A_166 = arith.addi %mul3A_149, %add3A_165 : i32
      %get3A_167 = arith.index_cast %add3A_166 : i32 to index
      %get3A_168 = tpu.vector_load %arg6[%get3A_167] {strides = array<i32>} : memref<65536xf32, #tpu.memory_space<vmem>>, vector<16xf32>,
      %add3A_169 = arith.addf %add3A_143, %get3A_168 : vector<16xf32>
      %mul3A_170 = arith.constant 4 : i32
      %mul3A_171 = arith.muli %mul3A_170, %scan3A_88 : i32
      %add3A_172 = arith.constant 3 : i32
      %add3A_173 = arith.addi %mul3A_171, %add3A_172 : i32
      %mul3A_174 = arith.constant 64 : i32
      %mul3A_175 = arith.muli %add3A_173, %mul3A_174 : i32
      %add3A_176 = arith.constant 0 : i32
      %add3A_177 = arith.addi %mul3A_175, %add3A_176 : i32
      %get3A_178 = arith.index_cast %add3A_177 : i32 to index
      %get3A_179 = tpu.vector_load %arg6[%get3A_178] {strides = array<i32>} : memref<65536xf32, #tpu.memory_space<vmem>>, vector<16xf32>,
      %add3A_180 = arith.addf %add3A_154, %get3A_179 : vector<16xf32>
      %add3A_181 = arith.constant 16 : i32
      %add3A_182 = arith.addi %mul3A_175, %add3A_181 : i32
      %get3A_183 = arith.index_cast %add3A_182 : i32 to index
      %get3A_184 = tpu.vector_load %arg6[%get3A_183] {strides = array<i32>} : memref<65536xf32, #tpu.memory_space<vmem>>, vector<16xf32>,
      %add3A_185 = arith.addf %add3A_159, %get3A_184 : vector<16xf32>
      %add3A_186 = arith.constant 32 : i32
      %add3A_187 = arith.addi %mul3A_175, %add3A_186 : i32
      %get3A_188 = arith.index_cast %add3A_187 : i32 to index
      %get3A_189 = tpu.vector_load %arg6[%get3A_188] {strides = array<i32>} : memref<65536xf32, #tpu.memory_space<vmem>>, vector<16xf32>,
      %add3A_190 = arith.addf %add3A_164, %get3A_189 : vector<16xf32>
      %add3A_191 = arith.constant 48 : i32
      %add3A_192 = arith.addi %mul3A_175, %add3A_191 : i32
      %get3A_193 = arith.index_cast %add3A_192 : i32 to index
      %get3A_194 = tpu.vector_load %arg6[%get3A_193] {strides = array<i32>} : memref<65536xf32, #tpu.memory_space<vmem>>, vector<16xf32>,
      %add3A_195 = arith.addf %add3A_169, %get3A_194 : vector<16xf32>
      scf.yield %add3A_180, %add3A_185, %add3A_190, %add3A_195 : vector<16xf32>, vector<16xf32>, vector<16xf32>, vector<16xf32>
    }
    %scan3A_48 = arith.constant 128 : i32
    %dma_wait3A_49 = arith.constant 32768 : i32
    %dma_wait3A_50 = tpu.memref_slice %arg6[%dma_wait3A_49] : memref<65536xf32, #tpu.memory_space<vmem>> -> memref<32768xf32, #tpu.memory_space<vmem>>
    %dma_wait3A_51 = arith.constant 32768 : i32
    %dma_wait3A_52 = tpu.memref_slice %arg2[%dma_wait3A_51] : memref<65536xf32, #tpu.memory_space<hbm>> -> memref<32768xf32, #tpu.memory_space<hbm>>
    %dma_wait3A_53 = arith.constant 32768 : i32
    %dma_wait3A_54 = tpu.memref_slice %arg6[%dma_wait3A_53] : memref<65536xf32, #tpu.memory_space<vmem>> -> memref<32768xf32, #tpu.memory_space<vmem>>
    %dma_wait3A_55 = arith.constant 32768 : i32
    %dma_wait3A_56 = tpu.memref_slice %arg2[%dma_wait3A_55] : memref<65536xf32, #tpu.memory_space<hbm>> -> memref<32768xf32, #tpu.memory_space<hbm>>
    tpu.wait_dma2 semaphore(%arg15 : memref<!tpu.dma_semaphore, #tpu.memory_space<semaphore_mem>>) src(%dma_wait3A_56 : memref<32768xf32, #tpu.memory_space<hbm>>) dst(%dma_wait3A_54 : memref<32768xf32, #tpu.memory_space<vmem>>)
    %scan3A_57 = arith.constant 128 : i32
    %scan3A_58 = arith.constant 128 : i32
    %scan3A_59 = arith.addi %scan3A_57, %scan3A_58 : i32
    %scan3A_60 = arith.constant 1 : i32
    %scan3A_61:4 = scf.for %scan3A_88 = %scan3A_57 to %scan3A_59 step %scan3A_60 iter_args(%scan3A_89 = %scan3A_47#0, %scan3A_90 = %scan3A_47#1, %scan3A_91 = %scan3A_47#2, %scan3A_92 = %scan3A_47#3) -> (vector<16xf32>, vector<16xf32>, vector<16xf32>, vector<16xf32>)  : i32 {
      %mul3A_93 = arith.constant 4 : i32
      %mul3A_94 = arith.muli %mul3A_93, %scan3A_88 : i32
      %add3A_95 = arith.constant 0 : i32
      %add3A_96 = arith.addi %mul3A_94, %add3A_95 : i32
      %mul3A_97 = arith.constant 64 : i32
      %mul3A_98 = arith.muli %add3A_96, %mul3A_97 : i32
      %add3A_99 = arith.constant 0 : i32
      %add3A_100 = arith.addi %mul3A_98, %add3A_99 : i32
      %get3A = arith.index_cast %add3A_100 : i32 to index
      %get3A_101 = tpu.vector_load %arg6[%get3A] {strides = array<i32>} : memref<65536xf32, #tpu.memory_space<vmem>>, vector<16xf32>,
      %add3A_102 = arith.addf %scan3A_89, %get3A_101 : vector<16xf32>
      %add3A_103 = arith.constant 16 : i32
      %add3A_104 = arith.addi %mul3A_98, %add3A_103 : i32
      %get3A_105 = arith.index_cast %add3A_104 : i32 to index
      %get3A_106 = tpu.vector_load %arg6[%get3A_105] {strides = array<i32>} : memref<65536xf32, #tpu.memory_space<vmem>>, vector<16xf32>,
      %add3A_107 = arith.addf %scan3A_90, %get3A_106 : vector<16xf32>
      %add3A_108 = arith.constant 32 : i32
      %add3A_109 = arith.addi %mul3A_98, %add3A_108 : i32
      %get3A_110 = arith.index_cast %add3A_109 : i32 to index
      %get3A_111 = tpu.vector_load %arg6[%get3A_110] {strides = array<i32>} : memref<65536xf32, #tpu.memory_space<vmem>>, vector<16xf32>,
      %add3A_112 = arith.addf %scan3A_91, %get3A_111 : vector<16xf32>
      %add3A_113 = arith.constant 48 : i32
      %add3A_114 = arith.addi %mul3A_98, %add3A_113 : i32
      %get3A_115 = arith.index_cast %add3A_114 : i32 to index
      %get3A_116 = tpu.vector_load %arg6[%get3A_115] {strides = array<i32>} : memref<65536xf32, #tpu.memory_space<vmem>>, vector<16xf32>,
      %add3A_117 = arith.addf %scan3A_92, %get3A_116 : vector<16xf32>
      %mul3A_118 = arith.constant 4 : i32
      %mul3A_119 = arith.muli %mul3A_118, %scan3A_88 : i32
      %add3A_120 = arith.constant 1 : i32
      %add3A_121 = arith.addi %mul3A_119, %add3A_120 : i32
      %mul3A_122 = arith.constant 64 : i32
      %mul3A_123 = arith.muli %add3A_121, %mul3A_122 : i32
      %add3A_124 = arith.constant 0 : i32
      %add3A_125 = arith.addi %mul3A_123, %add3A_124 : i32
      %get3A_126 = arith.index_cast %add3A_125 : i32 to index
      %get3A_127 = tpu.vector_load %arg6[%get3A_126] {strides = array<i32>} : memref<65536xf32, #tpu.memory_space<vmem>>, vector<16xf32>,
      %add3A_128 = arith.addf %add3A_102, %get3A_127 : vector<16xf32>
      %add3A_129 = arith.constant 16 : i32
      %add3A_130 = arith.addi %mul3A_123, %add3A_129 : i32
      %get3A_131 = arith.index_cast %add3A_130 : i32 to index
      %get3A_132 = tpu.vector_load %arg6[%get3A_131] {strides = array<i32>} : memref<65536xf32, #tpu.memory_space<vmem>>, vector<16xf32>,
      %add3A_133 = arith.addf %add3A_107, %get3A_132 : vector<16xf32>
      %add3A_134 = arith.constant 32 : i32
      %add3A_135 = arith.addi %mul3A_123, %add3A_134 : i32
      %get3A_136 = arith.index_cast %add3A_135 : i32 to index
      %get3A_137 = tpu.vector_load %arg6[%get3A_136] {strides = array<i32>} : memref<65536xf32, #tpu.memory_space<vmem>>, vector<16xf32>,
      %add3A_138 = arith.addf %add3A_112, %get3A_137 : vector<16xf32>
      %add3A_139 = arith.constant 48 : i32
      %add3A_140 = arith.addi %mul3A_123, %add3A_139 : i32
      %get3A_141 = arith.index_cast %add3A_140 : i32 to index
      %get3A_142 = tpu.vector_load %arg6[%get3A_141] {strides = array<i32>} : memref<65536xf32, #tpu.memory_space<vmem>>, vector<16xf32>,
      %add3A_143 = arith.addf %add3A_117, %get3A_142 : vector<16xf32>
      %mul3A_144 = arith.constant 4 : i32
      %mul3A_145 = arith.muli %mul3A_144, %scan3A_88 : i32
      %add3A_146 = arith.constant 2 : i32
      %add3A_147 = arith.addi %mul3A_145, %add3A_146 : i32
      %mul3A_148 = arith.constant 64 : i32
      %mul3A_149 = arith.muli %add3A_147, %mul3A_148 : i32
      %add3A_150 = arith.constant 0 : i32
      %add3A_151 = arith.addi %mul3A_149, %add3A_150 : i32
      %get3A_152 = arith.index_cast %add3A_151 : i32 to index
      %get3A_153 = tpu.vector_load %arg6[%get3A_152] {strides = array<i32>} : memref<65536xf32, #tpu.memory_space<vmem>>, vector<16xf32>,
      %add3A_154 = arith.addf %add3A_128, %get3A_153 : vector<16xf32>
      %add3A_155 = arith.constant 16 : i32
      %add3A_156 = arith.addi %mul3A_149, %add3A_155 : i32
      %get3A_157 = arith.index_cast %add3A_156 : i32 to index
      %get3A_158 = tpu.vector_load %arg6[%get3A_157] {strides = array<i32>} : memref<65536xf32, #tpu.memory_space<vmem>>, vector<16xf32>,
      %add3A_159 = arith.addf %add3A_133, %get3A_158 : vector<16xf32>
      %add3A_160 = arith.constant 32 : i32
      %add3A_161 = arith.addi %mul3A_149, %add3A_160 : i32
      %get3A_162 = arith.index_cast %add3A_161 : i32 to index
      %get3A_163 = tpu.vector_load %arg6[%get3A_162] {strides = array<i32>} : memref<65536xf32, #tpu.memory_space<vmem>>, vector<16xf32>,
      %add3A_164 = arith.addf %add3A_138, %get3A_163 : vector<16xf32>
      %add3A_165 = arith.constant 48 : i32
      %add3A_166 = arith.addi %mul3A_149, %add3A_165 : i32
      %get3A_167 = arith.index_cast %add3A_166 : i32 to index
      %get3A_168 = tpu.vector_load %arg6[%get3A_167] {strides = array<i32>} : memref<65536xf32, #tpu.memory_space<vmem>>, vector<16xf32>,
      %add3A_169 = arith.addf %add3A_143, %get3A_168 : vector<16xf32>
      %mul3A_170 = arith.constant 4 : i32
      %mul3A_171 = arith.muli %mul3A_170, %scan3A_88 : i32
      %add3A_172 = arith.constant 3 : i32
      %add3A_173 = arith.addi %mul3A_171, %add3A_172 : i32
      %mul3A_174 = arith.constant 64 : i32
      %mul3A_175 = arith.muli %add3A_173, %mul3A_174 : i32
      %add3A_176 = arith.constant 0 : i32
      %add3A_177 = arith.addi %mul3A_175, %add3A_176 : i32
      %get3A_178 = arith.index_cast %add3A_177 : i32 to index
      %get3A_179 = tpu.vector_load %arg6[%get3A_178] {strides = array<i32>} : memref<65536xf32, #tpu.memory_space<vmem>>, vector<16xf32>,
      %add3A_180 = arith.addf %add3A_154, %get3A_179 : vector<16xf32>
      %add3A_181 = arith.constant 16 : i32
      %add3A_182 = arith.addi %mul3A_175, %add3A_181 : i32
      %get3A_183 = arith.index_cast %add3A_182 : i32 to index
      %get3A_184 = tpu.vector_load %arg6[%get3A_183] {strides = array<i32>} : memref<65536xf32, #tpu.memory_space<vmem>>, vector<16xf32>,
      %add3A_185 = arith.addf %add3A_159, %get3A_184 : vector<16xf32>
      %add3A_186 = arith.constant 32 : i32
      %add3A_187 = arith.addi %mul3A_175, %add3A_186 : i32
      %get3A_188 = arith.index_cast %add3A_187 : i32 to index
      %get3A_189 = tpu.vector_load %arg6[%get3A_188] {strides = array<i32>} : memref<65536xf32, #tpu.memory_space<vmem>>, vector<16xf32>,
      %add3A_190 = arith.addf %add3A_164, %get3A_189 : vector<16xf32>
      %add3A_191 = arith.constant 48 : i32
      %add3A_192 = arith.addi %mul3A_175, %add3A_191 : i32
      %get3A_193 = arith.index_cast %add3A_192 : i32 to index
      %get3A_194 = tpu.vector_load %arg6[%get3A_193] {strides = array<i32>} : memref<65536xf32, #tpu.memory_space<vmem>>, vector<16xf32>,
      %add3A_195 = arith.addf %add3A_169, %get3A_194 : vector<16xf32>
      scf.yield %add3A_180, %add3A_185, %add3A_190, %add3A_195 : vector<16xf32>, vector<16xf32>, vector<16xf32>, vector<16xf32>
    }
    %scan3A_62 = arith.constant 128 : i32
    %mul3A_63 = arith.constant 5.000000e-02 : f32
    %mul3A_64 = vector.broadcast %mul3A_63 : f32 to vector<16xf32>
    %mul3A_65 = arith.mulf %mul3A_64, %scan3A_61#0 : vector<16xf32>
    %mul3A_66 = arith.constant 5.000000e-02 : f32
    %mul3A_67 = vector.broadcast %mul3A_66 : f32 to vector<16xf32>
    %mul3A_68 = arith.mulf %mul3A_67, %scan3A_61#1 : vector<16xf32>
    %mul3A_69 = arith.constant 5.000000e-02 : f32
    %mul3A_70 = vector.broadcast %mul3A_69 : f32 to vector<16xf32>
    %mul3A_71 = arith.mulf %mul3A_70, %scan3A_61#2 : vector<16xf32>
    %mul3A_72 = arith.constant 5.000000e-02 : f32
    %mul3A_73 = vector.broadcast %mul3A_72 : f32 to vector<16xf32>
    %mul3A_74 = arith.mulf %mul3A_73, %scan3A_61#3 : vector<16xf32>
    %iota3A = tpu.iota {dimensions = array<i32: 0>} : vector<16xi32>
    %scan3A_75 = arith.constant 0 : i32
    %scan3A_76 = arith.constant 0 : i32
    %scan3A_77 = arith.constant 4 : i32
    %scan3A_78 = arith.addi %scan3A_76, %scan3A_77 : i32
    %scan3A_79 = arith.constant 1 : i32
    %scan3A_80 = scf.for %scan3A_88 = %scan3A_76 to %scan3A_78 step %scan3A_79 iter_args(%scan3A_89 = %scan3A_75) -> (i32)  : i32 {
      %rem3A = arith.constant 2 : i32
      %rem3A_90 = arith.remsi %scan3A_88, %rem3A : i32
      %lt3A = arith.constant 3 : i32
      %lt3A_91 = arith.cmpi slt, %scan3A_88, %lt3A : i32
      %convert_element_type3A_92 = arith.extui %lt3A_91 : i1 to i32
      %cond3A_93 = arith.constant 0 : i32
      %cond3A_94 = arith.cmpi ne, %convert_element_type3A_92, %cond3A_93 : i32
      scf.if %cond3A_94 {
        %add3A_122 = arith.constant 1 : i32
        %add3A_123 = arith.addi %scan3A_88, %add3A_122 : i32
        %add3A_124 = arith.constant 1 : i32
        %add3A_125 = arith.addi %scan3A_88, %add3A_124 : i32
        %rem3A_126 = arith.constant 2 : i32
        %rem3A_127 = arith.remsi %add3A_125, %rem3A_126 : i32
        %mul3A_128 = arith.constant 8 : i32
        %mul3A_129 = arith.muli %add3A_123, %mul3A_128 : i32
        %add3A_130 = arith.addi %mul3A_2, %mul3A_129 : i32
        %mul3A_131 = arith.constant 1024 : i32
        %mul3A_132 = arith.muli %add3A_130, %mul3A_131 : i32
        %mul3A_133 = arith.constant 8192 : i32
        %mul3A_134 = arith.muli %rem3A_127, %mul3A_133 : i32
        %eq3A_135 = arith.constant 0 : i32
        %eq3A_136 = arith.cmpi eq, %rem3A_127, %eq3A_135 : i32
        %convert_element_type3A_137 = arith.extui %eq3A_136 : i1 to i32
        %cond3A_138 = arith.constant 0 : i32
        %cond3A_139 = arith.cmpi ne, %convert_element_type3A_137, %cond3A_138 : i32
        scf.if %cond3A_139 {
          %dma_start3A_145 = tpu.memref_slice %arg7[%mul3A_134] : memref<16384xi32, #tpu.memory_space<vmem>> -> memref<8192xi32, #tpu.memory_space<vmem>>
          %dma_start3A_146 = tpu.memref_slice %arg3[%mul3A_132] : memref<1048576xi32, #tpu.memory_space<hbm>> -> memref<8192xi32, #tpu.memory_space<hbm>>
          %dma_start3A_147 = tpu.memref_slice %arg7[%mul3A_134] : memref<16384xi32, #tpu.memory_space<vmem>> -> memref<8192xi32, #tpu.memory_space<vmem>>
          %dma_start3A_148 = tpu.memref_slice %arg3[%mul3A_132] : memref<1048576xi32, #tpu.memory_space<hbm>> -> memref<8192xi32, #tpu.memory_space<hbm>>
          tpu.enqueue_dma source(%dma_start3A_148 : memref<8192xi32, #tpu.memory_space<hbm>>) target(%dma_start3A_147 : memref<8192xi32, #tpu.memory_space<vmem>>) target_semaphore(%arg13 : memref<!tpu.dma_semaphore, #tpu.memory_space<semaphore_mem>>)
          %dma_start3A_149 = tpu.memref_slice %arg8[%mul3A_134] : memref<16384xf32, #tpu.memory_space<vmem>> -> memref<8192xf32, #tpu.memory_space<vmem>>
          %dma_start3A_150 = tpu.memref_slice %arg4[%mul3A_132] : memref<1048576xf32, #tpu.memory_space<hbm>> -> memref<8192xf32, #tpu.memory_space<hbm>>
          %dma_start3A_151 = tpu.memref_slice %arg8[%mul3A_134] : memref<16384xf32, #tpu.memory_space<vmem>> -> memref<8192xf32, #tpu.memory_space<vmem>>
          %dma_start3A_152 = tpu.memref_slice %arg4[%mul3A_132] : memref<1048576xf32, #tpu.memory_space<hbm>> -> memref<8192xf32, #tpu.memory_space<hbm>>
          tpu.enqueue_dma source(%dma_start3A_152 : memref<8192xf32, #tpu.memory_space<hbm>>) target(%dma_start3A_151 : memref<8192xf32, #tpu.memory_space<vmem>>) target_semaphore(%arg13 : memref<!tpu.dma_semaphore, #tpu.memory_space<semaphore_mem>>)
        } else {
        }
        %eq3A_140 = arith.constant 1 : i32
        %eq3A_141 = arith.cmpi eq, %rem3A_127, %eq3A_140 : i32
        %convert_element_type3A_142 = arith.extui %eq3A_141 : i1 to i32
        %cond3A_143 = arith.constant 0 : i32
        %cond3A_144 = arith.cmpi ne, %convert_element_type3A_142, %cond3A_143 : i32
        scf.if %cond3A_144 {
          %dma_start3A_145 = tpu.memref_slice %arg7[%mul3A_134] : memref<16384xi32, #tpu.memory_space<vmem>> -> memref<8192xi32, #tpu.memory_space<vmem>>
          %dma_start3A_146 = tpu.memref_slice %arg3[%mul3A_132] : memref<1048576xi32, #tpu.memory_space<hbm>> -> memref<8192xi32, #tpu.memory_space<hbm>>
          %dma_start3A_147 = tpu.memref_slice %arg7[%mul3A_134] : memref<16384xi32, #tpu.memory_space<vmem>> -> memref<8192xi32, #tpu.memory_space<vmem>>
          %dma_start3A_148 = tpu.memref_slice %arg3[%mul3A_132] : memref<1048576xi32, #tpu.memory_space<hbm>> -> memref<8192xi32, #tpu.memory_space<hbm>>
          tpu.enqueue_dma source(%dma_start3A_148 : memref<8192xi32, #tpu.memory_space<hbm>>) target(%dma_start3A_147 : memref<8192xi32, #tpu.memory_space<vmem>>) target_semaphore(%arg14 : memref<!tpu.dma_semaphore, #tpu.memory_space<semaphore_mem>>)
          %dma_start3A_149 = tpu.memref_slice %arg8[%mul3A_134] : memref<16384xf32, #tpu.memory_space<vmem>> -> memref<8192xf32, #tpu.memory_space<vmem>>
          %dma_start3A_150 = tpu.memref_slice %arg4[%mul3A_132] : memref<1048576xf32, #tpu.memory_space<hbm>> -> memref<8192xf32, #tpu.memory_space<hbm>>
          %dma_start3A_151 = tpu.memref_slice %arg8[%mul3A_134] : memref<16384xf32, #tpu.memory_space<vmem>> -> memref<8192xf32, #tpu.memory_space<vmem>>
          %dma_start3A_152 = tpu.memref_slice %arg4[%mul3A_132] : memref<1048576xf32, #tpu.memory_space<hbm>> -> memref<8192xf32, #tpu.memory_space<hbm>>
          tpu.enqueue_dma source(%dma_start3A_152 : memref<8192xf32, #tpu.memory_space<hbm>>) target(%dma_start3A_151 : memref<8192xf32, #tpu.memory_space<vmem>>) target_semaphore(%arg14 : memref<!tpu.dma_semaphore, #tpu.memory_space<semaphore_mem>>)
        } else {
        }
      } else {
      }
      %mul3A_95 = arith.constant 8 : i32
      %mul3A_96 = arith.muli %scan3A_88, %mul3A_95 : i32
      %add3A_97 = arith.addi %mul3A_2, %mul3A_96 : i32
      %mul3A_98 = arith.constant 1024 : i32
      %mul3A_99 = arith.muli %add3A_97, %mul3A_98 : i32
      %mul3A_100 = arith.constant 8192 : i32
      %mul3A_101 = arith.muli %rem3A_90, %mul3A_100 : i32
      %eq3A_102 = arith.constant 0 : i32
      %eq3A_103 = arith.cmpi eq, %rem3A_90, %eq3A_102 : i32
      %convert_element_type3A_104 = arith.extui %eq3A_103 : i1 to i32
      %cond3A_105 = arith.constant 0 : i32
      %cond3A_106 = arith.cmpi ne, %convert_element_type3A_104, %cond3A_105 : i32
      scf.if %cond3A_106 {
        %dma_wait3A_122 = tpu.memref_slice %arg7[%mul3A_101] : memref<16384xi32, #tpu.memory_space<vmem>> -> memref<8192xi32, #tpu.memory_space<vmem>>
        %dma_wait3A_123 = tpu.memref_slice %arg3[%mul3A_99] : memref<1048576xi32, #tpu.memory_space<hbm>> -> memref<8192xi32, #tpu.memory_space<hbm>>
        %dma_wait3A_124 = tpu.memref_slice %arg7[%mul3A_101] : memref<16384xi32, #tpu.memory_space<vmem>> -> memref<8192xi32, #tpu.memory_space<vmem>>
        %dma_wait3A_125 = tpu.memref_slice %arg3[%mul3A_99] : memref<1048576xi32, #tpu.memory_space<hbm>> -> memref<8192xi32, #tpu.memory_space<hbm>>
        tpu.wait_dma2 semaphore(%arg13 : memref<!tpu.dma_semaphore, #tpu.memory_space<semaphore_mem>>) src(%dma_wait3A_125 : memref<8192xi32, #tpu.memory_space<hbm>>) dst(%dma_wait3A_124 : memref<8192xi32, #tpu.memory_space<vmem>>)
        %dma_wait3A_126 = tpu.memref_slice %arg8[%mul3A_101] : memref<16384xf32, #tpu.memory_space<vmem>> -> memref<8192xf32, #tpu.memory_space<vmem>>
        %dma_wait3A_127 = tpu.memref_slice %arg4[%mul3A_99] : memref<1048576xf32, #tpu.memory_space<hbm>> -> memref<8192xf32, #tpu.memory_space<hbm>>
        %dma_wait3A_128 = tpu.memref_slice %arg8[%mul3A_101] : memref<16384xf32, #tpu.memory_space<vmem>> -> memref<8192xf32, #tpu.memory_space<vmem>>
        %dma_wait3A_129 = tpu.memref_slice %arg4[%mul3A_99] : memref<1048576xf32, #tpu.memory_space<hbm>> -> memref<8192xf32, #tpu.memory_space<hbm>>
        tpu.wait_dma2 semaphore(%arg13 : memref<!tpu.dma_semaphore, #tpu.memory_space<semaphore_mem>>) src(%dma_wait3A_129 : memref<8192xf32, #tpu.memory_space<hbm>>) dst(%dma_wait3A_128 : memref<8192xf32, #tpu.memory_space<vmem>>)
      } else {
      }
      %eq3A_107 = arith.constant 1 : i32
      %eq3A_108 = arith.cmpi eq, %rem3A_90, %eq3A_107 : i32
      %convert_element_type3A_109 = arith.extui %eq3A_108 : i1 to i32
      %cond3A_110 = arith.constant 0 : i32
      %cond3A_111 = arith.cmpi ne, %convert_element_type3A_109, %cond3A_110 : i32
      scf.if %cond3A_111 {
        %dma_wait3A_122 = tpu.memref_slice %arg7[%mul3A_101] : memref<16384xi32, #tpu.memory_space<vmem>> -> memref<8192xi32, #tpu.memory_space<vmem>>
        %dma_wait3A_123 = tpu.memref_slice %arg3[%mul3A_99] : memref<1048576xi32, #tpu.memory_space<hbm>> -> memref<8192xi32, #tpu.memory_space<hbm>>
        %dma_wait3A_124 = tpu.memref_slice %arg7[%mul3A_101] : memref<16384xi32, #tpu.memory_space<vmem>> -> memref<8192xi32, #tpu.memory_space<vmem>>
        %dma_wait3A_125 = tpu.memref_slice %arg3[%mul3A_99] : memref<1048576xi32, #tpu.memory_space<hbm>> -> memref<8192xi32, #tpu.memory_space<hbm>>
        tpu.wait_dma2 semaphore(%arg14 : memref<!tpu.dma_semaphore, #tpu.memory_space<semaphore_mem>>) src(%dma_wait3A_125 : memref<8192xi32, #tpu.memory_space<hbm>>) dst(%dma_wait3A_124 : memref<8192xi32, #tpu.memory_space<vmem>>)
        %dma_wait3A_126 = tpu.memref_slice %arg8[%mul3A_101] : memref<16384xf32, #tpu.memory_space<vmem>> -> memref<8192xf32, #tpu.memory_space<vmem>>
        %dma_wait3A_127 = tpu.memref_slice %arg4[%mul3A_99] : memref<1048576xf32, #tpu.memory_space<hbm>> -> memref<8192xf32, #tpu.memory_space<hbm>>
        %dma_wait3A_128 = tpu.memref_slice %arg8[%mul3A_101] : memref<16384xf32, #tpu.memory_space<vmem>> -> memref<8192xf32, #tpu.memory_space<vmem>>
        %dma_wait3A_129 = tpu.memref_slice %arg4[%mul3A_99] : memref<1048576xf32, #tpu.memory_space<hbm>> -> memref<8192xf32, #tpu.memory_space<hbm>>
        tpu.wait_dma2 semaphore(%arg14 : memref<!tpu.dma_semaphore, #tpu.memory_space<semaphore_mem>>) src(%dma_wait3A_129 : memref<8192xf32, #tpu.memory_space<hbm>>) dst(%dma_wait3A_128 : memref<8192xf32, #tpu.memory_space<vmem>>)
      } else {
      }
      %mul3A_112 = arith.constant 8192 : i32
      %mul3A_113 = arith.muli %rem3A_90, %mul3A_112 : i32
      %scan3A_114 = arith.constant 0 : i32
      %scan3A_115 = arith.constant 0 : i32
      %scan3A_116 = arith.constant 8 : i32
      %scan3A_117 = arith.addi %scan3A_115, %scan3A_116 : i32
      %scan3A_118 = arith.constant 1 : i32
      %scan3A_119 = scf.for %scan3A_122 = %scan3A_115 to %scan3A_117 step %scan3A_118 iter_args(%scan3A_123 = %scan3A_114) -> (i32)  : i32 {
        %mul3A_124 = arith.constant 1024 : i32
        %mul3A_125 = arith.muli %scan3A_122, %mul3A_124 : i32
        %add3A_126 = arith.addi %mul3A_113, %mul3A_125 : i32
        %swap3A = arith.constant 0 : index
        %swap3A_127 = tpu.vector_load %arg10[%swap3A] {strides = array<i32>} : memref<128xf32, #tpu.memory_space<vmem>>, vector<16xf32>,
        tpu.vector_store %arg10[%swap3A], %mul3A_65 {strides = array<i32>} : memref<128xf32, #tpu.memory_space<vmem>>, vector<16xf32>,
        %swap3A_128 = arith.constant 64 : index
        %swap3A_129 = tpu.vector_load %arg10[%swap3A_128] {strides = array<i32>} : memref<128xf32, #tpu.memory_space<vmem>>, vector<16xf32>,
        tpu.vector_store %arg10[%swap3A_128], %broadcast_in_dim3A_36 {strides = array<i32>} : memref<128xf32, #tpu.memory_space<vmem>>, vector<16xf32>,
        %swap3A_130 = arith.constant 16 : index
        %swap3A_131 = tpu.vector_load %arg10[%swap3A_130] {strides = array<i32>} : memref<128xf32, #tpu.memory_space<vmem>>, vector<16xf32>,
        tpu.vector_store %arg10[%swap3A_130], %mul3A_68 {strides = array<i32>} : memref<128xf32, #tpu.memory_space<vmem>>, vector<16xf32>,
        %swap3A_132 = arith.constant 80 : index
        %swap3A_133 = tpu.vector_load %arg10[%swap3A_132] {strides = array<i32>} : memref<128xf32, #tpu.memory_space<vmem>>, vector<16xf32>,
        tpu.vector_store %arg10[%swap3A_132], %broadcast_in_dim3A_36 {strides = array<i32>} : memref<128xf32, #tpu.memory_space<vmem>>, vector<16xf32>,
        %swap3A_134 = arith.constant 32 : index
        %swap3A_135 = tpu.vector_load %arg10[%swap3A_134] {strides = array<i32>} : memref<128xf32, #tpu.memory_space<vmem>>, vector<16xf32>,
        tpu.vector_store %arg10[%swap3A_134], %mul3A_71 {strides = array<i32>} : memref<128xf32, #tpu.memory_space<vmem>>, vector<16xf32>,
        %swap3A_136 = arith.constant 96 : index
        %swap3A_137 = tpu.vector_load %arg10[%swap3A_136] {strides = array<i32>} : memref<128xf32, #tpu.memory_space<vmem>>, vector<16xf32>,
        tpu.vector_store %arg10[%swap3A_136], %broadcast_in_dim3A_36 {strides = array<i32>} : memref<128xf32, #tpu.memory_space<vmem>>, vector<16xf32>,
        %swap3A_138 = arith.constant 48 : index
        %swap3A_139 = tpu.vector_load %arg10[%swap3A_138] {strides = array<i32>} : memref<128xf32, #tpu.memory_space<vmem>>, vector<16xf32>,
        tpu.vector_store %arg10[%swap3A_138], %mul3A_74 {strides = array<i32>} : memref<128xf32, #tpu.memory_space<vmem>>, vector<16xf32>,
        %swap3A_140 = arith.constant 112 : index
        %swap3A_141 = tpu.vector_load %arg10[%swap3A_140] {strides = array<i32>} : memref<128xf32, #tpu.memory_space<vmem>>, vector<16xf32>,
        tpu.vector_store %arg10[%swap3A_140], %broadcast_in_dim3A_36 {strides = array<i32>} : memref<128xf32, #tpu.memory_space<vmem>>, vector<16xf32>,
        %swap3A_142 = arith.constant 1 : i32
        %swap3A_143 = arith.constant 0 : i32
        %swap3A_144 = arith.index_cast %swap3A_143 : i32 to index
        %swap3A_145 = memref.load %arg11[%swap3A_144] : memref<1xi32, #tpu.memory_space<smem>>
        memref.store %swap3A_142, %arg11[%swap3A_144] : memref<1xi32, #tpu.memory_space<smem>>
        %scan3A_146 = arith.constant 0 : i32
        %scan3A_147 = arith.constant 0 : i32
        %scan3A_148 = arith.constant 32 : i32
        %scan3A_149 = arith.addi %scan3A_147, %scan3A_148 : i32
        %scan3A_150 = arith.constant 1 : i32
        %scan3A_151 = scf.for %scan3A_302 = %scan3A_147 to %scan3A_149 step %scan3A_150 iter_args(%scan3A_303 = %scan3A_146) -> (i32)  : i32 {
          %get3A_304 = arith.constant 0 : i32
          %get3A_305 = arith.index_cast %get3A_304 : i32 to index
          %get3A_306 = memref.load %arg11[%get3A_305] : memref<1xi32, #tpu.memory_space<smem>>
          %ne3A = arith.constant 0 : i32
          %ne3A_307 = arith.cmpi ne, %get3A_306, %ne3A : i32
          %convert_element_type3A_308 = arith.extui %ne3A_307 : i1 to i32
          %cond3A_309 = arith.constant 0 : i32
          %cond3A_310 = arith.cmpi ne, %convert_element_type3A_308, %cond3A_309 : i32
          scf.if %cond3A_310 {
            %get3A_312 = arith.constant 0 : index
            %get3A_313 = tpu.vector_load %arg10[%get3A_312] {strides = array<i32>} : memref<128xf32, #tpu.memory_space<vmem>>, vector<16xf32>,
            %get3A_314 = arith.constant 16 : index
            %get3A_315 = tpu.vector_load %arg10[%get3A_314] {strides = array<i32>} : memref<128xf32, #tpu.memory_space<vmem>>, vector<16xf32>,
            %get3A_316 = arith.constant 32 : index
            %get3A_317 = tpu.vector_load %arg10[%get3A_316] {strides = array<i32>} : memref<128xf32, #tpu.memory_space<vmem>>, vector<16xf32>,
            %get3A_318 = arith.constant 48 : index
            %get3A_319 = tpu.vector_load %arg10[%get3A_318] {strides = array<i32>} : memref<128xf32, #tpu.memory_space<vmem>>, vector<16xf32>,
            %get3A_320 = arith.constant 64 : index
            %get3A_321 = tpu.vector_load %arg10[%get3A_320] {strides = array<i32>} : memref<128xf32, #tpu.memory_space<vmem>>, vector<16xf32>,
            %get3A_322 = arith.constant 80 : index
            %get3A_323 = tpu.vector_load %arg10[%get3A_322] {strides = array<i32>} : memref<128xf32, #tpu.memory_space<vmem>>, vector<16xf32>,
            %get3A_324 = arith.constant 96 : index
            %get3A_325 = tpu.vector_load %arg10[%get3A_324] {strides = array<i32>} : memref<128xf32, #tpu.memory_space<vmem>>, vector<16xf32>,
            %get3A_326 = arith.constant 112 : index
            %get3A_327 = tpu.vector_load %arg10[%get3A_326] {strides = array<i32>} : memref<128xf32, #tpu.memory_space<vmem>>, vector<16xf32>,
            %mul3A_328 = arith.constant 32 : i32
            %mul3A_329 = arith.muli %scan3A_302, %mul3A_328 : i32
            %add3A_330 = arith.addi %add3A_126, %mul3A_329 : i32
            %add3A_331 = arith.constant 0 : i32
            %add3A_332 = arith.addi %add3A_330, %add3A_331 : i32
            %get3A_333 = arith.index_cast %add3A_332 : i32 to index
            %get3A_334 = tpu.vector_load %arg7[%get3A_333] {strides = array<i32>} : memref<16384xi32, #tpu.memory_space<vmem>>, vector<16xi32>,
            %add3A_335 = arith.constant 0 : i32
            %add3A_336 = arith.addi %add3A_330, %add3A_335 : i32
            %get3A_337 = arith.index_cast %add3A_336 : i32 to index
            %get3A_338 = tpu.vector_load %arg8[%get3A_337] {strides = array<i32>} : memref<16384xf32, #tpu.memory_space<vmem>>, vector<16xf32>,
            %slice3A = vector.extract_strided_slice %get3A_334 {offsets = [0], sizes = [1], strides = [1]} : vector<16xi32> to vector<1xi32>
            %squeeze3A = vector.extract %slice3A[0] : i32 from vector<1xi32>
            %broadcast_in_dim3A_339 = vector.broadcast %squeeze3A : i32 to vector<16xi32>
            %add3A_340 = arith.addi %broadcast_in_dim3A_339, %iota3A : vector<16xi32>
            %slice3A_341 = vector.extract_strided_slice %get3A_338 {offsets = [0], sizes = [1], strides = [1]} : vector<16xf32> to vector<1xf32>
            %squeeze3A_342 = vector.extract %slice3A_341[0] : f32 from vector<1xf32>
            %broadcast_in_dim3A_343 = vector.broadcast %squeeze3A_342 : f32 to vector<16xf32>
            %gather3A = arith.constant 0 : i32
            %gather3A_344 = tpu.memref_slice %arg6[%gather3A] : memref<65536xf32, #tpu.memory_space<vmem>> -> memref<65488xf32, #tpu.memory_space<vmem>>
            %gather3A_345 = tpu.vector_load_idx %gather3A_344[%add3A_340] : memref<65488xf32, #tpu.memory_space<vmem>>[vector<16xi32>], vector<16xf32>,
            %min3A = arith.minimumf %gather3A_345, %get3A_313 : vector<16xf32>
            %mul3A_346 = arith.mulf %broadcast_in_dim3A_343, %min3A : vector<16xf32>
            %add3A_347 = arith.addf %get3A_321, %mul3A_346 : vector<16xf32>
            %sub3A_348 = arith.subf %get3A_313, %min3A : vector<16xf32>
            %gather3A_349 = arith.constant 16 : i32
            %gather3A_350 = tpu.memref_slice %arg6[%gather3A_349] : memref<65536xf32, #tpu.memory_space<vmem>> -> memref<65488xf32, #tpu.memory_space<vmem>>
            %gather3A_351 = tpu.vector_load_idx %gather3A_350[%add3A_340] : memref<65488xf32, #tpu.memory_space<vmem>>[vector<16xi32>], vector<16xf32>,
            %min3A_352 = arith.minimumf %gather3A_351, %get3A_315 : vector<16xf32>
            %mul3A_353 = arith.mulf %broadcast_in_dim3A_343, %min3A_352 : vector<16xf32>
            %add3A_354 = arith.addf %get3A_323, %mul3A_353 : vector<16xf32>
            %sub3A_355 = arith.subf %get3A_315, %min3A_352 : vector<16xf32>
            %gather3A_356 = arith.constant 32 : i32
            %gather3A_357 = tpu.memref_slice %arg6[%gather3A_356] : memref<65536xf32, #tpu.memory_space<vmem>> -> memref<65488xf32, #tpu.memory_space<vmem>>
            %gather3A_358 = tpu.vector_load_idx %gather3A_357[%add3A_340] : memref<65488xf32, #tpu.memory_space<vmem>>[vector<16xi32>], vector<16xf32>,
            %min3A_359 = arith.minimumf %gather3A_358, %get3A_317 : vector<16xf32>
            %mul3A_360 = arith.mulf %broadcast_in_dim3A_343, %min3A_359 : vector<16xf32>
            %add3A_361 = arith.addf %get3A_325, %mul3A_360 : vector<16xf32>
            %sub3A_362 = arith.subf %get3A_317, %min3A_359 : vector<16xf32>
            %gather3A_363 = arith.constant 48 : i32
            %gather3A_364 = tpu.memref_slice %arg6[%gather3A_363] : memref<65536xf32, #tpu.memory_space<vmem>> -> memref<65488xf32, #tpu.memory_space<vmem>>
            %gather3A_365 = tpu.vector_load_idx %gather3A_364[%add3A_340] : memref<65488xf32, #tpu.memory_space<vmem>>[vector<16xi32>], vector<16xf32>,
            %min3A_366 = arith.minimumf %gather3A_365, %get3A_319 : vector<16xf32>
            %mul3A_367 = arith.mulf %broadcast_in_dim3A_343, %min3A_366 : vector<16xf32>
            %add3A_368 = arith.addf %get3A_327, %mul3A_367 : vector<16xf32>
            %sub3A_369 = arith.subf %get3A_319, %min3A_366 : vector<16xf32>
            %slice3A_370 = vector.extract_strided_slice %get3A_334 {offsets = [1], sizes = [1], strides = [1]} : vector<16xi32> to vector<1xi32>
            %squeeze3A_371 = vector.extract %slice3A_370[0] : i32 from vector<1xi32>
            %broadcast_in_dim3A_372 = vector.broadcast %squeeze3A_371 : i32 to vector<16xi32>
            %add3A_373 = arith.addi %broadcast_in_dim3A_372, %iota3A : vector<16xi32>
            %slice3A_374 = vector.extract_strided_slice %get3A_338 {offsets = [1], sizes = [1], strides = [1]} : vector<16xf32> to vector<1xf32>
            %squeeze3A_375 = vector.extract %slice3A_374[0] : f32 from vector<1xf32>
            %broadcast_in_dim3A_376 = vector.broadcast %squeeze3A_375 : f32 to vector<16xf32>
            %gather3A_377 = arith.constant 0 : i32
            %gather3A_378 = tpu.memref_slice %arg6[%gather3A_377] : memref<65536xf32, #tpu.memory_space<vmem>> -> memref<65488xf32, #tpu.memory_space<vmem>>
            %gather3A_379 = tpu.vector_load_idx %gather3A_378[%add3A_373] : memref<65488xf32, #tpu.memory_space<vmem>>[vector<16xi32>], vector<16xf32>,
            %min3A_380 = arith.minimumf %gather3A_379, %sub3A_348 : vector<16xf32>
            %mul3A_381 = arith.mulf %broadcast_in_dim3A_376, %min3A_380 : vector<16xf32>
            %add3A_382 = arith.addf %add3A_347, %mul3A_381 : vector<16xf32>
            %sub3A_383 = arith.subf %sub3A_348, %min3A_380 : vector<16xf32>
            %gather3A_384 = arith.constant 16 : i32
            %gather3A_385 = tpu.memref_slice %arg6[%gather3A_384] : memref<65536xf32, #tpu.memory_space<vmem>> -> memref<65488xf32, #tpu.memory_space<vmem>>
            %gather3A_386 = tpu.vector_load_idx %gather3A_385[%add3A_373] : memref<65488xf32, #tpu.memory_space<vmem>>[vector<16xi32>], vector<16xf32>,
            %min3A_387 = arith.minimumf %gather3A_386, %sub3A_355 : vector<16xf32>
            %mul3A_388 = arith.mulf %broadcast_in_dim3A_376, %min3A_387 : vector<16xf32>
            %add3A_389 = arith.addf %add3A_354, %mul3A_388 : vector<16xf32>
            %sub3A_390 = arith.subf %sub3A_355, %min3A_387 : vector<16xf32>
            %gather3A_391 = arith.constant 32 : i32
            %gather3A_392 = tpu.memref_slice %arg6[%gather3A_391] : memref<65536xf32, #tpu.memory_space<vmem>> -> memref<65488xf32, #tpu.memory_space<vmem>>
            %gather3A_393 = tpu.vector_load_idx %gather3A_392[%add3A_373] : memref<65488xf32, #tpu.memory_space<vmem>>[vector<16xi32>], vector<16xf32>,
            %min3A_394 = arith.minimumf %gather3A_393, %sub3A_362 : vector<16xf32>
            %mul3A_395 = arith.mulf %broadcast_in_dim3A_376, %min3A_394 : vector<16xf32>
            %add3A_396 = arith.addf %add3A_361, %mul3A_395 : vector<16xf32>
            %sub3A_397 = arith.subf %sub3A_362, %min3A_394 : vector<16xf32>
            %gather3A_398 = arith.constant 48 : i32
            %gather3A_399 = tpu.memref_slice %arg6[%gather3A_398] : memref<65536xf32, #tpu.memory_space<vmem>> -> memref<65488xf32, #tpu.memory_space<vmem>>
            %gather3A_400 = tpu.vector_load_idx %gather3A_399[%add3A_373] : memref<65488xf32, #tpu.memory_space<vmem>>[vector<16xi32>], vector<16xf32>,
            %min3A_401 = arith.minimumf %gather3A_400, %sub3A_369 : vector<16xf32>
            %mul3A_402 = arith.mulf %broadcast_in_dim3A_376, %min3A_401 : vector<16xf32>
            %add3A_403 = arith.addf %add3A_368, %mul3A_402 : vector<16xf32>
            %sub3A_404 = arith.subf %sub3A_369, %min3A_401 : vector<16xf32>
            %slice3A_405 = vector.extract_strided_slice %get3A_334 {offsets = [2], sizes = [1], strides = [1]} : vector<16xi32> to vector<1xi32>
            %squeeze3A_406 = vector.extract %slice3A_405[0] : i32 from vector<1xi32>
            %broadcast_in_dim3A_407 = vector.broadcast %squeeze3A_406 : i32 to vector<16xi32>
            %add3A_408 = arith.addi %broadcast_in_dim3A_407, %iota3A : vector<16xi32>
            %slice3A_409 = vector.extract_strided_slice %get3A_338 {offsets = [2], sizes = [1], strides = [1]} : vector<16xf32> to vector<1xf32>
            %squeeze3A_410 = vector.extract %slice3A_409[0] : f32 from vector<1xf32>
            %broadcast_in_dim3A_411 = vector.broadcast %squeeze3A_410 : f32 to vector<16xf32>
            %gather3A_412 = arith.constant 0 : i32
            %gather3A_413 = tpu.memref_slice %arg6[%gather3A_412] : memref<65536xf32, #tpu.memory_space<vmem>> -> memref<65488xf32, #tpu.memory_space<vmem>>
            %gather3A_414 = tpu.vector_load_idx %gather3A_413[%add3A_408] : memref<65488xf32, #tpu.memory_space<vmem>>[vector<16xi32>], vector<16xf32>,
            %min3A_415 = arith.minimumf %gather3A_414, %sub3A_383 : vector<16xf32>
            %mul3A_416 = arith.mulf %broadcast_in_dim3A_411, %min3A_415 : vector<16xf32>
            %add3A_417 = arith.addf %add3A_382, %mul3A_416 : vector<16xf32>
            %sub3A_418 = arith.subf %sub3A_383, %min3A_415 : vector<16xf32>
            %gather3A_419 = arith.constant 16 : i32
            %gather3A_420 = tpu.memref_slice %arg6[%gather3A_419] : memref<65536xf32, #tpu.memory_space<vmem>> -> memref<65488xf32, #tpu.memory_space<vmem>>
            %gather3A_421 = tpu.vector_load_idx %gather3A_420[%add3A_408] : memref<65488xf32, #tpu.memory_space<vmem>>[vector<16xi32>], vector<16xf32>,
            %min3A_422 = arith.minimumf %gather3A_421, %sub3A_390 : vector<16xf32>
            %mul3A_423 = arith.mulf %broadcast_in_dim3A_411, %min3A_422 : vector<16xf32>
            %add3A_424 = arith.addf %add3A_389, %mul3A_423 : vector<16xf32>
            %sub3A_425 = arith.subf %sub3A_390, %min3A_422 : vector<16xf32>
            %gather3A_426 = arith.constant 32 : i32
            %gather3A_427 = tpu.memref_slice %arg6[%gather3A_426] : memref<65536xf32, #tpu.memory_space<vmem>> -> memref<65488xf32, #tpu.memory_space<vmem>>
            %gather3A_428 = tpu.vector_load_idx %gather3A_427[%add3A_408] : memref<65488xf32, #tpu.memory_space<vmem>>[vector<16xi32>], vector<16xf32>,
            %min3A_429 = arith.minimumf %gather3A_428, %sub3A_397 : vector<16xf32>
            %mul3A_430 = arith.mulf %broadcast_in_dim3A_411, %min3A_429 : vector<16xf32>
            %add3A_431 = arith.addf %add3A_396, %mul3A_430 : vector<16xf32>
            %sub3A_432 = arith.subf %sub3A_397, %min3A_429 : vector<16xf32>
            %gather3A_433 = arith.constant 48 : i32
            %gather3A_434 = tpu.memref_slice %arg6[%gather3A_433] : memref<65536xf32, #tpu.memory_space<vmem>> -> memref<65488xf32, #tpu.memory_space<vmem>>
            %gather3A_435 = tpu.vector_load_idx %gather3A_434[%add3A_408] : memref<65488xf32, #tpu.memory_space<vmem>>[vector<16xi32>], vector<16xf32>,
            %min3A_436 = arith.minimumf %gather3A_435, %sub3A_404 : vector<16xf32>
            %mul3A_437 = arith.mulf %broadcast_in_dim3A_411, %min3A_436 : vector<16xf32>
            %add3A_438 = arith.addf %add3A_403, %mul3A_437 : vector<16xf32>
            %sub3A_439 = arith.subf %sub3A_404, %min3A_436 : vector<16xf32>
            %slice3A_440 = vector.extract_strided_slice %get3A_334 {offsets = [3], sizes = [1], strides = [1]} : vector<16xi32> to vector<1xi32>
            %squeeze3A_441 = vector.extract %slice3A_440[0] : i32 from vector<1xi32>
            %broadcast_in_dim3A_442 = vector.broadcast %squeeze3A_441 : i32 to vector<16xi32>
            %add3A_443 = arith.addi %broadcast_in_dim3A_442, %iota3A : vector<16xi32>
            %slice3A_444 = vector.extract_strided_slice %get3A_338 {offsets = [3], sizes = [1], strides = [1]} : vector<16xf32> to vector<1xf32>
            %squeeze3A_445 = vector.extract %slice3A_444[0] : f32 from vector<1xf32>
            %broadcast_in_dim3A_446 = vector.broadcast %squeeze3A_445 : f32 to vector<16xf32>
            %gather3A_447 = arith.constant 0 : i32
            %gather3A_448 = tpu.memref_slice %arg6[%gather3A_447] : memref<65536xf32, #tpu.memory_space<vmem>> -> memref<65488xf32, #tpu.memory_space<vmem>>
            %gather3A_449 = tpu.vector_load_idx %gather3A_448[%add3A_443] : memref<65488xf32, #tpu.memory_space<vmem>>[vector<16xi32>], vector<16xf32>,
            %min3A_450 = arith.minimumf %gather3A_449, %sub3A_418 : vector<16xf32>
            %mul3A_451 = arith.mulf %broadcast_in_dim3A_446, %min3A_450 : vector<16xf32>
            %add3A_452 = arith.addf %add3A_417, %mul3A_451 : vector<16xf32>
            %sub3A_453 = arith.subf %sub3A_418, %min3A_450 : vector<16xf32>
            %gather3A_454 = arith.constant 16 : i32
            %gather3A_455 = tpu.memref_slice %arg6[%gather3A_454] : memref<65536xf32, #tpu.memory_space<vmem>> -> memref<65488xf32, #tpu.memory_space<vmem>>
            %gather3A_456 = tpu.vector_load_idx %gather3A_455[%add3A_443] : memref<65488xf32, #tpu.memory_space<vmem>>[vector<16xi32>], vector<16xf32>,
            %min3A_457 = arith.minimumf %gather3A_456, %sub3A_425 : vector<16xf32>
            %mul3A_458 = arith.mulf %broadcast_in_dim3A_446, %min3A_457 : vector<16xf32>
            %add3A_459 = arith.addf %add3A_424, %mul3A_458 : vector<16xf32>
            %sub3A_460 = arith.subf %sub3A_425, %min3A_457 : vector<16xf32>
            %gather3A_461 = arith.constant 32 : i32
            %gather3A_462 = tpu.memref_slice %arg6[%gather3A_461] : memref<65536xf32, #tpu.memory_space<vmem>> -> memref<65488xf32, #tpu.memory_space<vmem>>
            %gather3A_463 = tpu.vector_load_idx %gather3A_462[%add3A_443] : memref<65488xf32, #tpu.memory_space<vmem>>[vector<16xi32>], vector<16xf32>,
            %min3A_464 = arith.minimumf %gather3A_463, %sub3A_432 : vector<16xf32>
            %mul3A_465 = arith.mulf %broadcast_in_dim3A_446, %min3A_464 : vector<16xf32>
            %add3A_466 = arith.addf %add3A_431, %mul3A_465 : vector<16xf32>
            %sub3A_467 = arith.subf %sub3A_432, %min3A_464 : vector<16xf32>
            %gather3A_468 = arith.constant 48 : i32
            %gather3A_469 = tpu.memref_slice %arg6[%gather3A_468] : memref<65536xf32, #tpu.memory_space<vmem>> -> memref<65488xf32, #tpu.memory_space<vmem>>
            %gather3A_470 = tpu.vector_load_idx %gather3A_469[%add3A_443] : memref<65488xf32, #tpu.memory_space<vmem>>[vector<16xi32>], vector<16xf32>,
            %min3A_471 = arith.minimumf %gather3A_470, %sub3A_439 : vector<16xf32>
            %mul3A_472 = arith.mulf %broadcast_in_dim3A_446, %min3A_471 : vector<16xf32>
            %add3A_473 = arith.addf %add3A_438, %mul3A_472 : vector<16xf32>
            %sub3A_474 = arith.subf %sub3A_439, %min3A_471 : vector<16xf32>
            %slice3A_475 = vector.extract_strided_slice %get3A_334 {offsets = [4], sizes = [1], strides = [1]} : vector<16xi32> to vector<1xi32>
            %squeeze3A_476 = vector.extract %slice3A_475[0] : i32 from vector<1xi32>
            %broadcast_in_dim3A_477 = vector.broadcast %squeeze3A_476 : i32 to vector<16xi32>
            %add3A_478 = arith.addi %broadcast_in_dim3A_477, %iota3A : vector<16xi32>
            %slice3A_479 = vector.extract_strided_slice %get3A_338 {offsets = [4], sizes = [1], strides = [1]} : vector<16xf32> to vector<1xf32>
            %squeeze3A_480 = vector.extract %slice3A_479[0] : f32 from vector<1xf32>
            %broadcast_in_dim3A_481 = vector.broadcast %squeeze3A_480 : f32 to vector<16xf32>
            %gather3A_482 = arith.constant 0 : i32
            %gather3A_483 = tpu.memref_slice %arg6[%gather3A_482] : memref<65536xf32, #tpu.memory_space<vmem>> -> memref<65488xf32, #tpu.memory_space<vmem>>
            %gather3A_484 = tpu.vector_load_idx %gather3A_483[%add3A_478] : memref<65488xf32, #tpu.memory_space<vmem>>[vector<16xi32>], vector<16xf32>,
            %min3A_485 = arith.minimumf %gather3A_484, %sub3A_453 : vector<16xf32>
            %mul3A_486 = arith.mulf %broadcast_in_dim3A_481, %min3A_485 : vector<16xf32>
            %add3A_487 = arith.addf %add3A_452, %mul3A_486 : vector<16xf32>
            %sub3A_488 = arith.subf %sub3A_453, %min3A_485 : vector<16xf32>
            %gather3A_489 = arith.constant 16 : i32
            %gather3A_490 = tpu.memref_slice %arg6[%gather3A_489] : memref<65536xf32, #tpu.memory_space<vmem>> -> memref<65488xf32, #tpu.memory_space<vmem>>
            %gather3A_491 = tpu.vector_load_idx %gather3A_490[%add3A_478] : memref<65488xf32, #tpu.memory_space<vmem>>[vector<16xi32>], vector<16xf32>,
            %min3A_492 = arith.minimumf %gather3A_491, %sub3A_460 : vector<16xf32>
            %mul3A_493 = arith.mulf %broadcast_in_dim3A_481, %min3A_492 : vector<16xf32>
            %add3A_494 = arith.addf %add3A_459, %mul3A_493 : vector<16xf32>
            %sub3A_495 = arith.subf %sub3A_460, %min3A_492 : vector<16xf32>
            %gather3A_496 = arith.constant 32 : i32
            %gather3A_497 = tpu.memref_slice %arg6[%gather3A_496] : memref<65536xf32, #tpu.memory_space<vmem>> -> memref<65488xf32, #tpu.memory_space<vmem>>
            %gather3A_498 = tpu.vector_load_idx %gather3A_497[%add3A_478] : memref<65488xf32, #tpu.memory_space<vmem>>[vector<16xi32>], vector<16xf32>,
            %min3A_499 = arith.minimumf %gather3A_498, %sub3A_467 : vector<16xf32>
            %mul3A_500 = arith.mulf %broadcast_in_dim3A_481, %min3A_499 : vector<16xf32>
            %add3A_501 = arith.addf %add3A_466, %mul3A_500 : vector<16xf32>
            %sub3A_502 = arith.subf %sub3A_467, %min3A_499 : vector<16xf32>
            %gather3A_503 = arith.constant 48 : i32
            %gather3A_504 = tpu.memref_slice %arg6[%gather3A_503] : memref<65536xf32, #tpu.memory_space<vmem>> -> memref<65488xf32, #tpu.memory_space<vmem>>
            %gather3A_505 = tpu.vector_load_idx %gather3A_504[%add3A_478] : memref<65488xf32, #tpu.memory_space<vmem>>[vector<16xi32>], vector<16xf32>,
            %min3A_506 = arith.minimumf %gather3A_505, %sub3A_474 : vector<16xf32>
            %mul3A_507 = arith.mulf %broadcast_in_dim3A_481, %min3A_506 : vector<16xf32>
            %add3A_508 = arith.addf %add3A_473, %mul3A_507 : vector<16xf32>
            %sub3A_509 = arith.subf %sub3A_474, %min3A_506 : vector<16xf32>
            %slice3A_510 = vector.extract_strided_slice %get3A_334 {offsets = [5], sizes = [1], strides = [1]} : vector<16xi32> to vector<1xi32>
            %squeeze3A_511 = vector.extract %slice3A_510[0] : i32 from vector<1xi32>
            %broadcast_in_dim3A_512 = vector.broadcast %squeeze3A_511 : i32 to vector<16xi32>
            %add3A_513 = arith.addi %broadcast_in_dim3A_512, %iota3A : vector<16xi32>
            %slice3A_514 = vector.extract_strided_slice %get3A_338 {offsets = [5], sizes = [1], strides = [1]} : vector<16xf32> to vector<1xf32>
            %squeeze3A_515 = vector.extract %slice3A_514[0] : f32 from vector<1xf32>
            %broadcast_in_dim3A_516 = vector.broadcast %squeeze3A_515 : f32 to vector<16xf32>
            %gather3A_517 = arith.constant 0 : i32
            %gather3A_518 = tpu.memref_slice %arg6[%gather3A_517] : memref<65536xf32, #tpu.memory_space<vmem>> -> memref<65488xf32, #tpu.memory_space<vmem>>
            %gather3A_519 = tpu.vector_load_idx %gather3A_518[%add3A_513] : memref<65488xf32, #tpu.memory_space<vmem>>[vector<16xi32>], vector<16xf32>,
            %min3A_520 = arith.minimumf %gather3A_519, %sub3A_488 : vector<16xf32>
            %mul3A_521 = arith.mulf %broadcast_in_dim3A_516, %min3A_520 : vector<16xf32>
            %add3A_522 = arith.addf %add3A_487, %mul3A_521 : vector<16xf32>
            %sub3A_523 = arith.subf %sub3A_488, %min3A_520 : vector<16xf32>
            %gather3A_524 = arith.constant 16 : i32
            %gather3A_525 = tpu.memref_slice %arg6[%gather3A_524] : memref<65536xf32, #tpu.memory_space<vmem>> -> memref<65488xf32, #tpu.memory_space<vmem>>
            %gather3A_526 = tpu.vector_load_idx %gather3A_525[%add3A_513] : memref<65488xf32, #tpu.memory_space<vmem>>[vector<16xi32>], vector<16xf32>,
            %min3A_527 = arith.minimumf %gather3A_526, %sub3A_495 : vector<16xf32>
            %mul3A_528 = arith.mulf %broadcast_in_dim3A_516, %min3A_527 : vector<16xf32>
            %add3A_529 = arith.addf %add3A_494, %mul3A_528 : vector<16xf32>
            %sub3A_530 = arith.subf %sub3A_495, %min3A_527 : vector<16xf32>
            %gather3A_531 = arith.constant 32 : i32
            %gather3A_532 = tpu.memref_slice %arg6[%gather3A_531] : memref<65536xf32, #tpu.memory_space<vmem>> -> memref<65488xf32, #tpu.memory_space<vmem>>
            %gather3A_533 = tpu.vector_load_idx %gather3A_532[%add3A_513] : memref<65488xf32, #tpu.memory_space<vmem>>[vector<16xi32>], vector<16xf32>,
            %min3A_534 = arith.minimumf %gather3A_533, %sub3A_502 : vector<16xf32>
            %mul3A_535 = arith.mulf %broadcast_in_dim3A_516, %min3A_534 : vector<16xf32>
            %add3A_536 = arith.addf %add3A_501, %mul3A_535 : vector<16xf32>
            %sub3A_537 = arith.subf %sub3A_502, %min3A_534 : vector<16xf32>
            %gather3A_538 = arith.constant 48 : i32
            %gather3A_539 = tpu.memref_slice %arg6[%gather3A_538] : memref<65536xf32, #tpu.memory_space<vmem>> -> memref<65488xf32, #tpu.memory_space<vmem>>
            %gather3A_540 = tpu.vector_load_idx %gather3A_539[%add3A_513] : memref<65488xf32, #tpu.memory_space<vmem>>[vector<16xi32>], vector<16xf32>,
            %min3A_541 = arith.minimumf %gather3A_540, %sub3A_509 : vector<16xf32>
            %mul3A_542 = arith.mulf %broadcast_in_dim3A_516, %min3A_541 : vector<16xf32>
            %add3A_543 = arith.addf %add3A_508, %mul3A_542 : vector<16xf32>
            %sub3A_544 = arith.subf %sub3A_509, %min3A_541 : vector<16xf32>
            %slice3A_545 = vector.extract_strided_slice %get3A_334 {offsets = [6], sizes = [1], strides = [1]} : vector<16xi32> to vector<1xi32>
            %squeeze3A_546 = vector.extract %slice3A_545[0] : i32 from vector<1xi32>
            %broadcast_in_dim3A_547 = vector.broadcast %squeeze3A_546 : i32 to vector<16xi32>
            %add3A_548 = arith.addi %broadcast_in_dim3A_547, %iota3A : vector<16xi32>
            %slice3A_549 = vector.extract_strided_slice %get3A_338 {offsets = [6], sizes = [1], strides = [1]} : vector<16xf32> to vector<1xf32>
            %squeeze3A_550 = vector.extract %slice3A_549[0] : f32 from vector<1xf32>
            %broadcast_in_dim3A_551 = vector.broadcast %squeeze3A_550 : f32 to vector<16xf32>
            %gather3A_552 = arith.constant 0 : i32
            %gather3A_553 = tpu.memref_slice %arg6[%gather3A_552] : memref<65536xf32, #tpu.memory_space<vmem>> -> memref<65488xf32, #tpu.memory_space<vmem>>
            %gather3A_554 = tpu.vector_load_idx %gather3A_553[%add3A_548] : memref<65488xf32, #tpu.memory_space<vmem>>[vector<16xi32>], vector<16xf32>,
            %min3A_555 = arith.minimumf %gather3A_554, %sub3A_523 : vector<16xf32>
            %mul3A_556 = arith.mulf %broadcast_in_dim3A_551, %min3A_555 : vector<16xf32>
            %add3A_557 = arith.addf %add3A_522, %mul3A_556 : vector<16xf32>
            %sub3A_558 = arith.subf %sub3A_523, %min3A_555 : vector<16xf32>
            %gather3A_559 = arith.constant 16 : i32
            %gather3A_560 = tpu.memref_slice %arg6[%gather3A_559] : memref<65536xf32, #tpu.memory_space<vmem>> -> memref<65488xf32, #tpu.memory_space<vmem>>
            %gather3A_561 = tpu.vector_load_idx %gather3A_560[%add3A_548] : memref<65488xf32, #tpu.memory_space<vmem>>[vector<16xi32>], vector<16xf32>,
            %min3A_562 = arith.minimumf %gather3A_561, %sub3A_530 : vector<16xf32>
            %mul3A_563 = arith.mulf %broadcast_in_dim3A_551, %min3A_562 : vector<16xf32>
            %add3A_564 = arith.addf %add3A_529, %mul3A_563 : vector<16xf32>
            %sub3A_565 = arith.subf %sub3A_530, %min3A_562 : vector<16xf32>
            %gather3A_566 = arith.constant 32 : i32
            %gather3A_567 = tpu.memref_slice %arg6[%gather3A_566] : memref<65536xf32, #tpu.memory_space<vmem>> -> memref<65488xf32, #tpu.memory_space<vmem>>
            %gather3A_568 = tpu.vector_load_idx %gather3A_567[%add3A_548] : memref<65488xf32, #tpu.memory_space<vmem>>[vector<16xi32>], vector<16xf32>,
            %min3A_569 = arith.minimumf %gather3A_568, %sub3A_537 : vector<16xf32>
            %mul3A_570 = arith.mulf %broadcast_in_dim3A_551, %min3A_569 : vector<16xf32>
            %add3A_571 = arith.addf %add3A_536, %mul3A_570 : vector<16xf32>
            %sub3A_572 = arith.subf %sub3A_537, %min3A_569 : vector<16xf32>
            %gather3A_573 = arith.constant 48 : i32
            %gather3A_574 = tpu.memref_slice %arg6[%gather3A_573] : memref<65536xf32, #tpu.memory_space<vmem>> -> memref<65488xf32, #tpu.memory_space<vmem>>
            %gather3A_575 = tpu.vector_load_idx %gather3A_574[%add3A_548] : memref<65488xf32, #tpu.memory_space<vmem>>[vector<16xi32>], vector<16xf32>,
            %min3A_576 = arith.minimumf %gather3A_575, %sub3A_544 : vector<16xf32>
            %mul3A_577 = arith.mulf %broadcast_in_dim3A_551, %min3A_576 : vector<16xf32>
            %add3A_578 = arith.addf %add3A_543, %mul3A_577 : vector<16xf32>
            %sub3A_579 = arith.subf %sub3A_544, %min3A_576 : vector<16xf32>
            %slice3A_580 = vector.extract_strided_slice %get3A_334 {offsets = [7], sizes = [1], strides = [1]} : vector<16xi32> to vector<1xi32>
            %squeeze3A_581 = vector.extract %slice3A_580[0] : i32 from vector<1xi32>
            %broadcast_in_dim3A_582 = vector.broadcast %squeeze3A_581 : i32 to vector<16xi32>
            %add3A_583 = arith.addi %broadcast_in_dim3A_582, %iota3A : vector<16xi32>
            %slice3A_584 = vector.extract_strided_slice %get3A_338 {offsets = [7], sizes = [1], strides = [1]} : vector<16xf32> to vector<1xf32>
            %squeeze3A_585 = vector.extract %slice3A_584[0] : f32 from vector<1xf32>
            %broadcast_in_dim3A_586 = vector.broadcast %squeeze3A_585 : f32 to vector<16xf32>
            %gather3A_587 = arith.constant 0 : i32
            %gather3A_588 = tpu.memref_slice %arg6[%gather3A_587] : memref<65536xf32, #tpu.memory_space<vmem>> -> memref<65488xf32, #tpu.memory_space<vmem>>
            %gather3A_589 = tpu.vector_load_idx %gather3A_588[%add3A_583] : memref<65488xf32, #tpu.memory_space<vmem>>[vector<16xi32>], vector<16xf32>,
            %min3A_590 = arith.minimumf %gather3A_589, %sub3A_558 : vector<16xf32>
            %mul3A_591 = arith.mulf %broadcast_in_dim3A_586, %min3A_590 : vector<16xf32>
            %add3A_592 = arith.addf %add3A_557, %mul3A_591 : vector<16xf32>
            %sub3A_593 = arith.subf %sub3A_558, %min3A_590 : vector<16xf32>
            %gather3A_594 = arith.constant 16 : i32
            %gather3A_595 = tpu.memref_slice %arg6[%gather3A_594] : memref<65536xf32, #tpu.memory_space<vmem>> -> memref<65488xf32, #tpu.memory_space<vmem>>
            %gather3A_596 = tpu.vector_load_idx %gather3A_595[%add3A_583] : memref<65488xf32, #tpu.memory_space<vmem>>[vector<16xi32>], vector<16xf32>,
            %min3A_597 = arith.minimumf %gather3A_596, %sub3A_565 : vector<16xf32>
            %mul3A_598 = arith.mulf %broadcast_in_dim3A_586, %min3A_597 : vector<16xf32>
            %add3A_599 = arith.addf %add3A_564, %mul3A_598 : vector<16xf32>
            %sub3A_600 = arith.subf %sub3A_565, %min3A_597 : vector<16xf32>
            %gather3A_601 = arith.constant 32 : i32
            %gather3A_602 = tpu.memref_slice %arg6[%gather3A_601] : memref<65536xf32, #tpu.memory_space<vmem>> -> memref<65488xf32, #tpu.memory_space<vmem>>
            %gather3A_603 = tpu.vector_load_idx %gather3A_602[%add3A_583] : memref<65488xf32, #tpu.memory_space<vmem>>[vector<16xi32>], vector<16xf32>,
            %min3A_604 = arith.minimumf %gather3A_603, %sub3A_572 : vector<16xf32>
            %mul3A_605 = arith.mulf %broadcast_in_dim3A_586, %min3A_604 : vector<16xf32>
            %add3A_606 = arith.addf %add3A_571, %mul3A_605 : vector<16xf32>
            %sub3A_607 = arith.subf %sub3A_572, %min3A_604 : vector<16xf32>
            %gather3A_608 = arith.constant 48 : i32
            %gather3A_609 = tpu.memref_slice %arg6[%gather3A_608] : memref<65536xf32, #tpu.memory_space<vmem>> -> memref<65488xf32, #tpu.memory_space<vmem>>
            %gather3A_610 = tpu.vector_load_idx %gather3A_609[%add3A_583] : memref<65488xf32, #tpu.memory_space<vmem>>[vector<16xi32>], vector<16xf32>,
            %min3A_611 = arith.minimumf %gather3A_610, %sub3A_579 : vector<16xf32>
            %mul3A_612 = arith.mulf %broadcast_in_dim3A_586, %min3A_611 : vector<16xf32>
            %add3A_613 = arith.addf %add3A_578, %mul3A_612 : vector<16xf32>
            %sub3A_614 = arith.subf %sub3A_579, %min3A_611 : vector<16xf32>
            %slice3A_615 = vector.extract_strided_slice %get3A_334 {offsets = [8], sizes = [1], strides = [1]} : vector<16xi32> to vector<1xi32>
            %squeeze3A_616 = vector.extract %slice3A_615[0] : i32 from vector<1xi32>
            %broadcast_in_dim3A_617 = vector.broadcast %squeeze3A_616 : i32 to vector<16xi32>
            %add3A_618 = arith.addi %broadcast_in_dim3A_617, %iota3A : vector<16xi32>
            %slice3A_619 = vector.extract_strided_slice %get3A_338 {offsets = [8], sizes = [1], strides = [1]} : vector<16xf32> to vector<1xf32>
            %squeeze3A_620 = vector.extract %slice3A_619[0] : f32 from vector<1xf32>
            %broadcast_in_dim3A_621 = vector.broadcast %squeeze3A_620 : f32 to vector<16xf32>
            %gather3A_622 = arith.constant 0 : i32
            %gather3A_623 = tpu.memref_slice %arg6[%gather3A_622] : memref<65536xf32, #tpu.memory_space<vmem>> -> memref<65488xf32, #tpu.memory_space<vmem>>
            %gather3A_624 = tpu.vector_load_idx %gather3A_623[%add3A_618] : memref<65488xf32, #tpu.memory_space<vmem>>[vector<16xi32>], vector<16xf32>,
            %min3A_625 = arith.minimumf %gather3A_624, %sub3A_593 : vector<16xf32>
            %mul3A_626 = arith.mulf %broadcast_in_dim3A_621, %min3A_625 : vector<16xf32>
            %add3A_627 = arith.addf %add3A_592, %mul3A_626 : vector<16xf32>
            %sub3A_628 = arith.subf %sub3A_593, %min3A_625 : vector<16xf32>
            %gather3A_629 = arith.constant 16 : i32
            %gather3A_630 = tpu.memref_slice %arg6[%gather3A_629] : memref<65536xf32, #tpu.memory_space<vmem>> -> memref<65488xf32, #tpu.memory_space<vmem>>
            %gather3A_631 = tpu.vector_load_idx %gather3A_630[%add3A_618] : memref<65488xf32, #tpu.memory_space<vmem>>[vector<16xi32>], vector<16xf32>,
            %min3A_632 = arith.minimumf %gather3A_631, %sub3A_600 : vector<16xf32>
            %mul3A_633 = arith.mulf %broadcast_in_dim3A_621, %min3A_632 : vector<16xf32>
            %add3A_634 = arith.addf %add3A_599, %mul3A_633 : vector<16xf32>
            %sub3A_635 = arith.subf %sub3A_600, %min3A_632 : vector<16xf32>
            %gather3A_636 = arith.constant 32 : i32
            %gather3A_637 = tpu.memref_slice %arg6[%gather3A_636] : memref<65536xf32, #tpu.memory_space<vmem>> -> memref<65488xf32, #tpu.memory_space<vmem>>
            %gather3A_638 = tpu.vector_load_idx %gather3A_637[%add3A_618] : memref<65488xf32, #tpu.memory_space<vmem>>[vector<16xi32>], vector<16xf32>,
            %min3A_639 = arith.minimumf %gather3A_638, %sub3A_607 : vector<16xf32>
            %mul3A_640 = arith.mulf %broadcast_in_dim3A_621, %min3A_639 : vector<16xf32>
            %add3A_641 = arith.addf %add3A_606, %mul3A_640 : vector<16xf32>
            %sub3A_642 = arith.subf %sub3A_607, %min3A_639 : vector<16xf32>
            %gather3A_643 = arith.constant 48 : i32
            %gather3A_644 = tpu.memref_slice %arg6[%gather3A_643] : memref<65536xf32, #tpu.memory_space<vmem>> -> memref<65488xf32, #tpu.memory_space<vmem>>
            %gather3A_645 = tpu.vector_load_idx %gather3A_644[%add3A_618] : memref<65488xf32, #tpu.memory_space<vmem>>[vector<16xi32>], vector<16xf32>,
            %min3A_646 = arith.minimumf %gather3A_645, %sub3A_614 : vector<16xf32>
            %mul3A_647 = arith.mulf %broadcast_in_dim3A_621, %min3A_646 : vector<16xf32>
            %add3A_648 = arith.addf %add3A_613, %mul3A_647 : vector<16xf32>
            %sub3A_649 = arith.subf %sub3A_614, %min3A_646 : vector<16xf32>
            %slice3A_650 = vector.extract_strided_slice %get3A_334 {offsets = [9], sizes = [1], strides = [1]} : vector<16xi32> to vector<1xi32>
            %squeeze3A_651 = vector.extract %slice3A_650[0] : i32 from vector<1xi32>
            %broadcast_in_dim3A_652 = vector.broadcast %squeeze3A_651 : i32 to vector<16xi32>
            %add3A_653 = arith.addi %broadcast_in_dim3A_652, %iota3A : vector<16xi32>
            %slice3A_654 = vector.extract_strided_slice %get3A_338 {offsets = [9], sizes = [1], strides = [1]} : vector<16xf32> to vector<1xf32>
            %squeeze3A_655 = vector.extract %slice3A_654[0] : f32 from vector<1xf32>
            %broadcast_in_dim3A_656 = vector.broadcast %squeeze3A_655 : f32 to vector<16xf32>
            %gather3A_657 = arith.constant 0 : i32
            %gather3A_658 = tpu.memref_slice %arg6[%gather3A_657] : memref<65536xf32, #tpu.memory_space<vmem>> -> memref<65488xf32, #tpu.memory_space<vmem>>
            %gather3A_659 = tpu.vector_load_idx %gather3A_658[%add3A_653] : memref<65488xf32, #tpu.memory_space<vmem>>[vector<16xi32>], vector<16xf32>,
            %min3A_660 = arith.minimumf %gather3A_659, %sub3A_628 : vector<16xf32>
            %mul3A_661 = arith.mulf %broadcast_in_dim3A_656, %min3A_660 : vector<16xf32>
            %add3A_662 = arith.addf %add3A_627, %mul3A_661 : vector<16xf32>
            %sub3A_663 = arith.subf %sub3A_628, %min3A_660 : vector<16xf32>
            %gather3A_664 = arith.constant 16 : i32
            %gather3A_665 = tpu.memref_slice %arg6[%gather3A_664] : memref<65536xf32, #tpu.memory_space<vmem>> -> memref<65488xf32, #tpu.memory_space<vmem>>
            %gather3A_666 = tpu.vector_load_idx %gather3A_665[%add3A_653] : memref<65488xf32, #tpu.memory_space<vmem>>[vector<16xi32>], vector<16xf32>,
            %min3A_667 = arith.minimumf %gather3A_666, %sub3A_635 : vector<16xf32>
            %mul3A_668 = arith.mulf %broadcast_in_dim3A_656, %min3A_667 : vector<16xf32>
            %add3A_669 = arith.addf %add3A_634, %mul3A_668 : vector<16xf32>
            %sub3A_670 = arith.subf %sub3A_635, %min3A_667 : vector<16xf32>
            %gather3A_671 = arith.constant 32 : i32
            %gather3A_672 = tpu.memref_slice %arg6[%gather3A_671] : memref<65536xf32, #tpu.memory_space<vmem>> -> memref<65488xf32, #tpu.memory_space<vmem>>
            %gather3A_673 = tpu.vector_load_idx %gather3A_672[%add3A_653] : memref<65488xf32, #tpu.memory_space<vmem>>[vector<16xi32>], vector<16xf32>,
            %min3A_674 = arith.minimumf %gather3A_673, %sub3A_642 : vector<16xf32>
            %mul3A_675 = arith.mulf %broadcast_in_dim3A_656, %min3A_674 : vector<16xf32>
            %add3A_676 = arith.addf %add3A_641, %mul3A_675 : vector<16xf32>
            %sub3A_677 = arith.subf %sub3A_642, %min3A_674 : vector<16xf32>
            %gather3A_678 = arith.constant 48 : i32
            %gather3A_679 = tpu.memref_slice %arg6[%gather3A_678] : memref<65536xf32, #tpu.memory_space<vmem>> -> memref<65488xf32, #tpu.memory_space<vmem>>
            %gather3A_680 = tpu.vector_load_idx %gather3A_679[%add3A_653] : memref<65488xf32, #tpu.memory_space<vmem>>[vector<16xi32>], vector<16xf32>,
            %min3A_681 = arith.minimumf %gather3A_680, %sub3A_649 : vector<16xf32>
            %mul3A_682 = arith.mulf %broadcast_in_dim3A_656, %min3A_681 : vector<16xf32>
            %add3A_683 = arith.addf %add3A_648, %mul3A_682 : vector<16xf32>
            %sub3A_684 = arith.subf %sub3A_649, %min3A_681 : vector<16xf32>
            %slice3A_685 = vector.extract_strided_slice %get3A_334 {offsets = [10], sizes = [1], strides = [1]} : vector<16xi32> to vector<1xi32>
            %squeeze3A_686 = vector.extract %slice3A_685[0] : i32 from vector<1xi32>
            %broadcast_in_dim3A_687 = vector.broadcast %squeeze3A_686 : i32 to vector<16xi32>
            %add3A_688 = arith.addi %broadcast_in_dim3A_687, %iota3A : vector<16xi32>
            %slice3A_689 = vector.extract_strided_slice %get3A_338 {offsets = [10], sizes = [1], strides = [1]} : vector<16xf32> to vector<1xf32>
            %squeeze3A_690 = vector.extract %slice3A_689[0] : f32 from vector<1xf32>
            %broadcast_in_dim3A_691 = vector.broadcast %squeeze3A_690 : f32 to vector<16xf32>
            %gather3A_692 = arith.constant 0 : i32
            %gather3A_693 = tpu.memref_slice %arg6[%gather3A_692] : memref<65536xf32, #tpu.memory_space<vmem>> -> memref<65488xf32, #tpu.memory_space<vmem>>
            %gather3A_694 = tpu.vector_load_idx %gather3A_693[%add3A_688] : memref<65488xf32, #tpu.memory_space<vmem>>[vector<16xi32>], vector<16xf32>,
            %min3A_695 = arith.minimumf %gather3A_694, %sub3A_663 : vector<16xf32>
            %mul3A_696 = arith.mulf %broadcast_in_dim3A_691, %min3A_695 : vector<16xf32>
            %add3A_697 = arith.addf %add3A_662, %mul3A_696 : vector<16xf32>
            %sub3A_698 = arith.subf %sub3A_663, %min3A_695 : vector<16xf32>
            %gather3A_699 = arith.constant 16 : i32
            %gather3A_700 = tpu.memref_slice %arg6[%gather3A_699] : memref<65536xf32, #tpu.memory_space<vmem>> -> memref<65488xf32, #tpu.memory_space<vmem>>
            %gather3A_701 = tpu.vector_load_idx %gather3A_700[%add3A_688] : memref<65488xf32, #tpu.memory_space<vmem>>[vector<16xi32>], vector<16xf32>,
            %min3A_702 = arith.minimumf %gather3A_701, %sub3A_670 : vector<16xf32>
            %mul3A_703 = arith.mulf %broadcast_in_dim3A_691, %min3A_702 : vector<16xf32>
            %add3A_704 = arith.addf %add3A_669, %mul3A_703 : vector<16xf32>
            %sub3A_705 = arith.subf %sub3A_670, %min3A_702 : vector<16xf32>
            %gather3A_706 = arith.constant 32 : i32
            %gather3A_707 = tpu.memref_slice %arg6[%gather3A_706] : memref<65536xf32, #tpu.memory_space<vmem>> -> memref<65488xf32, #tpu.memory_space<vmem>>
            %gather3A_708 = tpu.vector_load_idx %gather3A_707[%add3A_688] : memref<65488xf32, #tpu.memory_space<vmem>>[vector<16xi32>], vector<16xf32>,
            %min3A_709 = arith.minimumf %gather3A_708, %sub3A_677 : vector<16xf32>
            %mul3A_710 = arith.mulf %broadcast_in_dim3A_691, %min3A_709 : vector<16xf32>
            %add3A_711 = arith.addf %add3A_676, %mul3A_710 : vector<16xf32>
            %sub3A_712 = arith.subf %sub3A_677, %min3A_709 : vector<16xf32>
            %gather3A_713 = arith.constant 48 : i32
            %gather3A_714 = tpu.memref_slice %arg6[%gather3A_713] : memref<65536xf32, #tpu.memory_space<vmem>> -> memref<65488xf32, #tpu.memory_space<vmem>>
            %gather3A_715 = tpu.vector_load_idx %gather3A_714[%add3A_688] : memref<65488xf32, #tpu.memory_space<vmem>>[vector<16xi32>], vector<16xf32>,
            %min3A_716 = arith.minimumf %gather3A_715, %sub3A_684 : vector<16xf32>
            %mul3A_717 = arith.mulf %broadcast_in_dim3A_691, %min3A_716 : vector<16xf32>
            %add3A_718 = arith.addf %add3A_683, %mul3A_717 : vector<16xf32>
            %sub3A_719 = arith.subf %sub3A_684, %min3A_716 : vector<16xf32>
            %slice3A_720 = vector.extract_strided_slice %get3A_334 {offsets = [11], sizes = [1], strides = [1]} : vector<16xi32> to vector<1xi32>
            %squeeze3A_721 = vector.extract %slice3A_720[0] : i32 from vector<1xi32>
            %broadcast_in_dim3A_722 = vector.broadcast %squeeze3A_721 : i32 to vector<16xi32>
            %add3A_723 = arith.addi %broadcast_in_dim3A_722, %iota3A : vector<16xi32>
            %slice3A_724 = vector.extract_strided_slice %get3A_338 {offsets = [11], sizes = [1], strides = [1]} : vector<16xf32> to vector<1xf32>
            %squeeze3A_725 = vector.extract %slice3A_724[0] : f32 from vector<1xf32>
            %broadcast_in_dim3A_726 = vector.broadcast %squeeze3A_725 : f32 to vector<16xf32>
            %gather3A_727 = arith.constant 0 : i32
            %gather3A_728 = tpu.memref_slice %arg6[%gather3A_727] : memref<65536xf32, #tpu.memory_space<vmem>> -> memref<65488xf32, #tpu.memory_space<vmem>>
            %gather3A_729 = tpu.vector_load_idx %gather3A_728[%add3A_723] : memref<65488xf32, #tpu.memory_space<vmem>>[vector<16xi32>], vector<16xf32>,
            %min3A_730 = arith.minimumf %gather3A_729, %sub3A_698 : vector<16xf32>
            %mul3A_731 = arith.mulf %broadcast_in_dim3A_726, %min3A_730 : vector<16xf32>
            %add3A_732 = arith.addf %add3A_697, %mul3A_731 : vector<16xf32>
            %sub3A_733 = arith.subf %sub3A_698, %min3A_730 : vector<16xf32>
            %gather3A_734 = arith.constant 16 : i32
            %gather3A_735 = tpu.memref_slice %arg6[%gather3A_734] : memref<65536xf32, #tpu.memory_space<vmem>> -> memref<65488xf32, #tpu.memory_space<vmem>>
            %gather3A_736 = tpu.vector_load_idx %gather3A_735[%add3A_723] : memref<65488xf32, #tpu.memory_space<vmem>>[vector<16xi32>], vector<16xf32>,
            %min3A_737 = arith.minimumf %gather3A_736, %sub3A_705 : vector<16xf32>
            %mul3A_738 = arith.mulf %broadcast_in_dim3A_726, %min3A_737 : vector<16xf32>
            %add3A_739 = arith.addf %add3A_704, %mul3A_738 : vector<16xf32>
            %sub3A_740 = arith.subf %sub3A_705, %min3A_737 : vector<16xf32>
            %gather3A_741 = arith.constant 32 : i32
            %gather3A_742 = tpu.memref_slice %arg6[%gather3A_741] : memref<65536xf32, #tpu.memory_space<vmem>> -> memref<65488xf32, #tpu.memory_space<vmem>>
            %gather3A_743 = tpu.vector_load_idx %gather3A_742[%add3A_723] : memref<65488xf32, #tpu.memory_space<vmem>>[vector<16xi32>], vector<16xf32>,
            %min3A_744 = arith.minimumf %gather3A_743, %sub3A_712 : vector<16xf32>
            %mul3A_745 = arith.mulf %broadcast_in_dim3A_726, %min3A_744 : vector<16xf32>
            %add3A_746 = arith.addf %add3A_711, %mul3A_745 : vector<16xf32>
            %sub3A_747 = arith.subf %sub3A_712, %min3A_744 : vector<16xf32>
            %gather3A_748 = arith.constant 48 : i32
            %gather3A_749 = tpu.memref_slice %arg6[%gather3A_748] : memref<65536xf32, #tpu.memory_space<vmem>> -> memref<65488xf32, #tpu.memory_space<vmem>>
            %gather3A_750 = tpu.vector_load_idx %gather3A_749[%add3A_723] : memref<65488xf32, #tpu.memory_space<vmem>>[vector<16xi32>], vector<16xf32>,
            %min3A_751 = arith.minimumf %gather3A_750, %sub3A_719 : vector<16xf32>
            %mul3A_752 = arith.mulf %broadcast_in_dim3A_726, %min3A_751 : vector<16xf32>
            %add3A_753 = arith.addf %add3A_718, %mul3A_752 : vector<16xf32>
            %sub3A_754 = arith.subf %sub3A_719, %min3A_751 : vector<16xf32>
            %slice3A_755 = vector.extract_strided_slice %get3A_334 {offsets = [12], sizes = [1], strides = [1]} : vector<16xi32> to vector<1xi32>
            %squeeze3A_756 = vector.extract %slice3A_755[0] : i32 from vector<1xi32>
            %broadcast_in_dim3A_757 = vector.broadcast %squeeze3A_756 : i32 to vector<16xi32>
            %add3A_758 = arith.addi %broadcast_in_dim3A_757, %iota3A : vector<16xi32>
            %slice3A_759 = vector.extract_strided_slice %get3A_338 {offsets = [12], sizes = [1], strides = [1]} : vector<16xf32> to vector<1xf32>
            %squeeze3A_760 = vector.extract %slice3A_759[0] : f32 from vector<1xf32>
            %broadcast_in_dim3A_761 = vector.broadcast %squeeze3A_760 : f32 to vector<16xf32>
            %gather3A_762 = arith.constant 0 : i32
            %gather3A_763 = tpu.memref_slice %arg6[%gather3A_762] : memref<65536xf32, #tpu.memory_space<vmem>> -> memref<65488xf32, #tpu.memory_space<vmem>>
            %gather3A_764 = tpu.vector_load_idx %gather3A_763[%add3A_758] : memref<65488xf32, #tpu.memory_space<vmem>>[vector<16xi32>], vector<16xf32>,
            %min3A_765 = arith.minimumf %gather3A_764, %sub3A_733 : vector<16xf32>
            %mul3A_766 = arith.mulf %broadcast_in_dim3A_761, %min3A_765 : vector<16xf32>
            %add3A_767 = arith.addf %add3A_732, %mul3A_766 : vector<16xf32>
            %sub3A_768 = arith.subf %sub3A_733, %min3A_765 : vector<16xf32>
            %gather3A_769 = arith.constant 16 : i32
            %gather3A_770 = tpu.memref_slice %arg6[%gather3A_769] : memref<65536xf32, #tpu.memory_space<vmem>> -> memref<65488xf32, #tpu.memory_space<vmem>>
            %gather3A_771 = tpu.vector_load_idx %gather3A_770[%add3A_758] : memref<65488xf32, #tpu.memory_space<vmem>>[vector<16xi32>], vector<16xf32>,
            %min3A_772 = arith.minimumf %gather3A_771, %sub3A_740 : vector<16xf32>
            %mul3A_773 = arith.mulf %broadcast_in_dim3A_761, %min3A_772 : vector<16xf32>
            %add3A_774 = arith.addf %add3A_739, %mul3A_773 : vector<16xf32>
            %sub3A_775 = arith.subf %sub3A_740, %min3A_772 : vector<16xf32>
            %gather3A_776 = arith.constant 32 : i32
            %gather3A_777 = tpu.memref_slice %arg6[%gather3A_776] : memref<65536xf32, #tpu.memory_space<vmem>> -> memref<65488xf32, #tpu.memory_space<vmem>>
            %gather3A_778 = tpu.vector_load_idx %gather3A_777[%add3A_758] : memref<65488xf32, #tpu.memory_space<vmem>>[vector<16xi32>], vector<16xf32>,
            %min3A_779 = arith.minimumf %gather3A_778, %sub3A_747 : vector<16xf32>
            %mul3A_780 = arith.mulf %broadcast_in_dim3A_761, %min3A_779 : vector<16xf32>
            %add3A_781 = arith.addf %add3A_746, %mul3A_780 : vector<16xf32>
            %sub3A_782 = arith.subf %sub3A_747, %min3A_779 : vector<16xf32>
            %gather3A_783 = arith.constant 48 : i32
            %gather3A_784 = tpu.memref_slice %arg6[%gather3A_783] : memref<65536xf32, #tpu.memory_space<vmem>> -> memref<65488xf32, #tpu.memory_space<vmem>>
            %gather3A_785 = tpu.vector_load_idx %gather3A_784[%add3A_758] : memref<65488xf32, #tpu.memory_space<vmem>>[vector<16xi32>], vector<16xf32>,
            %min3A_786 = arith.minimumf %gather3A_785, %sub3A_754 : vector<16xf32>
            %mul3A_787 = arith.mulf %broadcast_in_dim3A_761, %min3A_786 : vector<16xf32>
            %add3A_788 = arith.addf %add3A_753, %mul3A_787 : vector<16xf32>
            %sub3A_789 = arith.subf %sub3A_754, %min3A_786 : vector<16xf32>
            %slice3A_790 = vector.extract_strided_slice %get3A_334 {offsets = [13], sizes = [1], strides = [1]} : vector<16xi32> to vector<1xi32>
            %squeeze3A_791 = vector.extract %slice3A_790[0] : i32 from vector<1xi32>
            %broadcast_in_dim3A_792 = vector.broadcast %squeeze3A_791 : i32 to vector<16xi32>
            %add3A_793 = arith.addi %broadcast_in_dim3A_792, %iota3A : vector<16xi32>
            %slice3A_794 = vector.extract_strided_slice %get3A_338 {offsets = [13], sizes = [1], strides = [1]} : vector<16xf32> to vector<1xf32>
            %squeeze3A_795 = vector.extract %slice3A_794[0] : f32 from vector<1xf32>
            %broadcast_in_dim3A_796 = vector.broadcast %squeeze3A_795 : f32 to vector<16xf32>
            %gather3A_797 = arith.constant 0 : i32
            %gather3A_798 = tpu.memref_slice %arg6[%gather3A_797] : memref<65536xf32, #tpu.memory_space<vmem>> -> memref<65488xf32, #tpu.memory_space<vmem>>
            %gather3A_799 = tpu.vector_load_idx %gather3A_798[%add3A_793] : memref<65488xf32, #tpu.memory_space<vmem>>[vector<16xi32>], vector<16xf32>,
            %min3A_800 = arith.minimumf %gather3A_799, %sub3A_768 : vector<16xf32>
            %mul3A_801 = arith.mulf %broadcast_in_dim3A_796, %min3A_800 : vector<16xf32>
            %add3A_802 = arith.addf %add3A_767, %mul3A_801 : vector<16xf32>
            %sub3A_803 = arith.subf %sub3A_768, %min3A_800 : vector<16xf32>
            %gather3A_804 = arith.constant 16 : i32
            %gather3A_805 = tpu.memref_slice %arg6[%gather3A_804] : memref<65536xf32, #tpu.memory_space<vmem>> -> memref<65488xf32, #tpu.memory_space<vmem>>
            %gather3A_806 = tpu.vector_load_idx %gather3A_805[%add3A_793] : memref<65488xf32, #tpu.memory_space<vmem>>[vector<16xi32>], vector<16xf32>,
            %min3A_807 = arith.minimumf %gather3A_806, %sub3A_775 : vector<16xf32>
            %mul3A_808 = arith.mulf %broadcast_in_dim3A_796, %min3A_807 : vector<16xf32>
            %add3A_809 = arith.addf %add3A_774, %mul3A_808 : vector<16xf32>
            %sub3A_810 = arith.subf %sub3A_775, %min3A_807 : vector<16xf32>
            %gather3A_811 = arith.constant 32 : i32
            %gather3A_812 = tpu.memref_slice %arg6[%gather3A_811] : memref<65536xf32, #tpu.memory_space<vmem>> -> memref<65488xf32, #tpu.memory_space<vmem>>
            %gather3A_813 = tpu.vector_load_idx %gather3A_812[%add3A_793] : memref<65488xf32, #tpu.memory_space<vmem>>[vector<16xi32>], vector<16xf32>,
            %min3A_814 = arith.minimumf %gather3A_813, %sub3A_782 : vector<16xf32>
            %mul3A_815 = arith.mulf %broadcast_in_dim3A_796, %min3A_814 : vector<16xf32>
            %add3A_816 = arith.addf %add3A_781, %mul3A_815 : vector<16xf32>
            %sub3A_817 = arith.subf %sub3A_782, %min3A_814 : vector<16xf32>
            %gather3A_818 = arith.constant 48 : i32
            %gather3A_819 = tpu.memref_slice %arg6[%gather3A_818] : memref<65536xf32, #tpu.memory_space<vmem>> -> memref<65488xf32, #tpu.memory_space<vmem>>
            %gather3A_820 = tpu.vector_load_idx %gather3A_819[%add3A_793] : memref<65488xf32, #tpu.memory_space<vmem>>[vector<16xi32>], vector<16xf32>,
            %min3A_821 = arith.minimumf %gather3A_820, %sub3A_789 : vector<16xf32>
            %mul3A_822 = arith.mulf %broadcast_in_dim3A_796, %min3A_821 : vector<16xf32>
            %add3A_823 = arith.addf %add3A_788, %mul3A_822 : vector<16xf32>
            %sub3A_824 = arith.subf %sub3A_789, %min3A_821 : vector<16xf32>
            %slice3A_825 = vector.extract_strided_slice %get3A_334 {offsets = [14], sizes = [1], strides = [1]} : vector<16xi32> to vector<1xi32>
            %squeeze3A_826 = vector.extract %slice3A_825[0] : i32 from vector<1xi32>
            %broadcast_in_dim3A_827 = vector.broadcast %squeeze3A_826 : i32 to vector<16xi32>
            %add3A_828 = arith.addi %broadcast_in_dim3A_827, %iota3A : vector<16xi32>
            %slice3A_829 = vector.extract_strided_slice %get3A_338 {offsets = [14], sizes = [1], strides = [1]} : vector<16xf32> to vector<1xf32>
            %squeeze3A_830 = vector.extract %slice3A_829[0] : f32 from vector<1xf32>
            %broadcast_in_dim3A_831 = vector.broadcast %squeeze3A_830 : f32 to vector<16xf32>
            %gather3A_832 = arith.constant 0 : i32
            %gather3A_833 = tpu.memref_slice %arg6[%gather3A_832] : memref<65536xf32, #tpu.memory_space<vmem>> -> memref<65488xf32, #tpu.memory_space<vmem>>
            %gather3A_834 = tpu.vector_load_idx %gather3A_833[%add3A_828] : memref<65488xf32, #tpu.memory_space<vmem>>[vector<16xi32>], vector<16xf32>,
            %min3A_835 = arith.minimumf %gather3A_834, %sub3A_803 : vector<16xf32>
            %mul3A_836 = arith.mulf %broadcast_in_dim3A_831, %min3A_835 : vector<16xf32>
            %add3A_837 = arith.addf %add3A_802, %mul3A_836 : vector<16xf32>
            %sub3A_838 = arith.subf %sub3A_803, %min3A_835 : vector<16xf32>
            %gather3A_839 = arith.constant 16 : i32
            %gather3A_840 = tpu.memref_slice %arg6[%gather3A_839] : memref<65536xf32, #tpu.memory_space<vmem>> -> memref<65488xf32, #tpu.memory_space<vmem>>
            %gather3A_841 = tpu.vector_load_idx %gather3A_840[%add3A_828] : memref<65488xf32, #tpu.memory_space<vmem>>[vector<16xi32>], vector<16xf32>,
            %min3A_842 = arith.minimumf %gather3A_841, %sub3A_810 : vector<16xf32>
            %mul3A_843 = arith.mulf %broadcast_in_dim3A_831, %min3A_842 : vector<16xf32>
            %add3A_844 = arith.addf %add3A_809, %mul3A_843 : vector<16xf32>
            %sub3A_845 = arith.subf %sub3A_810, %min3A_842 : vector<16xf32>
            %gather3A_846 = arith.constant 32 : i32
            %gather3A_847 = tpu.memref_slice %arg6[%gather3A_846] : memref<65536xf32, #tpu.memory_space<vmem>> -> memref<65488xf32, #tpu.memory_space<vmem>>
            %gather3A_848 = tpu.vector_load_idx %gather3A_847[%add3A_828] : memref<65488xf32, #tpu.memory_space<vmem>>[vector<16xi32>], vector<16xf32>,
            %min3A_849 = arith.minimumf %gather3A_848, %sub3A_817 : vector<16xf32>
            %mul3A_850 = arith.mulf %broadcast_in_dim3A_831, %min3A_849 : vector<16xf32>
            %add3A_851 = arith.addf %add3A_816, %mul3A_850 : vector<16xf32>
            %sub3A_852 = arith.subf %sub3A_817, %min3A_849 : vector<16xf32>
            %gather3A_853 = arith.constant 48 : i32
            %gather3A_854 = tpu.memref_slice %arg6[%gather3A_853] : memref<65536xf32, #tpu.memory_space<vmem>> -> memref<65488xf32, #tpu.memory_space<vmem>>
            %gather3A_855 = tpu.vector_load_idx %gather3A_854[%add3A_828] : memref<65488xf32, #tpu.memory_space<vmem>>[vector<16xi32>], vector<16xf32>,
            %min3A_856 = arith.minimumf %gather3A_855, %sub3A_824 : vector<16xf32>
            %mul3A_857 = arith.mulf %broadcast_in_dim3A_831, %min3A_856 : vector<16xf32>
            %add3A_858 = arith.addf %add3A_823, %mul3A_857 : vector<16xf32>
            %sub3A_859 = arith.subf %sub3A_824, %min3A_856 : vector<16xf32>
            %slice3A_860 = vector.extract_strided_slice %get3A_334 {offsets = [15], sizes = [1], strides = [1]} : vector<16xi32> to vector<1xi32>
            %squeeze3A_861 = vector.extract %slice3A_860[0] : i32 from vector<1xi32>
            %broadcast_in_dim3A_862 = vector.broadcast %squeeze3A_861 : i32 to vector<16xi32>
            %add3A_863 = arith.addi %broadcast_in_dim3A_862, %iota3A : vector<16xi32>
            %slice3A_864 = vector.extract_strided_slice %get3A_338 {offsets = [15], sizes = [1], strides = [1]} : vector<16xf32> to vector<1xf32>
            %squeeze3A_865 = vector.extract %slice3A_864[0] : f32 from vector<1xf32>
            %broadcast_in_dim3A_866 = vector.broadcast %squeeze3A_865 : f32 to vector<16xf32>
            %gather3A_867 = arith.constant 0 : i32
            %gather3A_868 = tpu.memref_slice %arg6[%gather3A_867] : memref<65536xf32, #tpu.memory_space<vmem>> -> memref<65488xf32, #tpu.memory_space<vmem>>
            %gather3A_869 = tpu.vector_load_idx %gather3A_868[%add3A_863] : memref<65488xf32, #tpu.memory_space<vmem>>[vector<16xi32>], vector<16xf32>,
            %min3A_870 = arith.minimumf %gather3A_869, %sub3A_838 : vector<16xf32>
            %mul3A_871 = arith.mulf %broadcast_in_dim3A_866, %min3A_870 : vector<16xf32>
            %add3A_872 = arith.addf %add3A_837, %mul3A_871 : vector<16xf32>
            %sub3A_873 = arith.subf %sub3A_838, %min3A_870 : vector<16xf32>
            %gather3A_874 = arith.constant 16 : i32
            %gather3A_875 = tpu.memref_slice %arg6[%gather3A_874] : memref<65536xf32, #tpu.memory_space<vmem>> -> memref<65488xf32, #tpu.memory_space<vmem>>
            %gather3A_876 = tpu.vector_load_idx %gather3A_875[%add3A_863] : memref<65488xf32, #tpu.memory_space<vmem>>[vector<16xi32>], vector<16xf32>,
            %min3A_877 = arith.minimumf %gather3A_876, %sub3A_845 : vector<16xf32>
            %mul3A_878 = arith.mulf %broadcast_in_dim3A_866, %min3A_877 : vector<16xf32>
            %add3A_879 = arith.addf %add3A_844, %mul3A_878 : vector<16xf32>
            %sub3A_880 = arith.subf %sub3A_845, %min3A_877 : vector<16xf32>
            %gather3A_881 = arith.constant 32 : i32
            %gather3A_882 = tpu.memref_slice %arg6[%gather3A_881] : memref<65536xf32, #tpu.memory_space<vmem>> -> memref<65488xf32, #tpu.memory_space<vmem>>
            %gather3A_883 = tpu.vector_load_idx %gather3A_882[%add3A_863] : memref<65488xf32, #tpu.memory_space<vmem>>[vector<16xi32>], vector<16xf32>,
            %min3A_884 = arith.minimumf %gather3A_883, %sub3A_852 : vector<16xf32>
            %mul3A_885 = arith.mulf %broadcast_in_dim3A_866, %min3A_884 : vector<16xf32>
            %add3A_886 = arith.addf %add3A_851, %mul3A_885 : vector<16xf32>
            %sub3A_887 = arith.subf %sub3A_852, %min3A_884 : vector<16xf32>
            %gather3A_888 = arith.constant 48 : i32
            %gather3A_889 = tpu.memref_slice %arg6[%gather3A_888] : memref<65536xf32, #tpu.memory_space<vmem>> -> memref<65488xf32, #tpu.memory_space<vmem>>
            %gather3A_890 = tpu.vector_load_idx %gather3A_889[%add3A_863] : memref<65488xf32, #tpu.memory_space<vmem>>[vector<16xi32>], vector<16xf32>,
            %min3A_891 = arith.minimumf %gather3A_890, %sub3A_859 : vector<16xf32>
            %mul3A_892 = arith.mulf %broadcast_in_dim3A_866, %min3A_891 : vector<16xf32>
            %add3A_893 = arith.addf %add3A_858, %mul3A_892 : vector<16xf32>
            %sub3A_894 = arith.subf %sub3A_859, %min3A_891 : vector<16xf32>
            %add3A_895 = arith.constant 16 : i32
            %add3A_896 = arith.addi %add3A_330, %add3A_895 : i32
            %get3A_897 = arith.index_cast %add3A_896 : i32 to index
            %get3A_898 = tpu.vector_load %arg7[%get3A_897] {strides = array<i32>} : memref<16384xi32, #tpu.memory_space<vmem>>, vector<16xi32>,
            %add3A_899 = arith.constant 16 : i32
            %add3A_900 = arith.addi %add3A_330, %add3A_899 : i32
            %get3A_901 = arith.index_cast %add3A_900 : i32 to index
            %get3A_902 = tpu.vector_load %arg8[%get3A_901] {strides = array<i32>} : memref<16384xf32, #tpu.memory_space<vmem>>, vector<16xf32>,
            %slice3A_903 = vector.extract_strided_slice %get3A_898 {offsets = [0], sizes = [1], strides = [1]} : vector<16xi32> to vector<1xi32>
            %squeeze3A_904 = vector.extract %slice3A_903[0] : i32 from vector<1xi32>
            %broadcast_in_dim3A_905 = vector.broadcast %squeeze3A_904 : i32 to vector<16xi32>
            %add3A_906 = arith.addi %broadcast_in_dim3A_905, %iota3A : vector<16xi32>
            %slice3A_907 = vector.extract_strided_slice %get3A_902 {offsets = [0], sizes = [1], strides = [1]} : vector<16xf32> to vector<1xf32>
            %squeeze3A_908 = vector.extract %slice3A_907[0] : f32 from vector<1xf32>
            %broadcast_in_dim3A_909 = vector.broadcast %squeeze3A_908 : f32 to vector<16xf32>
            %gather3A_910 = arith.constant 0 : i32
            %gather3A_911 = tpu.memref_slice %arg6[%gather3A_910] : memref<65536xf32, #tpu.memory_space<vmem>> -> memref<65488xf32, #tpu.memory_space<vmem>>
            %gather3A_912 = tpu.vector_load_idx %gather3A_911[%add3A_906] : memref<65488xf32, #tpu.memory_space<vmem>>[vector<16xi32>], vector<16xf32>,
            %min3A_913 = arith.minimumf %gather3A_912, %sub3A_873 : vector<16xf32>
            %mul3A_914 = arith.mulf %broadcast_in_dim3A_909, %min3A_913 : vector<16xf32>
            %add3A_915 = arith.addf %add3A_872, %mul3A_914 : vector<16xf32>
            %sub3A_916 = arith.subf %sub3A_873, %min3A_913 : vector<16xf32>
            %gather3A_917 = arith.constant 16 : i32
            %gather3A_918 = tpu.memref_slice %arg6[%gather3A_917] : memref<65536xf32, #tpu.memory_space<vmem>> -> memref<65488xf32, #tpu.memory_space<vmem>>
            %gather3A_919 = tpu.vector_load_idx %gather3A_918[%add3A_906] : memref<65488xf32, #tpu.memory_space<vmem>>[vector<16xi32>], vector<16xf32>,
            %min3A_920 = arith.minimumf %gather3A_919, %sub3A_880 : vector<16xf32>
            %mul3A_921 = arith.mulf %broadcast_in_dim3A_909, %min3A_920 : vector<16xf32>
            %add3A_922 = arith.addf %add3A_879, %mul3A_921 : vector<16xf32>
            %sub3A_923 = arith.subf %sub3A_880, %min3A_920 : vector<16xf32>
            %gather3A_924 = arith.constant 32 : i32
            %gather3A_925 = tpu.memref_slice %arg6[%gather3A_924] : memref<65536xf32, #tpu.memory_space<vmem>> -> memref<65488xf32, #tpu.memory_space<vmem>>
            %gather3A_926 = tpu.vector_load_idx %gather3A_925[%add3A_906] : memref<65488xf32, #tpu.memory_space<vmem>>[vector<16xi32>], vector<16xf32>,
            %min3A_927 = arith.minimumf %gather3A_926, %sub3A_887 : vector<16xf32>
            %mul3A_928 = arith.mulf %broadcast_in_dim3A_909, %min3A_927 : vector<16xf32>
            %add3A_929 = arith.addf %add3A_886, %mul3A_928 : vector<16xf32>
            %sub3A_930 = arith.subf %sub3A_887, %min3A_927 : vector<16xf32>
            %gather3A_931 = arith.constant 48 : i32
            %gather3A_932 = tpu.memref_slice %arg6[%gather3A_931] : memref<65536xf32, #tpu.memory_space<vmem>> -> memref<65488xf32, #tpu.memory_space<vmem>>
            %gather3A_933 = tpu.vector_load_idx %gather3A_932[%add3A_906] : memref<65488xf32, #tpu.memory_space<vmem>>[vector<16xi32>], vector<16xf32>,
            %min3A_934 = arith.minimumf %gather3A_933, %sub3A_894 : vector<16xf32>
            %mul3A_935 = arith.mulf %broadcast_in_dim3A_909, %min3A_934 : vector<16xf32>
            %add3A_936 = arith.addf %add3A_893, %mul3A_935 : vector<16xf32>
            %sub3A_937 = arith.subf %sub3A_894, %min3A_934 : vector<16xf32>
            %slice3A_938 = vector.extract_strided_slice %get3A_898 {offsets = [1], sizes = [1], strides = [1]} : vector<16xi32> to vector<1xi32>
            %squeeze3A_939 = vector.extract %slice3A_938[0] : i32 from vector<1xi32>
            %broadcast_in_dim3A_940 = vector.broadcast %squeeze3A_939 : i32 to vector<16xi32>
            %add3A_941 = arith.addi %broadcast_in_dim3A_940, %iota3A : vector<16xi32>
            %slice3A_942 = vector.extract_strided_slice %get3A_902 {offsets = [1], sizes = [1], strides = [1]} : vector<16xf32> to vector<1xf32>
            %squeeze3A_943 = vector.extract %slice3A_942[0] : f32 from vector<1xf32>
            %broadcast_in_dim3A_944 = vector.broadcast %squeeze3A_943 : f32 to vector<16xf32>
            %gather3A_945 = arith.constant 0 : i32
            %gather3A_946 = tpu.memref_slice %arg6[%gather3A_945] : memref<65536xf32, #tpu.memory_space<vmem>> -> memref<65488xf32, #tpu.memory_space<vmem>>
            %gather3A_947 = tpu.vector_load_idx %gather3A_946[%add3A_941] : memref<65488xf32, #tpu.memory_space<vmem>>[vector<16xi32>], vector<16xf32>,
            %min3A_948 = arith.minimumf %gather3A_947, %sub3A_916 : vector<16xf32>
            %mul3A_949 = arith.mulf %broadcast_in_dim3A_944, %min3A_948 : vector<16xf32>
            %add3A_950 = arith.addf %add3A_915, %mul3A_949 : vector<16xf32>
            %sub3A_951 = arith.subf %sub3A_916, %min3A_948 : vector<16xf32>
            %gather3A_952 = arith.constant 16 : i32
            %gather3A_953 = tpu.memref_slice %arg6[%gather3A_952] : memref<65536xf32, #tpu.memory_space<vmem>> -> memref<65488xf32, #tpu.memory_space<vmem>>
            %gather3A_954 = tpu.vector_load_idx %gather3A_953[%add3A_941] : memref<65488xf32, #tpu.memory_space<vmem>>[vector<16xi32>], vector<16xf32>,
            %min3A_955 = arith.minimumf %gather3A_954, %sub3A_923 : vector<16xf32>
            %mul3A_956 = arith.mulf %broadcast_in_dim3A_944, %min3A_955 : vector<16xf32>
            %add3A_957 = arith.addf %add3A_922, %mul3A_956 : vector<16xf32>
            %sub3A_958 = arith.subf %sub3A_923, %min3A_955 : vector<16xf32>
            %gather3A_959 = arith.constant 32 : i32
            %gather3A_960 = tpu.memref_slice %arg6[%gather3A_959] : memref<65536xf32, #tpu.memory_space<vmem>> -> memref<65488xf32, #tpu.memory_space<vmem>>
            %gather3A_961 = tpu.vector_load_idx %gather3A_960[%add3A_941] : memref<65488xf32, #tpu.memory_space<vmem>>[vector<16xi32>], vector<16xf32>,
            %min3A_962 = arith.minimumf %gather3A_961, %sub3A_930 : vector<16xf32>
            %mul3A_963 = arith.mulf %broadcast_in_dim3A_944, %min3A_962 : vector<16xf32>
            %add3A_964 = arith.addf %add3A_929, %mul3A_963 : vector<16xf32>
            %sub3A_965 = arith.subf %sub3A_930, %min3A_962 : vector<16xf32>
            %gather3A_966 = arith.constant 48 : i32
            %gather3A_967 = tpu.memref_slice %arg6[%gather3A_966] : memref<65536xf32, #tpu.memory_space<vmem>> -> memref<65488xf32, #tpu.memory_space<vmem>>
            %gather3A_968 = tpu.vector_load_idx %gather3A_967[%add3A_941] : memref<65488xf32, #tpu.memory_space<vmem>>[vector<16xi32>], vector<16xf32>,
            %min3A_969 = arith.minimumf %gather3A_968, %sub3A_937 : vector<16xf32>
            %mul3A_970 = arith.mulf %broadcast_in_dim3A_944, %min3A_969 : vector<16xf32>
            %add3A_971 = arith.addf %add3A_936, %mul3A_970 : vector<16xf32>
            %sub3A_972 = arith.subf %sub3A_937, %min3A_969 : vector<16xf32>
            %slice3A_973 = vector.extract_strided_slice %get3A_898 {offsets = [2], sizes = [1], strides = [1]} : vector<16xi32> to vector<1xi32>
            %squeeze3A_974 = vector.extract %slice3A_973[0] : i32 from vector<1xi32>
            %broadcast_in_dim3A_975 = vector.broadcast %squeeze3A_974 : i32 to vector<16xi32>
            %add3A_976 = arith.addi %broadcast_in_dim3A_975, %iota3A : vector<16xi32>
            %slice3A_977 = vector.extract_strided_slice %get3A_902 {offsets = [2], sizes = [1], strides = [1]} : vector<16xf32> to vector<1xf32>
            %squeeze3A_978 = vector.extract %slice3A_977[0] : f32 from vector<1xf32>
            %broadcast_in_dim3A_979 = vector.broadcast %squeeze3A_978 : f32 to vector<16xf32>
            %gather3A_980 = arith.constant 0 : i32
            %gather3A_981 = tpu.memref_slice %arg6[%gather3A_980] : memref<65536xf32, #tpu.memory_space<vmem>> -> memref<65488xf32, #tpu.memory_space<vmem>>
            %gather3A_982 = tpu.vector_load_idx %gather3A_981[%add3A_976] : memref<65488xf32, #tpu.memory_space<vmem>>[vector<16xi32>], vector<16xf32>,
            %min3A_983 = arith.minimumf %gather3A_982, %sub3A_951 : vector<16xf32>
            %mul3A_984 = arith.mulf %broadcast_in_dim3A_979, %min3A_983 : vector<16xf32>
            %add3A_985 = arith.addf %add3A_950, %mul3A_984 : vector<16xf32>
            %sub3A_986 = arith.subf %sub3A_951, %min3A_983 : vector<16xf32>
            %gather3A_987 = arith.constant 16 : i32
            %gather3A_988 = tpu.memref_slice %arg6[%gather3A_987] : memref<65536xf32, #tpu.memory_space<vmem>> -> memref<65488xf32, #tpu.memory_space<vmem>>
            %gather3A_989 = tpu.vector_load_idx %gather3A_988[%add3A_976] : memref<65488xf32, #tpu.memory_space<vmem>>[vector<16xi32>], vector<16xf32>,
            %min3A_990 = arith.minimumf %gather3A_989, %sub3A_958 : vector<16xf32>
            %mul3A_991 = arith.mulf %broadcast_in_dim3A_979, %min3A_990 : vector<16xf32>
            %add3A_992 = arith.addf %add3A_957, %mul3A_991 : vector<16xf32>
            %sub3A_993 = arith.subf %sub3A_958, %min3A_990 : vector<16xf32>
            %gather3A_994 = arith.constant 32 : i32
            %gather3A_995 = tpu.memref_slice %arg6[%gather3A_994] : memref<65536xf32, #tpu.memory_space<vmem>> -> memref<65488xf32, #tpu.memory_space<vmem>>
            %gather3A_996 = tpu.vector_load_idx %gather3A_995[%add3A_976] : memref<65488xf32, #tpu.memory_space<vmem>>[vector<16xi32>], vector<16xf32>,
            %min3A_997 = arith.minimumf %gather3A_996, %sub3A_965 : vector<16xf32>
            %mul3A_998 = arith.mulf %broadcast_in_dim3A_979, %min3A_997 : vector<16xf32>
            %add3A_999 = arith.addf %add3A_964, %mul3A_998 : vector<16xf32>
            %sub3A_1000 = arith.subf %sub3A_965, %min3A_997 : vector<16xf32>
            %gather3A_1001 = arith.constant 48 : i32
            %gather3A_1002 = tpu.memref_slice %arg6[%gather3A_1001] : memref<65536xf32, #tpu.memory_space<vmem>> -> memref<65488xf32, #tpu.memory_space<vmem>>
            %gather3A_1003 = tpu.vector_load_idx %gather3A_1002[%add3A_976] : memref<65488xf32, #tpu.memory_space<vmem>>[vector<16xi32>], vector<16xf32>,
            %min3A_1004 = arith.minimumf %gather3A_1003, %sub3A_972 : vector<16xf32>
            %mul3A_1005 = arith.mulf %broadcast_in_dim3A_979, %min3A_1004 : vector<16xf32>
            %add3A_1006 = arith.addf %add3A_971, %mul3A_1005 : vector<16xf32>
            %sub3A_1007 = arith.subf %sub3A_972, %min3A_1004 : vector<16xf32>
            %slice3A_1008 = vector.extract_strided_slice %get3A_898 {offsets = [3], sizes = [1], strides = [1]} : vector<16xi32> to vector<1xi32>
            %squeeze3A_1009 = vector.extract %slice3A_1008[0] : i32 from vector<1xi32>
            %broadcast_in_dim3A_1010 = vector.broadcast %squeeze3A_1009 : i32 to vector<16xi32>
            %add3A_1011 = arith.addi %broadcast_in_dim3A_1010, %iota3A : vector<16xi32>
            %slice3A_1012 = vector.extract_strided_slice %get3A_902 {offsets = [3], sizes = [1], strides = [1]} : vector<16xf32> to vector<1xf32>
            %squeeze3A_1013 = vector.extract %slice3A_1012[0] : f32 from vector<1xf32>
            %broadcast_in_dim3A_1014 = vector.broadcast %squeeze3A_1013 : f32 to vector<16xf32>
            %gather3A_1015 = arith.constant 0 : i32
            %gather3A_1016 = tpu.memref_slice %arg6[%gather3A_1015] : memref<65536xf32, #tpu.memory_space<vmem>> -> memref<65488xf32, #tpu.memory_space<vmem>>
            %gather3A_1017 = tpu.vector_load_idx %gather3A_1016[%add3A_1011] : memref<65488xf32, #tpu.memory_space<vmem>>[vector<16xi32>], vector<16xf32>,
            %min3A_1018 = arith.minimumf %gather3A_1017, %sub3A_986 : vector<16xf32>
            %mul3A_1019 = arith.mulf %broadcast_in_dim3A_1014, %min3A_1018 : vector<16xf32>
            %add3A_1020 = arith.addf %add3A_985, %mul3A_1019 : vector<16xf32>
            %sub3A_1021 = arith.subf %sub3A_986, %min3A_1018 : vector<16xf32>
            %gather3A_1022 = arith.constant 16 : i32
            %gather3A_1023 = tpu.memref_slice %arg6[%gather3A_1022] : memref<65536xf32, #tpu.memory_space<vmem>> -> memref<65488xf32, #tpu.memory_space<vmem>>
            %gather3A_1024 = tpu.vector_load_idx %gather3A_1023[%add3A_1011] : memref<65488xf32, #tpu.memory_space<vmem>>[vector<16xi32>], vector<16xf32>,
            %min3A_1025 = arith.minimumf %gather3A_1024, %sub3A_993 : vector<16xf32>
            %mul3A_1026 = arith.mulf %broadcast_in_dim3A_1014, %min3A_1025 : vector<16xf32>
            %add3A_1027 = arith.addf %add3A_992, %mul3A_1026 : vector<16xf32>
            %sub3A_1028 = arith.subf %sub3A_993, %min3A_1025 : vector<16xf32>
            %gather3A_1029 = arith.constant 32 : i32
            %gather3A_1030 = tpu.memref_slice %arg6[%gather3A_1029] : memref<65536xf32, #tpu.memory_space<vmem>> -> memref<65488xf32, #tpu.memory_space<vmem>>
            %gather3A_1031 = tpu.vector_load_idx %gather3A_1030[%add3A_1011] : memref<65488xf32, #tpu.memory_space<vmem>>[vector<16xi32>], vector<16xf32>,
            %min3A_1032 = arith.minimumf %gather3A_1031, %sub3A_1000 : vector<16xf32>
            %mul3A_1033 = arith.mulf %broadcast_in_dim3A_1014, %min3A_1032 : vector<16xf32>
            %add3A_1034 = arith.addf %add3A_999, %mul3A_1033 : vector<16xf32>
            %sub3A_1035 = arith.subf %sub3A_1000, %min3A_1032 : vector<16xf32>
            %gather3A_1036 = arith.constant 48 : i32
            %gather3A_1037 = tpu.memref_slice %arg6[%gather3A_1036] : memref<65536xf32, #tpu.memory_space<vmem>> -> memref<65488xf32, #tpu.memory_space<vmem>>
            %gather3A_1038 = tpu.vector_load_idx %gather3A_1037[%add3A_1011] : memref<65488xf32, #tpu.memory_space<vmem>>[vector<16xi32>], vector<16xf32>,
            %min3A_1039 = arith.minimumf %gather3A_1038, %sub3A_1007 : vector<16xf32>
            %mul3A_1040 = arith.mulf %broadcast_in_dim3A_1014, %min3A_1039 : vector<16xf32>
            %add3A_1041 = arith.addf %add3A_1006, %mul3A_1040 : vector<16xf32>
            %sub3A_1042 = arith.subf %sub3A_1007, %min3A_1039 : vector<16xf32>
            %slice3A_1043 = vector.extract_strided_slice %get3A_898 {offsets = [4], sizes = [1], strides = [1]} : vector<16xi32> to vector<1xi32>
            %squeeze3A_1044 = vector.extract %slice3A_1043[0] : i32 from vector<1xi32>
            %broadcast_in_dim3A_1045 = vector.broadcast %squeeze3A_1044 : i32 to vector<16xi32>
            %add3A_1046 = arith.addi %broadcast_in_dim3A_1045, %iota3A : vector<16xi32>
            %slice3A_1047 = vector.extract_strided_slice %get3A_902 {offsets = [4], sizes = [1], strides = [1]} : vector<16xf32> to vector<1xf32>
            %squeeze3A_1048 = vector.extract %slice3A_1047[0] : f32 from vector<1xf32>
            %broadcast_in_dim3A_1049 = vector.broadcast %squeeze3A_1048 : f32 to vector<16xf32>
            %gather3A_1050 = arith.constant 0 : i32
            %gather3A_1051 = tpu.memref_slice %arg6[%gather3A_1050] : memref<65536xf32, #tpu.memory_space<vmem>> -> memref<65488xf32, #tpu.memory_space<vmem>>
            %gather3A_1052 = tpu.vector_load_idx %gather3A_1051[%add3A_1046] : memref<65488xf32, #tpu.memory_space<vmem>>[vector<16xi32>], vector<16xf32>,
            %min3A_1053 = arith.minimumf %gather3A_1052, %sub3A_1021 : vector<16xf32>
            %mul3A_1054 = arith.mulf %broadcast_in_dim3A_1049, %min3A_1053 : vector<16xf32>
            %add3A_1055 = arith.addf %add3A_1020, %mul3A_1054 : vector<16xf32>
            %sub3A_1056 = arith.subf %sub3A_1021, %min3A_1053 : vector<16xf32>
            %gather3A_1057 = arith.constant 16 : i32
            %gather3A_1058 = tpu.memref_slice %arg6[%gather3A_1057] : memref<65536xf32, #tpu.memory_space<vmem>> -> memref<65488xf32, #tpu.memory_space<vmem>>
            %gather3A_1059 = tpu.vector_load_idx %gather3A_1058[%add3A_1046] : memref<65488xf32, #tpu.memory_space<vmem>>[vector<16xi32>], vector<16xf32>,
            %min3A_1060 = arith.minimumf %gather3A_1059, %sub3A_1028 : vector<16xf32>
            %mul3A_1061 = arith.mulf %broadcast_in_dim3A_1049, %min3A_1060 : vector<16xf32>
            %add3A_1062 = arith.addf %add3A_1027, %mul3A_1061 : vector<16xf32>
            %sub3A_1063 = arith.subf %sub3A_1028, %min3A_1060 : vector<16xf32>
            %gather3A_1064 = arith.constant 32 : i32
            %gather3A_1065 = tpu.memref_slice %arg6[%gather3A_1064] : memref<65536xf32, #tpu.memory_space<vmem>> -> memref<65488xf32, #tpu.memory_space<vmem>>
            %gather3A_1066 = tpu.vector_load_idx %gather3A_1065[%add3A_1046] : memref<65488xf32, #tpu.memory_space<vmem>>[vector<16xi32>], vector<16xf32>,
            %min3A_1067 = arith.minimumf %gather3A_1066, %sub3A_1035 : vector<16xf32>
            %mul3A_1068 = arith.mulf %broadcast_in_dim3A_1049, %min3A_1067 : vector<16xf32>
            %add3A_1069 = arith.addf %add3A_1034, %mul3A_1068 : vector<16xf32>
            %sub3A_1070 = arith.subf %sub3A_1035, %min3A_1067 : vector<16xf32>
            %gather3A_1071 = arith.constant 48 : i32
            %gather3A_1072 = tpu.memref_slice %arg6[%gather3A_1071] : memref<65536xf32, #tpu.memory_space<vmem>> -> memref<65488xf32, #tpu.memory_space<vmem>>
            %gather3A_1073 = tpu.vector_load_idx %gather3A_1072[%add3A_1046] : memref<65488xf32, #tpu.memory_space<vmem>>[vector<16xi32>], vector<16xf32>,
            %min3A_1074 = arith.minimumf %gather3A_1073, %sub3A_1042 : vector<16xf32>
            %mul3A_1075 = arith.mulf %broadcast_in_dim3A_1049, %min3A_1074 : vector<16xf32>
            %add3A_1076 = arith.addf %add3A_1041, %mul3A_1075 : vector<16xf32>
            %sub3A_1077 = arith.subf %sub3A_1042, %min3A_1074 : vector<16xf32>
            %slice3A_1078 = vector.extract_strided_slice %get3A_898 {offsets = [5], sizes = [1], strides = [1]} : vector<16xi32> to vector<1xi32>
            %squeeze3A_1079 = vector.extract %slice3A_1078[0] : i32 from vector<1xi32>
            %broadcast_in_dim3A_1080 = vector.broadcast %squeeze3A_1079 : i32 to vector<16xi32>
            %add3A_1081 = arith.addi %broadcast_in_dim3A_1080, %iota3A : vector<16xi32>
            %slice3A_1082 = vector.extract_strided_slice %get3A_902 {offsets = [5], sizes = [1], strides = [1]} : vector<16xf32> to vector<1xf32>
            %squeeze3A_1083 = vector.extract %slice3A_1082[0] : f32 from vector<1xf32>
            %broadcast_in_dim3A_1084 = vector.broadcast %squeeze3A_1083 : f32 to vector<16xf32>
            %gather3A_1085 = arith.constant 0 : i32
            %gather3A_1086 = tpu.memref_slice %arg6[%gather3A_1085] : memref<65536xf32, #tpu.memory_space<vmem>> -> memref<65488xf32, #tpu.memory_space<vmem>>
            %gather3A_1087 = tpu.vector_load_idx %gather3A_1086[%add3A_1081] : memref<65488xf32, #tpu.memory_space<vmem>>[vector<16xi32>], vector<16xf32>,
            %min3A_1088 = arith.minimumf %gather3A_1087, %sub3A_1056 : vector<16xf32>
            %mul3A_1089 = arith.mulf %broadcast_in_dim3A_1084, %min3A_1088 : vector<16xf32>
            %add3A_1090 = arith.addf %add3A_1055, %mul3A_1089 : vector<16xf32>
            %sub3A_1091 = arith.subf %sub3A_1056, %min3A_1088 : vector<16xf32>
            %gather3A_1092 = arith.constant 16 : i32
            %gather3A_1093 = tpu.memref_slice %arg6[%gather3A_1092] : memref<65536xf32, #tpu.memory_space<vmem>> -> memref<65488xf32, #tpu.memory_space<vmem>>
            %gather3A_1094 = tpu.vector_load_idx %gather3A_1093[%add3A_1081] : memref<65488xf32, #tpu.memory_space<vmem>>[vector<16xi32>], vector<16xf32>,
            %min3A_1095 = arith.minimumf %gather3A_1094, %sub3A_1063 : vector<16xf32>
            %mul3A_1096 = arith.mulf %broadcast_in_dim3A_1084, %min3A_1095 : vector<16xf32>
            %add3A_1097 = arith.addf %add3A_1062, %mul3A_1096 : vector<16xf32>
            %sub3A_1098 = arith.subf %sub3A_1063, %min3A_1095 : vector<16xf32>
            %gather3A_1099 = arith.constant 32 : i32
            %gather3A_1100 = tpu.memref_slice %arg6[%gather3A_1099] : memref<65536xf32, #tpu.memory_space<vmem>> -> memref<65488xf32, #tpu.memory_space<vmem>>
            %gather3A_1101 = tpu.vector_load_idx %gather3A_1100[%add3A_1081] : memref<65488xf32, #tpu.memory_space<vmem>>[vector<16xi32>], vector<16xf32>,
            %min3A_1102 = arith.minimumf %gather3A_1101, %sub3A_1070 : vector<16xf32>
            %mul3A_1103 = arith.mulf %broadcast_in_dim3A_1084, %min3A_1102 : vector<16xf32>
            %add3A_1104 = arith.addf %add3A_1069, %mul3A_1103 : vector<16xf32>
            %sub3A_1105 = arith.subf %sub3A_1070, %min3A_1102 : vector<16xf32>
            %gather3A_1106 = arith.constant 48 : i32
            %gather3A_1107 = tpu.memref_slice %arg6[%gather3A_1106] : memref<65536xf32, #tpu.memory_space<vmem>> -> memref<65488xf32, #tpu.memory_space<vmem>>
            %gather3A_1108 = tpu.vector_load_idx %gather3A_1107[%add3A_1081] : memref<65488xf32, #tpu.memory_space<vmem>>[vector<16xi32>], vector<16xf32>,
            %min3A_1109 = arith.minimumf %gather3A_1108, %sub3A_1077 : vector<16xf32>
            %mul3A_1110 = arith.mulf %broadcast_in_dim3A_1084, %min3A_1109 : vector<16xf32>
            %add3A_1111 = arith.addf %add3A_1076, %mul3A_1110 : vector<16xf32>
            %sub3A_1112 = arith.subf %sub3A_1077, %min3A_1109 : vector<16xf32>
            %slice3A_1113 = vector.extract_strided_slice %get3A_898 {offsets = [6], sizes = [1], strides = [1]} : vector<16xi32> to vector<1xi32>
            %squeeze3A_1114 = vector.extract %slice3A_1113[0] : i32 from vector<1xi32>
            %broadcast_in_dim3A_1115 = vector.broadcast %squeeze3A_1114 : i32 to vector<16xi32>
            %add3A_1116 = arith.addi %broadcast_in_dim3A_1115, %iota3A : vector<16xi32>
            %slice3A_1117 = vector.extract_strided_slice %get3A_902 {offsets = [6], sizes = [1], strides = [1]} : vector<16xf32> to vector<1xf32>
            %squeeze3A_1118 = vector.extract %slice3A_1117[0] : f32 from vector<1xf32>
            %broadcast_in_dim3A_1119 = vector.broadcast %squeeze3A_1118 : f32 to vector<16xf32>
            %gather3A_1120 = arith.constant 0 : i32
            %gather3A_1121 = tpu.memref_slice %arg6[%gather3A_1120] : memref<65536xf32, #tpu.memory_space<vmem>> -> memref<65488xf32, #tpu.memory_space<vmem>>
            %gather3A_1122 = tpu.vector_load_idx %gather3A_1121[%add3A_1116] : memref<65488xf32, #tpu.memory_space<vmem>>[vector<16xi32>], vector<16xf32>,
            %min3A_1123 = arith.minimumf %gather3A_1122, %sub3A_1091 : vector<16xf32>
            %mul3A_1124 = arith.mulf %broadcast_in_dim3A_1119, %min3A_1123 : vector<16xf32>
            %add3A_1125 = arith.addf %add3A_1090, %mul3A_1124 : vector<16xf32>
            %sub3A_1126 = arith.subf %sub3A_1091, %min3A_1123 : vector<16xf32>
            %gather3A_1127 = arith.constant 16 : i32
            %gather3A_1128 = tpu.memref_slice %arg6[%gather3A_1127] : memref<65536xf32, #tpu.memory_space<vmem>> -> memref<65488xf32, #tpu.memory_space<vmem>>
            %gather3A_1129 = tpu.vector_load_idx %gather3A_1128[%add3A_1116] : memref<65488xf32, #tpu.memory_space<vmem>>[vector<16xi32>], vector<16xf32>,
            %min3A_1130 = arith.minimumf %gather3A_1129, %sub3A_1098 : vector<16xf32>
            %mul3A_1131 = arith.mulf %broadcast_in_dim3A_1119, %min3A_1130 : vector<16xf32>
            %add3A_1132 = arith.addf %add3A_1097, %mul3A_1131 : vector<16xf32>
            %sub3A_1133 = arith.subf %sub3A_1098, %min3A_1130 : vector<16xf32>
            %gather3A_1134 = arith.constant 32 : i32
            %gather3A_1135 = tpu.memref_slice %arg6[%gather3A_1134] : memref<65536xf32, #tpu.memory_space<vmem>> -> memref<65488xf32, #tpu.memory_space<vmem>>
            %gather3A_1136 = tpu.vector_load_idx %gather3A_1135[%add3A_1116] : memref<65488xf32, #tpu.memory_space<vmem>>[vector<16xi32>], vector<16xf32>,
            %min3A_1137 = arith.minimumf %gather3A_1136, %sub3A_1105 : vector<16xf32>
            %mul3A_1138 = arith.mulf %broadcast_in_dim3A_1119, %min3A_1137 : vector<16xf32>
            %add3A_1139 = arith.addf %add3A_1104, %mul3A_1138 : vector<16xf32>
            %sub3A_1140 = arith.subf %sub3A_1105, %min3A_1137 : vector<16xf32>
            %gather3A_1141 = arith.constant 48 : i32
            %gather3A_1142 = tpu.memref_slice %arg6[%gather3A_1141] : memref<65536xf32, #tpu.memory_space<vmem>> -> memref<65488xf32, #tpu.memory_space<vmem>>
            %gather3A_1143 = tpu.vector_load_idx %gather3A_1142[%add3A_1116] : memref<65488xf32, #tpu.memory_space<vmem>>[vector<16xi32>], vector<16xf32>,
            %min3A_1144 = arith.minimumf %gather3A_1143, %sub3A_1112 : vector<16xf32>
            %mul3A_1145 = arith.mulf %broadcast_in_dim3A_1119, %min3A_1144 : vector<16xf32>
            %add3A_1146 = arith.addf %add3A_1111, %mul3A_1145 : vector<16xf32>
            %sub3A_1147 = arith.subf %sub3A_1112, %min3A_1144 : vector<16xf32>
            %slice3A_1148 = vector.extract_strided_slice %get3A_898 {offsets = [7], sizes = [1], strides = [1]} : vector<16xi32> to vector<1xi32>
            %squeeze3A_1149 = vector.extract %slice3A_1148[0] : i32 from vector<1xi32>
            %broadcast_in_dim3A_1150 = vector.broadcast %squeeze3A_1149 : i32 to vector<16xi32>
            %add3A_1151 = arith.addi %broadcast_in_dim3A_1150, %iota3A : vector<16xi32>
            %slice3A_1152 = vector.extract_strided_slice %get3A_902 {offsets = [7], sizes = [1], strides = [1]} : vector<16xf32> to vector<1xf32>
            %squeeze3A_1153 = vector.extract %slice3A_1152[0] : f32 from vector<1xf32>
            %broadcast_in_dim3A_1154 = vector.broadcast %squeeze3A_1153 : f32 to vector<16xf32>
            %gather3A_1155 = arith.constant 0 : i32
            %gather3A_1156 = tpu.memref_slice %arg6[%gather3A_1155] : memref<65536xf32, #tpu.memory_space<vmem>> -> memref<65488xf32, #tpu.memory_space<vmem>>
            %gather3A_1157 = tpu.vector_load_idx %gather3A_1156[%add3A_1151] : memref<65488xf32, #tpu.memory_space<vmem>>[vector<16xi32>], vector<16xf32>,
            %min3A_1158 = arith.minimumf %gather3A_1157, %sub3A_1126 : vector<16xf32>
            %mul3A_1159 = arith.mulf %broadcast_in_dim3A_1154, %min3A_1158 : vector<16xf32>
            %add3A_1160 = arith.addf %add3A_1125, %mul3A_1159 : vector<16xf32>
            %sub3A_1161 = arith.subf %sub3A_1126, %min3A_1158 : vector<16xf32>
            %gather3A_1162 = arith.constant 16 : i32
            %gather3A_1163 = tpu.memref_slice %arg6[%gather3A_1162] : memref<65536xf32, #tpu.memory_space<vmem>> -> memref<65488xf32, #tpu.memory_space<vmem>>
            %gather3A_1164 = tpu.vector_load_idx %gather3A_1163[%add3A_1151] : memref<65488xf32, #tpu.memory_space<vmem>>[vector<16xi32>], vector<16xf32>,
            %min3A_1165 = arith.minimumf %gather3A_1164, %sub3A_1133 : vector<16xf32>
            %mul3A_1166 = arith.mulf %broadcast_in_dim3A_1154, %min3A_1165 : vector<16xf32>
            %add3A_1167 = arith.addf %add3A_1132, %mul3A_1166 : vector<16xf32>
            %sub3A_1168 = arith.subf %sub3A_1133, %min3A_1165 : vector<16xf32>
            %gather3A_1169 = arith.constant 32 : i32
            %gather3A_1170 = tpu.memref_slice %arg6[%gather3A_1169] : memref<65536xf32, #tpu.memory_space<vmem>> -> memref<65488xf32, #tpu.memory_space<vmem>>
            %gather3A_1171 = tpu.vector_load_idx %gather3A_1170[%add3A_1151] : memref<65488xf32, #tpu.memory_space<vmem>>[vector<16xi32>], vector<16xf32>,
            %min3A_1172 = arith.minimumf %gather3A_1171, %sub3A_1140 : vector<16xf32>
            %mul3A_1173 = arith.mulf %broadcast_in_dim3A_1154, %min3A_1172 : vector<16xf32>
            %add3A_1174 = arith.addf %add3A_1139, %mul3A_1173 : vector<16xf32>
            %sub3A_1175 = arith.subf %sub3A_1140, %min3A_1172 : vector<16xf32>
            %gather3A_1176 = arith.constant 48 : i32
            %gather3A_1177 = tpu.memref_slice %arg6[%gather3A_1176] : memref<65536xf32, #tpu.memory_space<vmem>> -> memref<65488xf32, #tpu.memory_space<vmem>>
            %gather3A_1178 = tpu.vector_load_idx %gather3A_1177[%add3A_1151] : memref<65488xf32, #tpu.memory_space<vmem>>[vector<16xi32>], vector<16xf32>,
            %min3A_1179 = arith.minimumf %gather3A_1178, %sub3A_1147 : vector<16xf32>
            %mul3A_1180 = arith.mulf %broadcast_in_dim3A_1154, %min3A_1179 : vector<16xf32>
            %add3A_1181 = arith.addf %add3A_1146, %mul3A_1180 : vector<16xf32>
            %sub3A_1182 = arith.subf %sub3A_1147, %min3A_1179 : vector<16xf32>
            %slice3A_1183 = vector.extract_strided_slice %get3A_898 {offsets = [8], sizes = [1], strides = [1]} : vector<16xi32> to vector<1xi32>
            %squeeze3A_1184 = vector.extract %slice3A_1183[0] : i32 from vector<1xi32>
            %broadcast_in_dim3A_1185 = vector.broadcast %squeeze3A_1184 : i32 to vector<16xi32>
            %add3A_1186 = arith.addi %broadcast_in_dim3A_1185, %iota3A : vector<16xi32>
            %slice3A_1187 = vector.extract_strided_slice %get3A_902 {offsets = [8], sizes = [1], strides = [1]} : vector<16xf32> to vector<1xf32>
            %squeeze3A_1188 = vector.extract %slice3A_1187[0] : f32 from vector<1xf32>
            %broadcast_in_dim3A_1189 = vector.broadcast %squeeze3A_1188 : f32 to vector<16xf32>
            %gather3A_1190 = arith.constant 0 : i32
            %gather3A_1191 = tpu.memref_slice %arg6[%gather3A_1190] : memref<65536xf32, #tpu.memory_space<vmem>> -> memref<65488xf32, #tpu.memory_space<vmem>>
            %gather3A_1192 = tpu.vector_load_idx %gather3A_1191[%add3A_1186] : memref<65488xf32, #tpu.memory_space<vmem>>[vector<16xi32>], vector<16xf32>,
            %min3A_1193 = arith.minimumf %gather3A_1192, %sub3A_1161 : vector<16xf32>
            %mul3A_1194 = arith.mulf %broadcast_in_dim3A_1189, %min3A_1193 : vector<16xf32>
            %add3A_1195 = arith.addf %add3A_1160, %mul3A_1194 : vector<16xf32>
            %sub3A_1196 = arith.subf %sub3A_1161, %min3A_1193 : vector<16xf32>
            %gather3A_1197 = arith.constant 16 : i32
            %gather3A_1198 = tpu.memref_slice %arg6[%gather3A_1197] : memref<65536xf32, #tpu.memory_space<vmem>> -> memref<65488xf32, #tpu.memory_space<vmem>>
            %gather3A_1199 = tpu.vector_load_idx %gather3A_1198[%add3A_1186] : memref<65488xf32, #tpu.memory_space<vmem>>[vector<16xi32>], vector<16xf32>,
            %min3A_1200 = arith.minimumf %gather3A_1199, %sub3A_1168 : vector<16xf32>
            %mul3A_1201 = arith.mulf %broadcast_in_dim3A_1189, %min3A_1200 : vector<16xf32>
            %add3A_1202 = arith.addf %add3A_1167, %mul3A_1201 : vector<16xf32>
            %sub3A_1203 = arith.subf %sub3A_1168, %min3A_1200 : vector<16xf32>
            %gather3A_1204 = arith.constant 32 : i32
            %gather3A_1205 = tpu.memref_slice %arg6[%gather3A_1204] : memref<65536xf32, #tpu.memory_space<vmem>> -> memref<65488xf32, #tpu.memory_space<vmem>>
            %gather3A_1206 = tpu.vector_load_idx %gather3A_1205[%add3A_1186] : memref<65488xf32, #tpu.memory_space<vmem>>[vector<16xi32>], vector<16xf32>,
            %min3A_1207 = arith.minimumf %gather3A_1206, %sub3A_1175 : vector<16xf32>
            %mul3A_1208 = arith.mulf %broadcast_in_dim3A_1189, %min3A_1207 : vector<16xf32>
            %add3A_1209 = arith.addf %add3A_1174, %mul3A_1208 : vector<16xf32>
            %sub3A_1210 = arith.subf %sub3A_1175, %min3A_1207 : vector<16xf32>
            %gather3A_1211 = arith.constant 48 : i32
            %gather3A_1212 = tpu.memref_slice %arg6[%gather3A_1211] : memref<65536xf32, #tpu.memory_space<vmem>> -> memref<65488xf32, #tpu.memory_space<vmem>>
            %gather3A_1213 = tpu.vector_load_idx %gather3A_1212[%add3A_1186] : memref<65488xf32, #tpu.memory_space<vmem>>[vector<16xi32>], vector<16xf32>,
            %min3A_1214 = arith.minimumf %gather3A_1213, %sub3A_1182 : vector<16xf32>
            %mul3A_1215 = arith.mulf %broadcast_in_dim3A_1189, %min3A_1214 : vector<16xf32>
            %add3A_1216 = arith.addf %add3A_1181, %mul3A_1215 : vector<16xf32>
            %sub3A_1217 = arith.subf %sub3A_1182, %min3A_1214 : vector<16xf32>
            %slice3A_1218 = vector.extract_strided_slice %get3A_898 {offsets = [9], sizes = [1], strides = [1]} : vector<16xi32> to vector<1xi32>
            %squeeze3A_1219 = vector.extract %slice3A_1218[0] : i32 from vector<1xi32>
            %broadcast_in_dim3A_1220 = vector.broadcast %squeeze3A_1219 : i32 to vector<16xi32>
            %add3A_1221 = arith.addi %broadcast_in_dim3A_1220, %iota3A : vector<16xi32>
            %slice3A_1222 = vector.extract_strided_slice %get3A_902 {offsets = [9], sizes = [1], strides = [1]} : vector<16xf32> to vector<1xf32>
            %squeeze3A_1223 = vector.extract %slice3A_1222[0] : f32 from vector<1xf32>
            %broadcast_in_dim3A_1224 = vector.broadcast %squeeze3A_1223 : f32 to vector<16xf32>
            %gather3A_1225 = arith.constant 0 : i32
            %gather3A_1226 = tpu.memref_slice %arg6[%gather3A_1225] : memref<65536xf32, #tpu.memory_space<vmem>> -> memref<65488xf32, #tpu.memory_space<vmem>>
            %gather3A_1227 = tpu.vector_load_idx %gather3A_1226[%add3A_1221] : memref<65488xf32, #tpu.memory_space<vmem>>[vector<16xi32>], vector<16xf32>,
            %min3A_1228 = arith.minimumf %gather3A_1227, %sub3A_1196 : vector<16xf32>
            %mul3A_1229 = arith.mulf %broadcast_in_dim3A_1224, %min3A_1228 : vector<16xf32>
            %add3A_1230 = arith.addf %add3A_1195, %mul3A_1229 : vector<16xf32>
            %sub3A_1231 = arith.subf %sub3A_1196, %min3A_1228 : vector<16xf32>
            %gather3A_1232 = arith.constant 16 : i32
            %gather3A_1233 = tpu.memref_slice %arg6[%gather3A_1232] : memref<65536xf32, #tpu.memory_space<vmem>> -> memref<65488xf32, #tpu.memory_space<vmem>>
            %gather3A_1234 = tpu.vector_load_idx %gather3A_1233[%add3A_1221] : memref<65488xf32, #tpu.memory_space<vmem>>[vector<16xi32>], vector<16xf32>,
            %min3A_1235 = arith.minimumf %gather3A_1234, %sub3A_1203 : vector<16xf32>
            %mul3A_1236 = arith.mulf %broadcast_in_dim3A_1224, %min3A_1235 : vector<16xf32>
            %add3A_1237 = arith.addf %add3A_1202, %mul3A_1236 : vector<16xf32>
            %sub3A_1238 = arith.subf %sub3A_1203, %min3A_1235 : vector<16xf32>
            %gather3A_1239 = arith.constant 32 : i32
            %gather3A_1240 = tpu.memref_slice %arg6[%gather3A_1239] : memref<65536xf32, #tpu.memory_space<vmem>> -> memref<65488xf32, #tpu.memory_space<vmem>>
            %gather3A_1241 = tpu.vector_load_idx %gather3A_1240[%add3A_1221] : memref<65488xf32, #tpu.memory_space<vmem>>[vector<16xi32>], vector<16xf32>,
            %min3A_1242 = arith.minimumf %gather3A_1241, %sub3A_1210 : vector<16xf32>
            %mul3A_1243 = arith.mulf %broadcast_in_dim3A_1224, %min3A_1242 : vector<16xf32>
            %add3A_1244 = arith.addf %add3A_1209, %mul3A_1243 : vector<16xf32>
            %sub3A_1245 = arith.subf %sub3A_1210, %min3A_1242 : vector<16xf32>
            %gather3A_1246 = arith.constant 48 : i32
            %gather3A_1247 = tpu.memref_slice %arg6[%gather3A_1246] : memref<65536xf32, #tpu.memory_space<vmem>> -> memref<65488xf32, #tpu.memory_space<vmem>>
            %gather3A_1248 = tpu.vector_load_idx %gather3A_1247[%add3A_1221] : memref<65488xf32, #tpu.memory_space<vmem>>[vector<16xi32>], vector<16xf32>,
            %min3A_1249 = arith.minimumf %gather3A_1248, %sub3A_1217 : vector<16xf32>
            %mul3A_1250 = arith.mulf %broadcast_in_dim3A_1224, %min3A_1249 : vector<16xf32>
            %add3A_1251 = arith.addf %add3A_1216, %mul3A_1250 : vector<16xf32>
            %sub3A_1252 = arith.subf %sub3A_1217, %min3A_1249 : vector<16xf32>
            %slice3A_1253 = vector.extract_strided_slice %get3A_898 {offsets = [10], sizes = [1], strides = [1]} : vector<16xi32> to vector<1xi32>
            %squeeze3A_1254 = vector.extract %slice3A_1253[0] : i32 from vector<1xi32>
            %broadcast_in_dim3A_1255 = vector.broadcast %squeeze3A_1254 : i32 to vector<16xi32>
            %add3A_1256 = arith.addi %broadcast_in_dim3A_1255, %iota3A : vector<16xi32>
            %slice3A_1257 = vector.extract_strided_slice %get3A_902 {offsets = [10], sizes = [1], strides = [1]} : vector<16xf32> to vector<1xf32>
            %squeeze3A_1258 = vector.extract %slice3A_1257[0] : f32 from vector<1xf32>
            %broadcast_in_dim3A_1259 = vector.broadcast %squeeze3A_1258 : f32 to vector<16xf32>
            %gather3A_1260 = arith.constant 0 : i32
            %gather3A_1261 = tpu.memref_slice %arg6[%gather3A_1260] : memref<65536xf32, #tpu.memory_space<vmem>> -> memref<65488xf32, #tpu.memory_space<vmem>>
            %gather3A_1262 = tpu.vector_load_idx %gather3A_1261[%add3A_1256] : memref<65488xf32, #tpu.memory_space<vmem>>[vector<16xi32>], vector<16xf32>,
            %min3A_1263 = arith.minimumf %gather3A_1262, %sub3A_1231 : vector<16xf32>
            %mul3A_1264 = arith.mulf %broadcast_in_dim3A_1259, %min3A_1263 : vector<16xf32>
            %add3A_1265 = arith.addf %add3A_1230, %mul3A_1264 : vector<16xf32>
            %sub3A_1266 = arith.subf %sub3A_1231, %min3A_1263 : vector<16xf32>
            %gather3A_1267 = arith.constant 16 : i32
            %gather3A_1268 = tpu.memref_slice %arg6[%gather3A_1267] : memref<65536xf32, #tpu.memory_space<vmem>> -> memref<65488xf32, #tpu.memory_space<vmem>>
            %gather3A_1269 = tpu.vector_load_idx %gather3A_1268[%add3A_1256] : memref<65488xf32, #tpu.memory_space<vmem>>[vector<16xi32>], vector<16xf32>,
            %min3A_1270 = arith.minimumf %gather3A_1269, %sub3A_1238 : vector<16xf32>
            %mul3A_1271 = arith.mulf %broadcast_in_dim3A_1259, %min3A_1270 : vector<16xf32>
            %add3A_1272 = arith.addf %add3A_1237, %mul3A_1271 : vector<16xf32>
            %sub3A_1273 = arith.subf %sub3A_1238, %min3A_1270 : vector<16xf32>
            %gather3A_1274 = arith.constant 32 : i32
            %gather3A_1275 = tpu.memref_slice %arg6[%gather3A_1274] : memref<65536xf32, #tpu.memory_space<vmem>> -> memref<65488xf32, #tpu.memory_space<vmem>>
            %gather3A_1276 = tpu.vector_load_idx %gather3A_1275[%add3A_1256] : memref<65488xf32, #tpu.memory_space<vmem>>[vector<16xi32>], vector<16xf32>,
            %min3A_1277 = arith.minimumf %gather3A_1276, %sub3A_1245 : vector<16xf32>
            %mul3A_1278 = arith.mulf %broadcast_in_dim3A_1259, %min3A_1277 : vector<16xf32>
            %add3A_1279 = arith.addf %add3A_1244, %mul3A_1278 : vector<16xf32>
            %sub3A_1280 = arith.subf %sub3A_1245, %min3A_1277 : vector<16xf32>
            %gather3A_1281 = arith.constant 48 : i32
            %gather3A_1282 = tpu.memref_slice %arg6[%gather3A_1281] : memref<65536xf32, #tpu.memory_space<vmem>> -> memref<65488xf32, #tpu.memory_space<vmem>>
            %gather3A_1283 = tpu.vector_load_idx %gather3A_1282[%add3A_1256] : memref<65488xf32, #tpu.memory_space<vmem>>[vector<16xi32>], vector<16xf32>,
            %min3A_1284 = arith.minimumf %gather3A_1283, %sub3A_1252 : vector<16xf32>
            %mul3A_1285 = arith.mulf %broadcast_in_dim3A_1259, %min3A_1284 : vector<16xf32>
            %add3A_1286 = arith.addf %add3A_1251, %mul3A_1285 : vector<16xf32>
            %sub3A_1287 = arith.subf %sub3A_1252, %min3A_1284 : vector<16xf32>
            %slice3A_1288 = vector.extract_strided_slice %get3A_898 {offsets = [11], sizes = [1], strides = [1]} : vector<16xi32> to vector<1xi32>
            %squeeze3A_1289 = vector.extract %slice3A_1288[0] : i32 from vector<1xi32>
            %broadcast_in_dim3A_1290 = vector.broadcast %squeeze3A_1289 : i32 to vector<16xi32>
            %add3A_1291 = arith.addi %broadcast_in_dim3A_1290, %iota3A : vector<16xi32>
            %slice3A_1292 = vector.extract_strided_slice %get3A_902 {offsets = [11], sizes = [1], strides = [1]} : vector<16xf32> to vector<1xf32>
            %squeeze3A_1293 = vector.extract %slice3A_1292[0] : f32 from vector<1xf32>
            %broadcast_in_dim3A_1294 = vector.broadcast %squeeze3A_1293 : f32 to vector<16xf32>
            %gather3A_1295 = arith.constant 0 : i32
            %gather3A_1296 = tpu.memref_slice %arg6[%gather3A_1295] : memref<65536xf32, #tpu.memory_space<vmem>> -> memref<65488xf32, #tpu.memory_space<vmem>>
            %gather3A_1297 = tpu.vector_load_idx %gather3A_1296[%add3A_1291] : memref<65488xf32, #tpu.memory_space<vmem>>[vector<16xi32>], vector<16xf32>,
            %min3A_1298 = arith.minimumf %gather3A_1297, %sub3A_1266 : vector<16xf32>
            %mul3A_1299 = arith.mulf %broadcast_in_dim3A_1294, %min3A_1298 : vector<16xf32>
            %add3A_1300 = arith.addf %add3A_1265, %mul3A_1299 : vector<16xf32>
            %sub3A_1301 = arith.subf %sub3A_1266, %min3A_1298 : vector<16xf32>
            %gather3A_1302 = arith.constant 16 : i32
            %gather3A_1303 = tpu.memref_slice %arg6[%gather3A_1302] : memref<65536xf32, #tpu.memory_space<vmem>> -> memref<65488xf32, #tpu.memory_space<vmem>>
            %gather3A_1304 = tpu.vector_load_idx %gather3A_1303[%add3A_1291] : memref<65488xf32, #tpu.memory_space<vmem>>[vector<16xi32>], vector<16xf32>,
            %min3A_1305 = arith.minimumf %gather3A_1304, %sub3A_1273 : vector<16xf32>
            %mul3A_1306 = arith.mulf %broadcast_in_dim3A_1294, %min3A_1305 : vector<16xf32>
            %add3A_1307 = arith.addf %add3A_1272, %mul3A_1306 : vector<16xf32>
            %sub3A_1308 = arith.subf %sub3A_1273, %min3A_1305 : vector<16xf32>
            %gather3A_1309 = arith.constant 32 : i32
            %gather3A_1310 = tpu.memref_slice %arg6[%gather3A_1309] : memref<65536xf32, #tpu.memory_space<vmem>> -> memref<65488xf32, #tpu.memory_space<vmem>>
            %gather3A_1311 = tpu.vector_load_idx %gather3A_1310[%add3A_1291] : memref<65488xf32, #tpu.memory_space<vmem>>[vector<16xi32>], vector<16xf32>,
            %min3A_1312 = arith.minimumf %gather3A_1311, %sub3A_1280 : vector<16xf32>
            %mul3A_1313 = arith.mulf %broadcast_in_dim3A_1294, %min3A_1312 : vector<16xf32>
            %add3A_1314 = arith.addf %add3A_1279, %mul3A_1313 : vector<16xf32>
            %sub3A_1315 = arith.subf %sub3A_1280, %min3A_1312 : vector<16xf32>
            %gather3A_1316 = arith.constant 48 : i32
            %gather3A_1317 = tpu.memref_slice %arg6[%gather3A_1316] : memref<65536xf32, #tpu.memory_space<vmem>> -> memref<65488xf32, #tpu.memory_space<vmem>>
            %gather3A_1318 = tpu.vector_load_idx %gather3A_1317[%add3A_1291] : memref<65488xf32, #tpu.memory_space<vmem>>[vector<16xi32>], vector<16xf32>,
            %min3A_1319 = arith.minimumf %gather3A_1318, %sub3A_1287 : vector<16xf32>
            %mul3A_1320 = arith.mulf %broadcast_in_dim3A_1294, %min3A_1319 : vector<16xf32>
            %add3A_1321 = arith.addf %add3A_1286, %mul3A_1320 : vector<16xf32>
            %sub3A_1322 = arith.subf %sub3A_1287, %min3A_1319 : vector<16xf32>
            %slice3A_1323 = vector.extract_strided_slice %get3A_898 {offsets = [12], sizes = [1], strides = [1]} : vector<16xi32> to vector<1xi32>
            %squeeze3A_1324 = vector.extract %slice3A_1323[0] : i32 from vector<1xi32>
            %broadcast_in_dim3A_1325 = vector.broadcast %squeeze3A_1324 : i32 to vector<16xi32>
            %add3A_1326 = arith.addi %broadcast_in_dim3A_1325, %iota3A : vector<16xi32>
            %slice3A_1327 = vector.extract_strided_slice %get3A_902 {offsets = [12], sizes = [1], strides = [1]} : vector<16xf32> to vector<1xf32>
            %squeeze3A_1328 = vector.extract %slice3A_1327[0] : f32 from vector<1xf32>
            %broadcast_in_dim3A_1329 = vector.broadcast %squeeze3A_1328 : f32 to vector<16xf32>
            %gather3A_1330 = arith.constant 0 : i32
            %gather3A_1331 = tpu.memref_slice %arg6[%gather3A_1330] : memref<65536xf32, #tpu.memory_space<vmem>> -> memref<65488xf32, #tpu.memory_space<vmem>>
            %gather3A_1332 = tpu.vector_load_idx %gather3A_1331[%add3A_1326] : memref<65488xf32, #tpu.memory_space<vmem>>[vector<16xi32>], vector<16xf32>,
            %min3A_1333 = arith.minimumf %gather3A_1332, %sub3A_1301 : vector<16xf32>
            %mul3A_1334 = arith.mulf %broadcast_in_dim3A_1329, %min3A_1333 : vector<16xf32>
            %add3A_1335 = arith.addf %add3A_1300, %mul3A_1334 : vector<16xf32>
            %sub3A_1336 = arith.subf %sub3A_1301, %min3A_1333 : vector<16xf32>
            %gather3A_1337 = arith.constant 16 : i32
            %gather3A_1338 = tpu.memref_slice %arg6[%gather3A_1337] : memref<65536xf32, #tpu.memory_space<vmem>> -> memref<65488xf32, #tpu.memory_space<vmem>>
            %gather3A_1339 = tpu.vector_load_idx %gather3A_1338[%add3A_1326] : memref<65488xf32, #tpu.memory_space<vmem>>[vector<16xi32>], vector<16xf32>,
            %min3A_1340 = arith.minimumf %gather3A_1339, %sub3A_1308 : vector<16xf32>
            %mul3A_1341 = arith.mulf %broadcast_in_dim3A_1329, %min3A_1340 : vector<16xf32>
            %add3A_1342 = arith.addf %add3A_1307, %mul3A_1341 : vector<16xf32>
            %sub3A_1343 = arith.subf %sub3A_1308, %min3A_1340 : vector<16xf32>
            %gather3A_1344 = arith.constant 32 : i32
            %gather3A_1345 = tpu.memref_slice %arg6[%gather3A_1344] : memref<65536xf32, #tpu.memory_space<vmem>> -> memref<65488xf32, #tpu.memory_space<vmem>>
            %gather3A_1346 = tpu.vector_load_idx %gather3A_1345[%add3A_1326] : memref<65488xf32, #tpu.memory_space<vmem>>[vector<16xi32>], vector<16xf32>,
            %min3A_1347 = arith.minimumf %gather3A_1346, %sub3A_1315 : vector<16xf32>
            %mul3A_1348 = arith.mulf %broadcast_in_dim3A_1329, %min3A_1347 : vector<16xf32>
            %add3A_1349 = arith.addf %add3A_1314, %mul3A_1348 : vector<16xf32>
            %sub3A_1350 = arith.subf %sub3A_1315, %min3A_1347 : vector<16xf32>
            %gather3A_1351 = arith.constant 48 : i32
            %gather3A_1352 = tpu.memref_slice %arg6[%gather3A_1351] : memref<65536xf32, #tpu.memory_space<vmem>> -> memref<65488xf32, #tpu.memory_space<vmem>>
            %gather3A_1353 = tpu.vector_load_idx %gather3A_1352[%add3A_1326] : memref<65488xf32, #tpu.memory_space<vmem>>[vector<16xi32>], vector<16xf32>,
            %min3A_1354 = arith.minimumf %gather3A_1353, %sub3A_1322 : vector<16xf32>
            %mul3A_1355 = arith.mulf %broadcast_in_dim3A_1329, %min3A_1354 : vector<16xf32>
            %add3A_1356 = arith.addf %add3A_1321, %mul3A_1355 : vector<16xf32>
            %sub3A_1357 = arith.subf %sub3A_1322, %min3A_1354 : vector<16xf32>
            %slice3A_1358 = vector.extract_strided_slice %get3A_898 {offsets = [13], sizes = [1], strides = [1]} : vector<16xi32> to vector<1xi32>
            %squeeze3A_1359 = vector.extract %slice3A_1358[0] : i32 from vector<1xi32>
            %broadcast_in_dim3A_1360 = vector.broadcast %squeeze3A_1359 : i32 to vector<16xi32>
            %add3A_1361 = arith.addi %broadcast_in_dim3A_1360, %iota3A : vector<16xi32>
            %slice3A_1362 = vector.extract_strided_slice %get3A_902 {offsets = [13], sizes = [1], strides = [1]} : vector<16xf32> to vector<1xf32>
            %squeeze3A_1363 = vector.extract %slice3A_1362[0] : f32 from vector<1xf32>
            %broadcast_in_dim3A_1364 = vector.broadcast %squeeze3A_1363 : f32 to vector<16xf32>
            %gather3A_1365 = arith.constant 0 : i32
            %gather3A_1366 = tpu.memref_slice %arg6[%gather3A_1365] : memref<65536xf32, #tpu.memory_space<vmem>> -> memref<65488xf32, #tpu.memory_space<vmem>>
            %gather3A_1367 = tpu.vector_load_idx %gather3A_1366[%add3A_1361] : memref<65488xf32, #tpu.memory_space<vmem>>[vector<16xi32>], vector<16xf32>,
            %min3A_1368 = arith.minimumf %gather3A_1367, %sub3A_1336 : vector<16xf32>
            %mul3A_1369 = arith.mulf %broadcast_in_dim3A_1364, %min3A_1368 : vector<16xf32>
            %add3A_1370 = arith.addf %add3A_1335, %mul3A_1369 : vector<16xf32>
            %sub3A_1371 = arith.subf %sub3A_1336, %min3A_1368 : vector<16xf32>
            %gather3A_1372 = arith.constant 16 : i32
            %gather3A_1373 = tpu.memref_slice %arg6[%gather3A_1372] : memref<65536xf32, #tpu.memory_space<vmem>> -> memref<65488xf32, #tpu.memory_space<vmem>>
            %gather3A_1374 = tpu.vector_load_idx %gather3A_1373[%add3A_1361] : memref<65488xf32, #tpu.memory_space<vmem>>[vector<16xi32>], vector<16xf32>,
            %min3A_1375 = arith.minimumf %gather3A_1374, %sub3A_1343 : vector<16xf32>
            %mul3A_1376 = arith.mulf %broadcast_in_dim3A_1364, %min3A_1375 : vector<16xf32>
            %add3A_1377 = arith.addf %add3A_1342, %mul3A_1376 : vector<16xf32>
            %sub3A_1378 = arith.subf %sub3A_1343, %min3A_1375 : vector<16xf32>
            %gather3A_1379 = arith.constant 32 : i32
            %gather3A_1380 = tpu.memref_slice %arg6[%gather3A_1379] : memref<65536xf32, #tpu.memory_space<vmem>> -> memref<65488xf32, #tpu.memory_space<vmem>>
            %gather3A_1381 = tpu.vector_load_idx %gather3A_1380[%add3A_1361] : memref<65488xf32, #tpu.memory_space<vmem>>[vector<16xi32>], vector<16xf32>,
            %min3A_1382 = arith.minimumf %gather3A_1381, %sub3A_1350 : vector<16xf32>
            %mul3A_1383 = arith.mulf %broadcast_in_dim3A_1364, %min3A_1382 : vector<16xf32>
            %add3A_1384 = arith.addf %add3A_1349, %mul3A_1383 : vector<16xf32>
            %sub3A_1385 = arith.subf %sub3A_1350, %min3A_1382 : vector<16xf32>
            %gather3A_1386 = arith.constant 48 : i32
            %gather3A_1387 = tpu.memref_slice %arg6[%gather3A_1386] : memref<65536xf32, #tpu.memory_space<vmem>> -> memref<65488xf32, #tpu.memory_space<vmem>>
            %gather3A_1388 = tpu.vector_load_idx %gather3A_1387[%add3A_1361] : memref<65488xf32, #tpu.memory_space<vmem>>[vector<16xi32>], vector<16xf32>,
            %min3A_1389 = arith.minimumf %gather3A_1388, %sub3A_1357 : vector<16xf32>
            %mul3A_1390 = arith.mulf %broadcast_in_dim3A_1364, %min3A_1389 : vector<16xf32>
            %add3A_1391 = arith.addf %add3A_1356, %mul3A_1390 : vector<16xf32>
            %sub3A_1392 = arith.subf %sub3A_1357, %min3A_1389 : vector<16xf32>
            %slice3A_1393 = vector.extract_strided_slice %get3A_898 {offsets = [14], sizes = [1], strides = [1]} : vector<16xi32> to vector<1xi32>
            %squeeze3A_1394 = vector.extract %slice3A_1393[0] : i32 from vector<1xi32>
            %broadcast_in_dim3A_1395 = vector.broadcast %squeeze3A_1394 : i32 to vector<16xi32>
            %add3A_1396 = arith.addi %broadcast_in_dim3A_1395, %iota3A : vector<16xi32>
            %slice3A_1397 = vector.extract_strided_slice %get3A_902 {offsets = [14], sizes = [1], strides = [1]} : vector<16xf32> to vector<1xf32>
            %squeeze3A_1398 = vector.extract %slice3A_1397[0] : f32 from vector<1xf32>
            %broadcast_in_dim3A_1399 = vector.broadcast %squeeze3A_1398 : f32 to vector<16xf32>
            %gather3A_1400 = arith.constant 0 : i32
            %gather3A_1401 = tpu.memref_slice %arg6[%gather3A_1400] : memref<65536xf32, #tpu.memory_space<vmem>> -> memref<65488xf32, #tpu.memory_space<vmem>>
            %gather3A_1402 = tpu.vector_load_idx %gather3A_1401[%add3A_1396] : memref<65488xf32, #tpu.memory_space<vmem>>[vector<16xi32>], vector<16xf32>,
            %min3A_1403 = arith.minimumf %gather3A_1402, %sub3A_1371 : vector<16xf32>
            %mul3A_1404 = arith.mulf %broadcast_in_dim3A_1399, %min3A_1403 : vector<16xf32>
            %add3A_1405 = arith.addf %add3A_1370, %mul3A_1404 : vector<16xf32>
            %sub3A_1406 = arith.subf %sub3A_1371, %min3A_1403 : vector<16xf32>
            %gather3A_1407 = arith.constant 16 : i32
            %gather3A_1408 = tpu.memref_slice %arg6[%gather3A_1407] : memref<65536xf32, #tpu.memory_space<vmem>> -> memref<65488xf32, #tpu.memory_space<vmem>>
            %gather3A_1409 = tpu.vector_load_idx %gather3A_1408[%add3A_1396] : memref<65488xf32, #tpu.memory_space<vmem>>[vector<16xi32>], vector<16xf32>,
            %min3A_1410 = arith.minimumf %gather3A_1409, %sub3A_1378 : vector<16xf32>
            %mul3A_1411 = arith.mulf %broadcast_in_dim3A_1399, %min3A_1410 : vector<16xf32>
            %add3A_1412 = arith.addf %add3A_1377, %mul3A_1411 : vector<16xf32>
            %sub3A_1413 = arith.subf %sub3A_1378, %min3A_1410 : vector<16xf32>
            %gather3A_1414 = arith.constant 32 : i32
            %gather3A_1415 = tpu.memref_slice %arg6[%gather3A_1414] : memref<65536xf32, #tpu.memory_space<vmem>> -> memref<65488xf32, #tpu.memory_space<vmem>>
            %gather3A_1416 = tpu.vector_load_idx %gather3A_1415[%add3A_1396] : memref<65488xf32, #tpu.memory_space<vmem>>[vector<16xi32>], vector<16xf32>,
            %min3A_1417 = arith.minimumf %gather3A_1416, %sub3A_1385 : vector<16xf32>
            %mul3A_1418 = arith.mulf %broadcast_in_dim3A_1399, %min3A_1417 : vector<16xf32>
            %add3A_1419 = arith.addf %add3A_1384, %mul3A_1418 : vector<16xf32>
            %sub3A_1420 = arith.subf %sub3A_1385, %min3A_1417 : vector<16xf32>
            %gather3A_1421 = arith.constant 48 : i32
            %gather3A_1422 = tpu.memref_slice %arg6[%gather3A_1421] : memref<65536xf32, #tpu.memory_space<vmem>> -> memref<65488xf32, #tpu.memory_space<vmem>>
            %gather3A_1423 = tpu.vector_load_idx %gather3A_1422[%add3A_1396] : memref<65488xf32, #tpu.memory_space<vmem>>[vector<16xi32>], vector<16xf32>,
            %min3A_1424 = arith.minimumf %gather3A_1423, %sub3A_1392 : vector<16xf32>
            %mul3A_1425 = arith.mulf %broadcast_in_dim3A_1399, %min3A_1424 : vector<16xf32>
            %add3A_1426 = arith.addf %add3A_1391, %mul3A_1425 : vector<16xf32>
            %sub3A_1427 = arith.subf %sub3A_1392, %min3A_1424 : vector<16xf32>
            %slice3A_1428 = vector.extract_strided_slice %get3A_898 {offsets = [15], sizes = [1], strides = [1]} : vector<16xi32> to vector<1xi32>
            %squeeze3A_1429 = vector.extract %slice3A_1428[0] : i32 from vector<1xi32>
            %broadcast_in_dim3A_1430 = vector.broadcast %squeeze3A_1429 : i32 to vector<16xi32>
            %add3A_1431 = arith.addi %broadcast_in_dim3A_1430, %iota3A : vector<16xi32>
            %slice3A_1432 = vector.extract_strided_slice %get3A_902 {offsets = [15], sizes = [1], strides = [1]} : vector<16xf32> to vector<1xf32>
            %squeeze3A_1433 = vector.extract %slice3A_1432[0] : f32 from vector<1xf32>
            %broadcast_in_dim3A_1434 = vector.broadcast %squeeze3A_1433 : f32 to vector<16xf32>
            %gather3A_1435 = arith.constant 0 : i32
            %gather3A_1436 = tpu.memref_slice %arg6[%gather3A_1435] : memref<65536xf32, #tpu.memory_space<vmem>> -> memref<65488xf32, #tpu.memory_space<vmem>>
            %gather3A_1437 = tpu.vector_load_idx %gather3A_1436[%add3A_1431] : memref<65488xf32, #tpu.memory_space<vmem>>[vector<16xi32>], vector<16xf32>,
            %min3A_1438 = arith.minimumf %gather3A_1437, %sub3A_1406 : vector<16xf32>
            %mul3A_1439 = arith.mulf %broadcast_in_dim3A_1434, %min3A_1438 : vector<16xf32>
            %add3A_1440 = arith.addf %add3A_1405, %mul3A_1439 : vector<16xf32>
            %sub3A_1441 = arith.subf %sub3A_1406, %min3A_1438 : vector<16xf32>
            %gather3A_1442 = arith.constant 16 : i32
            %gather3A_1443 = tpu.memref_slice %arg6[%gather3A_1442] : memref<65536xf32, #tpu.memory_space<vmem>> -> memref<65488xf32, #tpu.memory_space<vmem>>
            %gather3A_1444 = tpu.vector_load_idx %gather3A_1443[%add3A_1431] : memref<65488xf32, #tpu.memory_space<vmem>>[vector<16xi32>], vector<16xf32>,
            %min3A_1445 = arith.minimumf %gather3A_1444, %sub3A_1413 : vector<16xf32>
            %mul3A_1446 = arith.mulf %broadcast_in_dim3A_1434, %min3A_1445 : vector<16xf32>
            %add3A_1447 = arith.addf %add3A_1412, %mul3A_1446 : vector<16xf32>
            %sub3A_1448 = arith.subf %sub3A_1413, %min3A_1445 : vector<16xf32>
            %gather3A_1449 = arith.constant 32 : i32
            %gather3A_1450 = tpu.memref_slice %arg6[%gather3A_1449] : memref<65536xf32, #tpu.memory_space<vmem>> -> memref<65488xf32, #tpu.memory_space<vmem>>
            %gather3A_1451 = tpu.vector_load_idx %gather3A_1450[%add3A_1431] : memref<65488xf32, #tpu.memory_space<vmem>>[vector<16xi32>], vector<16xf32>,
            %min3A_1452 = arith.minimumf %gather3A_1451, %sub3A_1420 : vector<16xf32>
            %mul3A_1453 = arith.mulf %broadcast_in_dim3A_1434, %min3A_1452 : vector<16xf32>
            %add3A_1454 = arith.addf %add3A_1419, %mul3A_1453 : vector<16xf32>
            %sub3A_1455 = arith.subf %sub3A_1420, %min3A_1452 : vector<16xf32>
            %gather3A_1456 = arith.constant 48 : i32
            %gather3A_1457 = tpu.memref_slice %arg6[%gather3A_1456] : memref<65536xf32, #tpu.memory_space<vmem>> -> memref<65488xf32, #tpu.memory_space<vmem>>
            %gather3A_1458 = tpu.vector_load_idx %gather3A_1457[%add3A_1431] : memref<65488xf32, #tpu.memory_space<vmem>>[vector<16xi32>], vector<16xf32>,
            %min3A_1459 = arith.minimumf %gather3A_1458, %sub3A_1427 : vector<16xf32>
            %mul3A_1460 = arith.mulf %broadcast_in_dim3A_1434, %min3A_1459 : vector<16xf32>
            %add3A_1461 = arith.addf %add3A_1426, %mul3A_1460 : vector<16xf32>
            %sub3A_1462 = arith.subf %sub3A_1427, %min3A_1459 : vector<16xf32>
            %swap3A_1463 = arith.constant 0 : index
            %swap3A_1464 = tpu.vector_load %arg10[%swap3A_1463] {strides = array<i32>} : memref<128xf32, #tpu.memory_space<vmem>>, vector<16xf32>,
            tpu.vector_store %arg10[%swap3A_1463], %sub3A_1441 {strides = array<i32>} : memref<128xf32, #tpu.memory_space<vmem>>, vector<16xf32>,
            %swap3A_1465 = arith.constant 64 : index
            %swap3A_1466 = tpu.vector_load %arg10[%swap3A_1465] {strides = array<i32>} : memref<128xf32, #tpu.memory_space<vmem>>, vector<16xf32>,
            tpu.vector_store %arg10[%swap3A_1465], %add3A_1440 {strides = array<i32>} : memref<128xf32, #tpu.memory_space<vmem>>, vector<16xf32>,
            %swap3A_1467 = arith.constant 16 : index
            %swap3A_1468 = tpu.vector_load %arg10[%swap3A_1467] {strides = array<i32>} : memref<128xf32, #tpu.memory_space<vmem>>, vector<16xf32>,
            tpu.vector_store %arg10[%swap3A_1467], %sub3A_1448 {strides = array<i32>} : memref<128xf32, #tpu.memory_space<vmem>>, vector<16xf32>,
            %swap3A_1469 = arith.constant 80 : index
            %swap3A_1470 = tpu.vector_load %arg10[%swap3A_1469] {strides = array<i32>} : memref<128xf32, #tpu.memory_space<vmem>>, vector<16xf32>,
            tpu.vector_store %arg10[%swap3A_1469], %add3A_1447 {strides = array<i32>} : memref<128xf32, #tpu.memory_space<vmem>>, vector<16xf32>,
            %swap3A_1471 = arith.constant 32 : index
            %swap3A_1472 = tpu.vector_load %arg10[%swap3A_1471] {strides = array<i32>} : memref<128xf32, #tpu.memory_space<vmem>>, vector<16xf32>,
            tpu.vector_store %arg10[%swap3A_1471], %sub3A_1455 {strides = array<i32>} : memref<128xf32, #tpu.memory_space<vmem>>, vector<16xf32>,
            %swap3A_1473 = arith.constant 96 : index
            %swap3A_1474 = tpu.vector_load %arg10[%swap3A_1473] {strides = array<i32>} : memref<128xf32, #tpu.memory_space<vmem>>, vector<16xf32>,
            tpu.vector_store %arg10[%swap3A_1473], %add3A_1454 {strides = array<i32>} : memref<128xf32, #tpu.memory_space<vmem>>, vector<16xf32>,
            %swap3A_1475 = arith.constant 48 : index
            %swap3A_1476 = tpu.vector_load %arg10[%swap3A_1475] {strides = array<i32>} : memref<128xf32, #tpu.memory_space<vmem>>, vector<16xf32>,
            tpu.vector_store %arg10[%swap3A_1475], %sub3A_1462 {strides = array<i32>} : memref<128xf32, #tpu.memory_space<vmem>>, vector<16xf32>,
            %swap3A_1477 = arith.constant 112 : index
            %swap3A_1478 = tpu.vector_load %arg10[%swap3A_1477] {strides = array<i32>} : memref<128xf32, #tpu.memory_space<vmem>>, vector<16xf32>,
            tpu.vector_store %arg10[%swap3A_1477], %add3A_1461 {strides = array<i32>} : memref<128xf32, #tpu.memory_space<vmem>>, vector<16xf32>,
            %le3A = arith.cmpf ole, %sub3A_1441, %broadcast_in_dim3A_36 : vector<16xf32>
            %le3A_1479 = arith.cmpf ole, %sub3A_1448, %broadcast_in_dim3A_36 : vector<16xf32>
            %and3A = arith.andi %le3A, %le3A_1479 : vector<16xi1>
            %le3A_1480 = arith.cmpf ole, %sub3A_1455, %broadcast_in_dim3A_36 : vector<16xf32>
            %and3A_1481 = arith.andi %and3A, %le3A_1480 : vector<16xi1>
            %le3A_1482 = arith.cmpf ole, %sub3A_1462, %broadcast_in_dim3A_36 : vector<16xf32>
            %and3A_1483 = arith.andi %and3A_1481, %le3A_1482 : vector<16xi1>
            %reduce_and3A = arith.constant 1.000000e+00 : f32
            %reduce_and3A_1484 = arith.constant 0.000000e+00 : f32
            %reduce_and3A_1485 = vector.broadcast %reduce_and3A : f32 to vector<16xf32>
            %reduce_and3A_1486 = vector.broadcast %reduce_and3A_1484 : f32 to vector<16xf32>
            %reduce_and3A_1487 = arith.select %and3A_1483, %reduce_and3A_1485, %reduce_and3A_1486 : vector<16xi1>, vector<16xf32>
            %reduce_and3A_1488 = arith.constant true
            %reduce_and3A_1489 = vector.broadcast %reduce_and3A_1488 : i1 to vector<16xi1>
            %reduce_and3A_1490 = tpu.scan <min>, %reduce_and3A_1487 masked %reduce_and3A_1489 : vector<16xf32>, vector<16xi1> -> vector<16xf32>
            %reduce_and3A_1491 = vector.extract %reduce_and3A_1490[15] : f32 from vector<16xf32>
            %reduce_and3A_1492 = arith.constant 0.000000e+00 : f32
            %reduce_and3A_1493 = arith.cmpf ogt, %reduce_and3A_1491, %reduce_and3A_1492 : f32
            %jit3A = arith.constant 0 : i32
            %jit3A_1494 = arith.constant 1 : i32
            %select_n3A = arith.select %reduce_and3A_1493, %jit3A, %jit3A_1494 : i32
            %swap3A_1495 = arith.constant 0 : i32
            %swap3A_1496 = arith.index_cast %swap3A_1495 : i32 to index
            %swap3A_1497 = memref.load %arg11[%swap3A_1496] : memref<1xi32, #tpu.memory_space<smem>>
            memref.store %select_n3A, %arg11[%swap3A_1496] : memref<1xi32, #tpu.memory_space<smem>>
          } else {
          }
          %scan3A_311 = arith.constant 0 : i32
          scf.yield %scan3A_311 : i32
        }
        %scan3A_152 = arith.constant 32 : i32
        %mul3A_153 = arith.constant 8 : i32
        %mul3A_154 = arith.muli %scan3A_88, %mul3A_153 : i32
        %add3A_155 = arith.addi %mul3A_154, %scan3A_122 : i32
        %mul3A_156 = arith.constant 64 : i32
        %mul3A_157 = arith.muli %add3A_155, %mul3A_156 : i32
        %get3A = arith.constant 64 : index
        %get3A_158 = tpu.vector_load %arg10[%get3A] {strides = array<i32>} : memref<128xf32, #tpu.memory_space<vmem>>, vector<16xf32>,
        %div3A = arith.divf %get3A_158, %mul3A_65 : vector<16xf32>
        %get3A_159 = arith.constant 80 : index
        %get3A_160 = tpu.vector_load %arg10[%get3A_159] {strides = array<i32>} : memref<128xf32, #tpu.memory_space<vmem>>, vector<16xf32>,
        %div3A_161 = arith.divf %get3A_160, %mul3A_68 : vector<16xf32>
        %get3A_162 = arith.constant 96 : index
        %get3A_163 = tpu.vector_load %arg10[%get3A_162] {strides = array<i32>} : memref<128xf32, #tpu.memory_space<vmem>>, vector<16xf32>,
        %div3A_164 = arith.divf %get3A_163, %mul3A_71 : vector<16xf32>
        %get3A_165 = arith.constant 112 : index
        %get3A_166 = tpu.vector_load %arg10[%get3A_165] {strides = array<i32>} : memref<128xf32, #tpu.memory_space<vmem>>, vector<16xf32>,
        %div3A_167 = arith.divf %get3A_166, %mul3A_74 : vector<16xf32>
        %bitcast3A = vector.bitcast %div3A : vector<16xf32> to vector<16xi32>
        %shift_right_arithmetic3A = arith.constant 1 : i32
        %shift_right_arithmetic3A_168 = vector.broadcast %shift_right_arithmetic3A : i32 to vector<16xi32>
        %shift_right_arithmetic3A_169 = arith.shrsi %bitcast3A, %shift_right_arithmetic3A_168 : vector<16xi32>
        %sub3A = arith.constant 1597463007 : i32
        %sub3A_170 = vector.broadcast %sub3A : i32 to vector<16xi32>
        %sub3A_171 = arith.subi %sub3A_170, %shift_right_arithmetic3A_169 : vector<16xi32>
        %bitcast3A_172 = vector.bitcast %sub3A_171 : vector<16xi32> to vector<16xf32>
        %mul3A_173 = arith.constant 5.000000e-01 : f32
        %mul3A_174 = vector.broadcast %mul3A_173 : f32 to vector<16xf32>
        %mul3A_175 = arith.mulf %mul3A_174, %div3A : vector<16xf32>
        %bitcast3A_176 = vector.bitcast %div3A_161 : vector<16xf32> to vector<16xi32>
        %shift_right_arithmetic3A_177 = arith.constant 1 : i32
        %shift_right_arithmetic3A_178 = vector.broadcast %shift_right_arithmetic3A_177 : i32 to vector<16xi32>
        %shift_right_arithmetic3A_179 = arith.shrsi %bitcast3A_176, %shift_right_arithmetic3A_178 : vector<16xi32>
        %sub3A_180 = arith.constant 1597463007 : i32
        %sub3A_181 = vector.broadcast %sub3A_180 : i32 to vector<16xi32>
        %sub3A_182 = arith.subi %sub3A_181, %shift_right_arithmetic3A_179 : vector<16xi32>
        %bitcast3A_183 = vector.bitcast %sub3A_182 : vector<16xi32> to vector<16xf32>
        %mul3A_184 = arith.constant 5.000000e-01 : f32
        %mul3A_185 = vector.broadcast %mul3A_184 : f32 to vector<16xf32>
        %mul3A_186 = arith.mulf %mul3A_185, %div3A_161 : vector<16xf32>
        %bitcast3A_187 = vector.bitcast %div3A_164 : vector<16xf32> to vector<16xi32>
        %shift_right_arithmetic3A_188 = arith.constant 1 : i32
        %shift_right_arithmetic3A_189 = vector.broadcast %shift_right_arithmetic3A_188 : i32 to vector<16xi32>
        %shift_right_arithmetic3A_190 = arith.shrsi %bitcast3A_187, %shift_right_arithmetic3A_189 : vector<16xi32>
        %sub3A_191 = arith.constant 1597463007 : i32
        %sub3A_192 = vector.broadcast %sub3A_191 : i32 to vector<16xi32>
        %sub3A_193 = arith.subi %sub3A_192, %shift_right_arithmetic3A_190 : vector<16xi32>
        %bitcast3A_194 = vector.bitcast %sub3A_193 : vector<16xi32> to vector<16xf32>
        %mul3A_195 = arith.constant 5.000000e-01 : f32
        %mul3A_196 = vector.broadcast %mul3A_195 : f32 to vector<16xf32>
        %mul3A_197 = arith.mulf %mul3A_196, %div3A_164 : vector<16xf32>
        %bitcast3A_198 = vector.bitcast %div3A_167 : vector<16xf32> to vector<16xi32>
        %shift_right_arithmetic3A_199 = arith.constant 1 : i32
        %shift_right_arithmetic3A_200 = vector.broadcast %shift_right_arithmetic3A_199 : i32 to vector<16xi32>
        %shift_right_arithmetic3A_201 = arith.shrsi %bitcast3A_198, %shift_right_arithmetic3A_200 : vector<16xi32>
        %sub3A_202 = arith.constant 1597463007 : i32
        %sub3A_203 = vector.broadcast %sub3A_202 : i32 to vector<16xi32>
        %sub3A_204 = arith.subi %sub3A_203, %shift_right_arithmetic3A_201 : vector<16xi32>
        %bitcast3A_205 = vector.bitcast %sub3A_204 : vector<16xi32> to vector<16xf32>
        %mul3A_206 = arith.constant 5.000000e-01 : f32
        %mul3A_207 = vector.broadcast %mul3A_206 : f32 to vector<16xf32>
        %mul3A_208 = arith.mulf %mul3A_207, %div3A_167 : vector<16xf32>
        %mul3A_209 = arith.mulf %mul3A_175, %bitcast3A_172 : vector<16xf32>
        %mul3A_210 = arith.mulf %mul3A_209, %bitcast3A_172 : vector<16xf32>
        %sub3A_211 = arith.constant 1.500000e+00 : f32
        %sub3A_212 = vector.broadcast %sub3A_211 : f32 to vector<16xf32>
        %sub3A_213 = arith.subf %sub3A_212, %mul3A_210 : vector<16xf32>
        %mul3A_214 = arith.mulf %bitcast3A_172, %sub3A_213 : vector<16xf32>
        %mul3A_215 = arith.mulf %mul3A_186, %bitcast3A_183 : vector<16xf32>
        %mul3A_216 = arith.mulf %mul3A_215, %bitcast3A_183 : vector<16xf32>
        %sub3A_217 = arith.constant 1.500000e+00 : f32
        %sub3A_218 = vector.broadcast %sub3A_217 : f32 to vector<16xf32>
        %sub3A_219 = arith.subf %sub3A_218, %mul3A_216 : vector<16xf32>
        %mul3A_220 = arith.mulf %bitcast3A_183, %sub3A_219 : vector<16xf32>
        %mul3A_221 = arith.mulf %mul3A_197, %bitcast3A_194 : vector<16xf32>
        %mul3A_222 = arith.mulf %mul3A_221, %bitcast3A_194 : vector<16xf32>
        %sub3A_223 = arith.constant 1.500000e+00 : f32
        %sub3A_224 = vector.broadcast %sub3A_223 : f32 to vector<16xf32>
        %sub3A_225 = arith.subf %sub3A_224, %mul3A_222 : vector<16xf32>
        %mul3A_226 = arith.mulf %bitcast3A_194, %sub3A_225 : vector<16xf32>
        %mul3A_227 = arith.mulf %mul3A_208, %bitcast3A_205 : vector<16xf32>
        %mul3A_228 = arith.mulf %mul3A_227, %bitcast3A_205 : vector<16xf32>
        %sub3A_229 = arith.constant 1.500000e+00 : f32
        %sub3A_230 = vector.broadcast %sub3A_229 : f32 to vector<16xf32>
        %sub3A_231 = arith.subf %sub3A_230, %mul3A_228 : vector<16xf32>
        %mul3A_232 = arith.mulf %bitcast3A_205, %sub3A_231 : vector<16xf32>
        %mul3A_233 = arith.mulf %mul3A_175, %mul3A_214 : vector<16xf32>
        %mul3A_234 = arith.mulf %mul3A_233, %mul3A_214 : vector<16xf32>
        %sub3A_235 = arith.constant 1.500000e+00 : f32
        %sub3A_236 = vector.broadcast %sub3A_235 : f32 to vector<16xf32>
        %sub3A_237 = arith.subf %sub3A_236, %mul3A_234 : vector<16xf32>
        %mul3A_238 = arith.mulf %mul3A_214, %sub3A_237 : vector<16xf32>
        %mul3A_239 = arith.mulf %mul3A_186, %mul3A_220 : vector<16xf32>
        %mul3A_240 = arith.mulf %mul3A_239, %mul3A_220 : vector<16xf32>
        %sub3A_241 = arith.constant 1.500000e+00 : f32
        %sub3A_242 = vector.broadcast %sub3A_241 : f32 to vector<16xf32>
        %sub3A_243 = arith.subf %sub3A_242, %mul3A_240 : vector<16xf32>
        %mul3A_244 = arith.mulf %mul3A_220, %sub3A_243 : vector<16xf32>
        %mul3A_245 = arith.mulf %mul3A_197, %mul3A_226 : vector<16xf32>
        %mul3A_246 = arith.mulf %mul3A_245, %mul3A_226 : vector<16xf32>
        %sub3A_247 = arith.constant 1.500000e+00 : f32
        %sub3A_248 = vector.broadcast %sub3A_247 : f32 to vector<16xf32>
        %sub3A_249 = arith.subf %sub3A_248, %mul3A_246 : vector<16xf32>
        %mul3A_250 = arith.mulf %mul3A_226, %sub3A_249 : vector<16xf32>
        %mul3A_251 = arith.mulf %mul3A_208, %mul3A_232 : vector<16xf32>
        %mul3A_252 = arith.mulf %mul3A_251, %mul3A_232 : vector<16xf32>
        %sub3A_253 = arith.constant 1.500000e+00 : f32
        %sub3A_254 = vector.broadcast %sub3A_253 : f32 to vector<16xf32>
        %sub3A_255 = arith.subf %sub3A_254, %mul3A_252 : vector<16xf32>
        %mul3A_256 = arith.mulf %mul3A_232, %sub3A_255 : vector<16xf32>
        %mul3A_257 = arith.mulf %mul3A_175, %mul3A_238 : vector<16xf32>
        %mul3A_258 = arith.mulf %mul3A_257, %mul3A_238 : vector<16xf32>
        %sub3A_259 = arith.constant 1.500000e+00 : f32
        %sub3A_260 = vector.broadcast %sub3A_259 : f32 to vector<16xf32>
        %sub3A_261 = arith.subf %sub3A_260, %mul3A_258 : vector<16xf32>
        %mul3A_262 = arith.mulf %mul3A_238, %sub3A_261 : vector<16xf32>
        %mul3A_263 = arith.mulf %mul3A_186, %mul3A_244 : vector<16xf32>
        %mul3A_264 = arith.mulf %mul3A_263, %mul3A_244 : vector<16xf32>
        %sub3A_265 = arith.constant 1.500000e+00 : f32
        %sub3A_266 = vector.broadcast %sub3A_265 : f32 to vector<16xf32>
        %sub3A_267 = arith.subf %sub3A_266, %mul3A_264 : vector<16xf32>
        %mul3A_268 = arith.mulf %mul3A_244, %sub3A_267 : vector<16xf32>
        %mul3A_269 = arith.mulf %mul3A_197, %mul3A_250 : vector<16xf32>
        %mul3A_270 = arith.mulf %mul3A_269, %mul3A_250 : vector<16xf32>
        %sub3A_271 = arith.constant 1.500000e+00 : f32
        %sub3A_272 = vector.broadcast %sub3A_271 : f32 to vector<16xf32>
        %sub3A_273 = arith.subf %sub3A_272, %mul3A_270 : vector<16xf32>
        %mul3A_274 = arith.mulf %mul3A_250, %sub3A_273 : vector<16xf32>
        %mul3A_275 = arith.mulf %mul3A_208, %mul3A_256 : vector<16xf32>
        %mul3A_276 = arith.mulf %mul3A_275, %mul3A_256 : vector<16xf32>
        %sub3A_277 = arith.constant 1.500000e+00 : f32
        %sub3A_278 = vector.broadcast %sub3A_277 : f32 to vector<16xf32>
        %sub3A_279 = arith.subf %sub3A_278, %mul3A_276 : vector<16xf32>
        %mul3A_280 = arith.mulf %mul3A_256, %sub3A_279 : vector<16xf32>
        %mul3A_281 = arith.mulf %div3A, %mul3A_262 : vector<16xf32>
        %mul3A_282 = arith.mulf %div3A_161, %mul3A_268 : vector<16xf32>
        %mul3A_283 = arith.mulf %div3A_164, %mul3A_274 : vector<16xf32>
        %mul3A_284 = arith.mulf %div3A_167, %mul3A_280 : vector<16xf32>
        %add3A_285 = arith.constant 0 : i32
        %add3A_286 = arith.addi %mul3A_157, %add3A_285 : i32
        %swap3A_287 = arith.index_cast %add3A_286 : i32 to index
        %swap3A_288 = tpu.vector_load %arg9[%swap3A_287] {strides = array<i32>} : memref<2048xf32, #tpu.memory_space<vmem>>, vector<16xf32>,
        tpu.vector_store %arg9[%swap3A_287], %mul3A_281 {strides = array<i32>} : memref<2048xf32, #tpu.memory_space<vmem>>, vector<16xf32>,
        %add3A_289 = arith.constant 16 : i32
        %add3A_290 = arith.addi %mul3A_157, %add3A_289 : i32
        %swap3A_291 = arith.index_cast %add3A_290 : i32 to index
        %swap3A_292 = tpu.vector_load %arg9[%swap3A_291] {strides = array<i32>} : memref<2048xf32, #tpu.memory_space<vmem>>, vector<16xf32>,
        tpu.vector_store %arg9[%swap3A_291], %mul3A_282 {strides = array<i32>} : memref<2048xf32, #tpu.memory_space<vmem>>, vector<16xf32>,
        %add3A_293 = arith.constant 32 : i32
        %add3A_294 = arith.addi %mul3A_157, %add3A_293 : i32
        %swap3A_295 = arith.index_cast %add3A_294 : i32 to index
        %swap3A_296 = tpu.vector_load %arg9[%swap3A_295] {strides = array<i32>} : memref<2048xf32, #tpu.memory_space<vmem>>, vector<16xf32>,
        tpu.vector_store %arg9[%swap3A_295], %mul3A_283 {strides = array<i32>} : memref<2048xf32, #tpu.memory_space<vmem>>, vector<16xf32>,
        %add3A_297 = arith.constant 48 : i32
        %add3A_298 = arith.addi %mul3A_157, %add3A_297 : i32
        %swap3A_299 = arith.index_cast %add3A_298 : i32 to index
        %swap3A_300 = tpu.vector_load %arg9[%swap3A_299] {strides = array<i32>} : memref<2048xf32, #tpu.memory_space<vmem>>, vector<16xf32>,
        tpu.vector_store %arg9[%swap3A_299], %mul3A_284 {strides = array<i32>} : memref<2048xf32, #tpu.memory_space<vmem>>, vector<16xf32>,
        %scan3A_301 = arith.constant 0 : i32
        scf.yield %scan3A_301 : i32
      }
      %scan3A_120 = arith.constant 8 : i32
      %scan3A_121 = arith.constant 0 : i32
      scf.yield %scan3A_121 : i32
    }
    %scan3A_81 = arith.constant 4 : i32
    %mul3A_82 = arith.constant 64 : i32
    %mul3A_83 = arith.muli %mul3A_2, %mul3A_82 : i32
    %dma_start3A_84 = tpu.memref_slice %arg5[%mul3A_83] : memref<65536xf32, #tpu.memory_space<hbm>> -> memref<2048xf32, #tpu.memory_space<hbm>>
    %dma_start3A_85 = tpu.memref_slice %arg5[%mul3A_83] : memref<65536xf32, #tpu.memory_space<hbm>> -> memref<2048xf32, #tpu.memory_space<hbm>>
    tpu.enqueue_dma source(%arg9 : memref<2048xf32, #tpu.memory_space<vmem>>) target(%dma_start3A_85 : memref<2048xf32, #tpu.memory_space<hbm>>) target_semaphore(%arg15 : memref<!tpu.dma_semaphore, #tpu.memory_space<semaphore_mem>>)
    %dma_wait3A_86 = tpu.memref_slice %arg5[%mul3A_83] : memref<65536xf32, #tpu.memory_space<hbm>> -> memref<2048xf32, #tpu.memory_space<hbm>>
    %dma_wait3A_87 = tpu.memref_slice %arg5[%mul3A_83] : memref<65536xf32, #tpu.memory_space<hbm>> -> memref<2048xf32, #tpu.memory_space<hbm>>
    tpu.wait_dma2 semaphore(%arg15 : memref<!tpu.dma_semaphore, #tpu.memory_space<semaphore_mem>>) src(%arg9 : memref<2048xf32, #tpu.memory_space<vmem>>) dst(%dma_wait3A_87 : memref<2048xf32, #tpu.memory_space<hbm>>)
    return
  }
}

</mosaic_0001>

<sc_bundles>
// kernel: kernel.3.cloned.1.call-start
scs
__scs_entry_jumppad:
0x0: {  	(pc) =	sbr.rel $0x88, $3  }
0x1: {  	(tag) =	ssettag $0x0;
	lr =	simm.s32 $0x1  }
0x2: {  	[smem:$0x3FA0] =	sst lr;
	_ =	strace $0xD0000000  }
0x3: {  	_ = 	snop  }
0x4: {  	_ = 	snop  }
0x5: {  	_ = 	snop  }
0x6: {  	_ = 	snop  }
0x7: {  	_ = 	snop  }
__scs_overlays_trampoline_lowered:
0x8: {  	[smem:$0x3FAF] =	sst s0  }
0x9: {  	[smem:$0x3FB0] =	sst s1  }
0xa: {  	[smem:$0x3FB1] =	sst s2  }
0xb: {  	[smem:$0x3FB2] =	sst s3  }
0xc: {  	[smem:$0x3FB3] =	sst s4  }
0xd: {  	[smem:$0x3FB4] =	sst s5  }
0xe: {  	[smem:$0x3FB5] =	sst s6  }
0xf: {  	[smem:$0x3FB6] =	sst s7  }
0x10: {  	[smem:$0x3FB7] =	sst s8  }
0x11: {  	[smem:$0x3FB8] =	sst s9;
	s0 =	simm.s32 @!p0 $0x0  }
0x12: {  	s1 =	sld [smem:$0x3F9E];
	s0 =	simm.s32 @p0 $0x1  }
0x13: {  	[smem:$0x3FB9] =	sst s0;
	s0 =	simm.s32 @!p1 $0x0  }
0x14: {  	s2 =	sld [smem:$0x3F9D];
	s0 =	simm.s32 @p1 $0x1  }
0x15: {  	[smem:$0x3FBA] =	sst s0;
	s0 =	simm.s32 @!p2 $0x0  }
0x16: {  	s3 =	sld [smem:$0x3FDB];
	s0 =	simm.s32 @p2 $0x1  }
0x17: {  	s4 =	simm.s32 $0x1BF5;
	[smem:$0x3FBC] =	sst s0  }
0x18: {  	s0 =	sld [smem:$0x3F9F];
	_ =	swait.ge [sflag:s4], $0x0  }
0x19: {  	s7 =	sld [smem:$0x3FA0]  }
0x1a: {  	s8 =	sadd.s32 $0xFFFFE003, lr  }
0x1b: {  	s9 =	sadd.s32 $0xFFFFFEF7, lr;
	s5 =	simm.s32 $0xFFFFFFFF;
	p2 =	slt.u32 s8, $0xFFFFF086  }
0x1c: {  	p1 =	slt.u32 s9, $0xF7A;
	s5 =	simm.s32 @!p2 $0x0  }
0x1d: {  	s5 =	simm.s32 @p1 $0x1;
	p0 =	seq.s32 s7, s2  }
0x1e: {  	s7 =	smul.u32 @!p0 $0xF7A, s2;
	p2 =	seq.s32 @!p0 s5, $0x0  }
0x1f: {  	s9 =	smul.u32 $0xF7A, s1;
	s8 =	simm.s32 @!p0 $0x1BF5;
	p2 =	por !p2, p0  }
0x20: {  	[sflag:s8] =	ssyncset.s32 @!p0 $0xFFFFF086;
	s6 =	sadd.s32 @!p0 s3, s7;
	s7 =	simm.s32 @!p0 $0x108  }
0x21: {  	s3 =	sadd.s32 s3, s9;
	s6 =	sadd.s32 @!p0 $0x88, s6;
	s7 =	simm.s32 @p2 $0x1082  }
0x22: {  	[simem:s7], [sflag:s8] =	dma.local @!p0 [hbm:s6], $0xF7A  }
0x23: {  	s9 =	sor.u32 $0xD0000000, s2;
	s6 =	simm.s32 $0x108;
	_ =	swait.ge @!p0 [sflag:s8], $0x0  }
0x24: {  	s3 =	sadd.s32 $0x88, s3;
	s6 =	simm.s32 @!p1 $0x1082;
	[sflag:s4] =	ssyncset.s32 $0xFFFFF086  }
0x25: {  	[simem:s6], [sflag:s4] =	dma.local [hbm:s3], $0xF7A  }
0x26: {  	[smem:$0x3FA0] =	sst s1;
	(tag) =	ssettag s2;
	_ =	strace s9  }
0x27: {  	s1 =	sld [smem:$0x3FB0]  }
0x28: {  	s2 =	sld [smem:$0x3FB1]  }
0x29: {  	s4 =	sld [smem:$0x3FB3]  }
0x2a: {  	p0 =	seq.s32 s5, $0x0;
	s5 =	sld [smem:$0x3FB4]  }
0x2b: {  	s6 =	sld [smem:$0x3FB5]  }
0x2c: {  	s7 =	sld [smem:$0x3FB6]  }
0x2d: {  	s3 =	simm.s32 $0x108;
	s8 =	sld [smem:$0x3FB7]  }
0x2e: {  	s3 =	simm.s32 @!p0 $0x1082;
	s9 =	sld [smem:$0x3FB8]  }
0x2f: {  	lr =	sadd.s32 s0, s3;
	s0 =	sld [smem:$0x3FAF]  }
0x30: {  	s3 =	sld [smem:$0x3FB2]  }
0x31: {  	[smem:$0x3FBB] =	sst s10  }
0x32: {  	s10 =	sld [smem:$0x3FB9];
	_ =	sdelay $0x3  }
0x33: {  	p0 =	seq.s32 s10, $0x1;
	s10 =	sld [smem:$0x3FBB];
	_ =	sdelay $0x3  }
0x34: {  	[smem:$0x3FBB] =	sst s10  }
0x35: {  	s10 =	sld [smem:$0x3FBA];
	_ =	sdelay $0x3  }
0x36: {  	p1 =	seq.s32 s10, $0x1;
	s10 =	sld [smem:$0x3FBB];
	_ =	sdelay $0x3  }
0x37: {  	[smem:$0x3FBB] =	sst s10  }
0x38: {  	s10 =	sld [smem:$0x3FBC]  }
0x39: {  	_ = 	snop;
	(pc) =	sbr.ind lr, $3  }
0x3a: {  	_ = 	snop  }
0x3b: {  	_ = 	snop  }
0x3c: {  	p2 =	seq.s32 s10, $0x1;
	s10 =	sld [smem:$0x3FBB]  }
0x3d: {  	_ =	shalt  }
0x3e: {  	_ =	shalt  }
0x3f: {  	_ =	shalt  }
0x40: {  	_ =	shalt  }
0x41: {  	_ =	shalt  }
0x42: {  	_ =	shalt  }
0x43: {  	_ =	shalt  }
0x44: {  	_ =	shalt  }
0x45: {  	_ =	shalt  }
0x46: {  	_ =	shalt  }
0x47: {  	_ =	shalt  }
0x48: {  	_ =	shalt  }
0x49: {  	_ =	shalt  }
0x4a: {  	_ =	shalt  }
0x4b: {  	_ =	shalt  }
0x4c: {  	_ =	shalt  }
0x4d: {  	_ =	shalt  }
0x4e: {  	_ =	shalt  }
0x4f: {  	_ =	shalt  }
0x50: {  	_ =	shalt  }
0x51: {  	_ =	shalt  }
0x52: {  	_ =	shalt  }
0x53: {  	_ =	shalt  }
0x54: {  	_ =	shalt  }
0x55: {  	_ =	shalt  }
0x56: {  	_ =	shalt  }
0x57: {  	_ =	shalt  }
0x58: {  	_ =	shalt  }
0x59: {  	_ =	shalt  }
0x5a: {  	_ =	shalt  }
0x5b: {  	_ =	shalt  }
0x5c: {  	_ =	shalt  }
0x5d: {  	_ =	shalt  }
0x5e: {  	_ =	shalt  }
0x5f: {  	_ =	shalt  }
0x60: {  	_ =	shalt  }
0x61: {  	_ =	shalt  }
0x62: {  	_ =	shalt  }
0x63: {  	_ =	shalt  }
0x64: {  	_ =	shalt  }
0x65: {  	_ =	shalt  }
0x66: {  	_ =	shalt  }
0x67: {  	_ =	shalt  }
0x68: {  	_ =	shalt  }
0x69: {  	_ =	shalt  }
0x6a: {  	_ =	shalt  }
0x6b: {  	_ =	shalt  }
0x6c: {  	_ =	shalt  }
0x6d: {  	_ =	shalt  }
0x6e: {  	_ =	shalt  }
0x6f: {  	_ =	shalt  }
0x70: {  	_ =	shalt  }
0x71: {  	_ =	shalt  }
0x72: {  	_ =	shalt  }
0x73: {  	_ =	shalt  }
0x74: {  	_ =	shalt  }
0x75: {  	_ =	shalt  }
0x76: {  	_ =	shalt  }
0x77: {  	_ =	shalt  }
0x78: {  	_ =	shalt  }
0x79: {  	_ =	shalt  }
0x7a: {  	_ =	shalt  }
0x7b: {  	_ =	shalt  }
0x7c: {  	_ =	shalt  }
0x7d: {  	_ =	shalt  }
0x7e: {  	_ =	shalt  }
0x7f: {  	_ =	shalt  }
0x80: {  	_ =	shalt  }
0x81: {  	_ =	shalt  }
0x82: {  	_ =	shalt  }
0x83: {  	_ =	shalt  }
0x84: {  	_ =	shalt  }
0x85: {  	_ =	shalt  }
0x86: {  	_ =	shalt  }
0x87: {  	_ =	shalt  }
.Lfunc_end0:
.L_simem_size_0:
called_computation_lowered:
.L_overlay_start_0:
0x88: {  	s2 =	sld [smem:$0x3FD9]  }
0x89: {  	s3 =	sld [smem:$0x3FFE];
	_ =	sdelay $0x1  }
0x8a: {  	s1 =	srdreg.scid  }
0x8b: {  	s0 =	sand.u32 $0x1, s1  }
0x8c: {  	s17 =	sshll.u32 s0, $0xA;
	s2 =	sadd.s32 s3, s2  }
0x8d: {  	s2 =	sadd.s32 s2, s17  }
0x8e: {  	[smem:$0x3FC7] =	sst s2  }
0x8f: {  	_ = 	snop  }
0x90: {  	s2 =	sld [smem:$0x3FD0];
	(tm) =	ssettm $0x1  }
0x91: {  	s18 =	sld [smem:$0x3FFB];
	_ =	sdelay $0x3  }
0x92: {  	_ =	strace s18  }
0x93: {  	s3 =	sld [smem:$0x3FFC];
	_ =	sdelay $0x3  }
0x94: {  	_ =	strace s3  }
0x95: {  	s3 =	sld [smem:$0x3FFD];
	_ =	sdelay $0x3  }
0x96: {  	_ =	strace s3  }
0x97: {  	_ =	strace $0x8FFFFFFF  }
0x98: {  	s19 =	sld [smem:$0x3FDB];
	_ =	sdelay $0x1  }
0x99: {  	s4 =	simm.s32 $_scs_section_size  }
0x9a: {  	s5 =	simm.s32 $_size__tile_overlayer_lowered;
	s6 =	simm.s32 $_tile_overlayer_lowered  }
0x9b: {  	s22 =	simm.s32 $0x1BFF;
	s21 =	sshll.u32 s6, $0x1;
	s3 =	sadd.s32 s4, s19  }
0x9c: {  	s7 =	simm.s32 $0x0;
	s20 =	sshll.u32 s5, $0x1;
	s5 =	sadd.s32 s21, s3  }
0x9d: {  	[timem:s7], [sflag:s22] =	dma.local [hbm:s5], s20  }
0x9e: {  	_ =	swait.ge [sflag:s22], s20  }
0x9f: {  	s4 =	ssub.s32 $0x0, s20;
	[sflag:s22] =	ssyncset.done $0x0  }
0xa0: {  	[sflag:s22] =	ssyncadd.s32 s4;
	_ =	sdelay $0x1  }
0xa1: {  	s23 =	simm.s32 $0x1B8B  }
0xa2: {  	_ =	swait.ge [sflag:s23], $0x1  }
0xa3: {  	[sflag:s23] =	ssyncset.done $0x0  }
0xa4: {  	s25 =	simm.s32 $0x1B8E;
	s24 =	sld [smem:$0x3FFE];
	[sflag:s23] =	ssyncadd.s32 $0xFFFFFFFF  }
0xa5: {  	s26 =	simm.s32 $execute0_lowered;
	[smem:$0x3FD2] =	sst s25  }
0xa6: {  	s5 =	sshll.u32 s26, $0x1;
	_ =	strace $0x80000046;
	[dreg:$0x1] =	wrdreg $0xFFFFFFFF  }
0xa7: {  	s28 =	simm.s32 $_size_execute0_lowered;
	s3 =	sadd.s32 s3, s5;
	[dreg:$0x0] =	wrdreg $0x0  }
0xa8: {  	s5 =	sshll.u32 s28, $0x1;
	[dreg:$0x2] =	wrdreg s3  }
0xa9: {  	[dreg:$0x3] =	wrdreg s5  }
0xaa: {  	[dreg:$0x4] =	wrdreg $0xC0  }
0xab: {  	_ =	task [dreg:s7], $0x5FFFF  }
0xac: {  	[dreg:$0x1] =	wrdreg $0xFFFFFFFF  }
0xad: {  	[dreg:$0x0] =	wrdreg $0x60  }
0xae: {  	[dreg:$0x2] =	wrdreg s2  }
0xaf: {  	[dreg:$0x3] =	wrdreg s24  }
0xb0: {  	[dreg:$0x4] =	wrdreg $0x9  }
0xb1: {  	_ =	task.clear_ibuf [dreg:s7], $0x5FFFF;
	_ =	strace $0x90000046  }
0xb2: {  	s29 =	simm.s32 $0x9;
	_ =	strace $0x80000048  }
0xb3: {  	_ =	swait.ge [sflag:s29], $0x1  }
0xb4: {  	[sflag:s29] =	ssyncadd.s32 $0xFFFFFFFF  }
0xb5: {  	_ =	strace $0x90000048  }
0xb6: {  	_ =	sfence  }
0xb7: {  	s30 =	sld [smem:$0x0];
	_ =	sdelay $0x2  }
0xb8: {  	s31 =	sshll.u32 s1, $0xD;
	s1 =	sshrl.u32 s1, $0x2  }
0xb9: {  	s3 =	sand.u32 $0x4000, s31;
	s1 =	sadd.s32 s1, s30  }
0xba: {  	s0 =	sor.u32 s3, s0;
	s1 =	sshll.u32 s1, $0x11  }
0xbb: {  	s0 =	sor.u32 s1, s0  }
0xbc: {  	s0 =	sadd.s32 $0x8F2B, s0  }
0xbd: {  	[sflag:s0] =	ssyncadd.remote.s32 $0x1  }
0xbe: {  	_ =	sfence.sel $0xFFFF  }
0xbf: {  	[dreg:$0x0] =	wrdreg $0xFFFFFFFF;
	(pc) =	sbr.abs _section_cstart, $3  }
0xc0: {  	[dreg:$0x1] =	wrdreg $0xFFFFFFFF  }
0xc1: {  	_ =	task.clear_ibuf [dreg:s7], $0x2FFFF;
	_ =	strace $0x9FFFFFFF  }
0xc2: {  	(tm) =	ssettm $0x7FFFFFFF  }
0xc3: {  	_ =	shalt  }
tec
execute0_lowered:
.L_overlay_start_1:
0x0: {  	(tag) =	ssettag $0x1  }
0x1: {  	s1 =	rddreg [dreg:$0x0]  }
0x2: {  	s0 =	rddreg [dreg:$0x1]  }
0x3: {  	s3 =	simm.s32 $0x0;
	s4 =	srdreg.scid;
	s2 =	stileid.u32  }
0x4: {  	s12 =	simm.s32 $0x8000;
	s13 =	simm.s32 $0x10000;
	s14 =	simm.s32 $0x14000  }
0x5: {  	s15 =	simm.s32 $0x1;
	s16 =	simm.s32 $0x4;
	s17 =	simm.s32 $0x18000  }
0x6: {  	s18 =	simm.s32 $0x10;
	s19 =	simm.s32 $0x20;
	s20 =	simm.s32 $0x30  }
0x7: {  	s21 =	simm.s32 $0x0;
	[smem:$0x7FF] =	sst s3;
	s5 =	sand.u32 $0x1, s4  }
0x8: {  	s30 =	sshll.u32 s2, $0x1;
	s4 =	sadd.s32 $0x20600, s0;
	_ =	strace $0x80000047  }
.Ltmp0:
0x9: {  	s7 =	sor.u32 s5, s30;
	s8 =	ssub.s32 $0x2, s5;
	(pc) =	sbr.rel .LBB2_1-.Ltmp0, $4  }
0xa: {  	s5 =	sadd.s32 $0x600, s0;
	s6 =	sshll.u32 s7, $0x8;
	s31 =	sshrl.u32 s8, $0x1  }
0xb: {  	s9 =	sshll.u32 s7, $0xC;
	s0 =	sadd.s32 s6, s0;
	s11 =	ssub.s32 s8, s31  }
0xc: {  	s6 =	sshll.u32 s7, $0xF;
	s7 =	sadd.s32 $0x1000, s1;
	s8 =	sadd.s32 s4, s9  }
0xd: {  	v0 =	vlaneseq.u32;
	v1 =	vimm.f32 $0.0e+00;
	s9 =	sadd.s32 s5, s9;
	s10 =	sadd.s32 $0x40600, s0;
	s11 =	smax.u32 s11, $0x1  }
.LBB2_14:
0xe: {  	s21 =	sadd.s32 $0x1, s21  }
0xf: {  	p0 =	sne.s32 s21, s11  }
.Ltmp1:
0x10: {  	_ = 	snop;
	(pc) =	sbr.rel @!p0 .LBB2_15-.Ltmp1, $4  }
0x11: {  	[hbm4b:s10+s3] =	stream.linear.scatter [tilespmem:s17], [sflag:$0x4], $0x800, $0x38;
	[tilespmem:$0x18880] =	vst v63  }
0x12: {  	_ =	swait.ge [sflag:s16], $0x800  }
0x13: {  	[sflag:s16] =	ssyncset.done $0x0  }
0x14: {  	[sflag:s16] =	ssyncadd.s32 $0xFFFFF800  }
.LBB2_1:
0x15: {  	[tilespmem:s3], [sflag:$0x1] =	stream.linear.gather [hbm4b:s1+s3], $0x8000, $0x38;
	[tilespmem:$0x18880] =	vst v63  }
0x16: {  	_ = 	snop  }
0x17: {  	[tilespmem:s12], [sflag:$0x4] =	stream.linear.gather [hbm4b:s7+s3], $0x8000, $0x38;
	[tilespmem:$0x18880] =	vst v63  }
0x18: {  	_ = 	snop  }
0x19: {  	[tilespmem:s13], [sflag:$0x2] =	stream.linear.gather [hbm4b:s8+s3], $0x2000, $0x38;
	[tilespmem:$0x18880] =	vst v63  }
0x1a: {  	_ = 	snop  }
0x1b: {  	[tilespmem:s14], [sflag:$0x2] =	stream.linear.gather [hbm4b:s9+s3], $0x2000, $0x38;
	[tilespmem:$0x18880] =	vst v63  }
0x1c: {  	_ =	swait.ge [sflag:s15], $0x8000  }
0x1d: {  	[sflag:s15] =	ssyncset.done $0x0  }
0x1e: {  	s22 =	simm.s32 $0x0;
	[sflag:s15] =	ssyncadd.s32 $0xFFFF8000  }
0x1f: {  	v2 =	vld [tilespmem:s22+$0xC0]  }
0x20: {  	v4 =	vld [tilespmem:s22+$0xD0]  }
0x21: {  	v6 =	vld [tilespmem:s22+$0x80]  }
0x22: {  	v8 =	vld [tilespmem:s22+$0x90]  }
0x23: {  	v9 =	vld [tilespmem:s22+$0x40]  }
0x24: {  	v10 =	vld [tilespmem:s22+$0x50]  }
0x25: {  	v13 =	vld [tilespmem:s22+$0x0]  }
0x26: {  	v5 =	vimm.f32 $0.0e+00;
	v15 =	vld [tilespmem:s22+$0x10]  }
0x27: {  	s23 =	simm.s32 $0x400;
	v12 =	vimm.f32 $0.0e+00;
	v7 =	vimm.f32 $0.0e+00;
	v11 =	vimm.f32 $0.0e+00;
	v14 =	vld [tilespmem:s22+$0x20]  }
.LBB2_2:
0x28: {  	p0 =	sne.s32 s23, $0x1FC00;
	v3 =	vld [tilespmem:s22+$0x30]  }
0x29: {  	v16 =	vld [tilespmem:s22+$0x60]  }
0x2a: {  	v17 =	vld [tilespmem:s22+$0x70]  }
0x2b: {  	v18 =	vld [tilespmem:s22+$0xA0]  }
0x2c: {  	v5 =	vadd.f32 v13, v5;
	v12 =	vadd.f32 v15, v12;
	v13 =	vld [tilespmem:s22+$0xB0]  }
0x2d: {  	v7 =	vadd.f32 v14, v7;
	v3 =	vadd.f32 v3, v11;
	v11 =	vld [tilespmem:s22+$0xE0]  }
0x2e: {  	v5 =	vadd.f32 v9, v5;
	v9 =	vadd.f32 v10, v12;
	v10 =	vld [tilespmem:s22+$0xF0];
	s22 =	sshra.s32 s23, $0x2  }
0x2f: {  	v7 =	vadd.f32 v16, v7;
	v14 =	vld [tilespmem:s22+$0xC0];
	v3 =	vadd.f32 v17, v3  }
0x30: {  	v5 =	vadd.f32 v6, v5;
	v9 =	vadd.f32 v8, v9;
	v15 =	vld [tilespmem:s22+$0xD0]  }
0x31: {  	v7 =	vadd.f32 v18, v7;
	v6 =	vld [tilespmem:s22+$0x80];
	v3 =	vadd.f32 v13, v3  }
0x32: {  	v5 =	vadd.f32 v2, v5;
	v12 =	vadd.f32 v4, v9;
	v8 =	vld [tilespmem:s22+$0x90]  }
.Ltmp2:
0x33: {  	v7 =	vadd.f32 v11, v7;
	v9 =	vld [tilespmem:s22+$0x40];
	v11 =	vadd.f32 v10, v3;
	(pc) =	sbr.rel @p0 .LBB2_2-.Ltmp2, $4  }
0x34: {  	v10 =	vld [tilespmem:s22+$0x50];
	v2 =	vmov v14  }
0x35: {  	v13 =	vld [tilespmem:s22+$0x0];
	v4 =	vmov v15  }
0x36: {  	v15 =	vld [tilespmem:s22+$0x10]  }
0x37: {  	s23 =	sadd.s32 $0x400, s23;
	v14 =	vld [tilespmem:s22+$0x20]  }
0x38: {  	v16 =	vld [tilespmem:s22+$0x30]  }
0x39: {  	v17 =	vld [tilespmem:s22+$0x60]  }
0x3a: {  	v18 =	vld [tilespmem:s22+$0x70]  }
0x3b: {  	v19 =	vld [tilespmem:s22+$0xA0]  }
0x3c: {  	v20 =	vld [tilespmem:s22+$0xB0]  }
0x3d: {  	v21 =	vld [tilespmem:s22+$0xE0]  }
0x3e: {  	v22 =	vld [tilespmem:s22+$0xF0];
	_ =	swait.ge [sflag:s16], $0x8000  }
0x3f: {  	[sflag:s16] =	ssyncset.done $0x0  }
0x40: {  	s22 =	simm.s32 $0x0;
	[sflag:s16] =	ssyncadd.s32 $0xFFFF8000  }
0x41: {  	v3 =	vld [tilespmem:s22+$0x80C0]  }
0x42: {  	v13 =	vadd.f32 v13, v5;
	v12 =	vadd.f32 v15, v12;
	v5 =	vld [tilespmem:s22+$0x80D0]  }
0x43: {  	v14 =	vadd.f32 v14, v7;
	v7 =	vld [tilespmem:s22+$0x8080];
	v11 =	vadd.f32 v16, v11  }
0x44: {  	v13 =	vadd.f32 v9, v13;
	v9 =	vld [tilespmem:s22+$0x8090];
	v12 =	vadd.f32 v10, v12  }
0x45: {  	v10 =	vld [tilespmem:s22+$0x8040];
	v14 =	vadd.f32 v17, v14;
	v11 =	vadd.f32 v18, v11  }
0x46: {  	v13 =	vadd.f32 v6, v13;
	v6 =	vld [tilespmem:s22+$0x8050];
	v8 =	vadd.f32 v8, v12  }
0x47: {  	v12 =	vld [tilespmem:s22+$0x8000];
	v14 =	vadd.f32 v19, v14;
	v15 =	vadd.f32 v20, v11  }
0x48: {  	v11 =	vadd.f32 v2, v13;
	v4 =	vadd.f32 v4, v8;
	v13 =	vld [tilespmem:s22+$0x8010]  }
0x49: {  	s23 =	simm.s32 $0x400;
	v8 =	vadd.f32 v21, v14;
	v14 =	vld [tilespmem:s22+$0x8020];
	v2 =	vadd.f32 v22, v15  }
.LBB2_4:
0x4a: {  	p0 =	sne.s32 s23, $0x1FC00;
	v15 =	vld [tilespmem:s22+$0x8030]  }
0x4b: {  	v16 =	vld [tilespmem:s22+$0x8060]  }
0x4c: {  	v17 =	vld [tilespmem:s22+$0x8070]  }
0x4d: {  	v18 =	vld [tilespmem:s22+$0x80A0]  }
0x4e: {  	v11 =	vadd.f32 v12, v11;
	v4 =	vadd.f32 v13, v4;
	v12 =	vld [tilespmem:s22+$0x80B0]  }
0x4f: {  	v8 =	vadd.f32 v14, v8;
	v2 =	vadd.f32 v15, v2;
	v13 =	vld [tilespmem:s22+$0x80E0]  }
0x50: {  	v10 =	vadd.f32 v10, v11;
	v4 =	vadd.f32 v6, v4;
	v6 =	vld [tilespmem:s22+$0x80F0];
	s22 =	sshra.s32 s23, $0x2  }
0x51: {  	v8 =	vadd.f32 v16, v8;
	v14 =	vld [tilespmem:s22+$0x80C0];
	v2 =	vadd.f32 v17, v2  }
0x52: {  	v10 =	vadd.f32 v7, v10;
	v4 =	vadd.f32 v9, v4;
	v15 =	vld [tilespmem:s22+$0x80D0]  }
0x53: {  	v8 =	vadd.f32 v18, v8;
	v7 =	vld [tilespmem:s22+$0x8080];
	v2 =	vadd.f32 v12, v2  }
0x54: {  	v11 =	vadd.f32 v3, v10;
	v4 =	vadd.f32 v5, v4;
	v9 =	vld [tilespmem:s22+$0x8090]  }
.Ltmp3:
0x55: {  	v8 =	vadd.f32 v13, v8;
	v10 =	vld [tilespmem:s22+$0x8040];
	v2 =	vadd.f32 v6, v2;
	(pc) =	sbr.rel @p0 .LBB2_4-.Ltmp3, $4  }
0x56: {  	v6 =	vld [tilespmem:s22+$0x8050];
	v3 =	vmov v14  }
0x57: {  	v12 =	vld [tilespmem:s22+$0x8000];
	v5 =	vmov v15  }
0x58: {  	v13 =	vld [tilespmem:s22+$0x8010]  }
0x59: {  	s23 =	sadd.s32 $0x400, s23;
	v14 =	vld [tilespmem:s22+$0x8020]  }
0x5a: {  	v15 =	vld [tilespmem:s22+$0x8030]  }
0x5b: {  	v16 =	vld [tilespmem:s22+$0x8060]  }
0x5c: {  	v17 =	vld [tilespmem:s22+$0x8070];
	v11 =	vadd.f32 v12, v11  }
0x5d: {  	v62 =	vld [tilespmem:s22+$0x80A0];
	v4 =	vadd.f32 v13, v4  }
0x5e: {  	v63 =	vld [tilespmem:s22+$0x80B0];
	v8 =	vadd.f32 v14, v8;
	v10 =	vadd.f32 v10, v11  }
0x5f: {  	v11 =	vld [tilespmem:s22+$0x80E0];
	v2 =	vadd.f32 v15, v2;
	v4 =	vadd.f32 v6, v4  }
0x60: {  	v6 =	vld [tilespmem:s22+$0x80F0];
	v8 =	vadd.f32 v16, v8;
	v7 =	vadd.f32 v7, v10  }
0x61: {  	v2 =	vadd.f32 v17, v2;
	v4 =	vadd.f32 v9, v4  }
0x62: {  	v8 =	vadd.f32 v62, v8;
	v3 =	vadd.f32 v3, v7  }
0x63: {  	v7 =	vadd.f32 v63, v2;
	v4 =	vadd.f32 v5, v4  }
0x64: {  	v5 =	vadd.f32 v11, v8;
	v2 =	vmul.f32 $5.000000070e-02, v3  }
0x65: {  	v6 =	vadd.f32 v6, v7;
	v3 =	vmul.f32 $5.000000070e-02, v4  }
0x66: {  	v4 =	vmul.f32 $5.000000070e-02, v5;
	(erf) = vrcp.f32 v2  }
0x67: {  	v5 =	vmul.f32 $5.000000070e-02, v6;
	(erf) = vrcp.f32 v3  }
0x68: {  	(erf) = vrcp.f32 v4  }
0x69: {  	(erf) = vrcp.f32 v5;
	_ =	sdelay $0x4  }
.Ltmp4:
0x6a: {  	_ = 	snop;
	(pc) =	sbr.rel .LBB2_6-.Ltmp4, $4  }
0x6b: {  	v6 =	vpop (erf)  }
0x6c: {  	v7 =	vpop (erf)  }
0x6d: {  	v8 =	vpop (erf)  }
0x6e: {  	s22 =	simm.s32 $0x0;
	v9 =	vpop (erf)  }
.LBB2_13:
0x6f: {  	s22 =	sadd.s32 $0x1, s22  }
0x70: {  	p0 =	sne.s32 s22, $0x4  }
.Ltmp5:
0x71: {  	_ = 	snop;
	(pc) =	sbr.rel @!p0 .LBB2_14-.Ltmp5, $1  }
0x72: {  	_ =	sdelay $0x3  }
.LBB2_6:
0x73: {  	p0 =	seq.s32 s22, $0x3  }
0x74: {  	s0 =	sadd.s32 @!p0 $0x1, s22  }
0x75: {  	s25 =	simm.s32 @!p0 $0x3;
	s23 =	sshll.u32 @!p0 s0, $0xD;
	s0 =	sand.u32 @!p0 $0x1, s0  }
0x76: {  	s24 =	sand.u32 @!p0 $0x2000, s23;
	s23 =	sadd.s32 @!p0 s6, s23;
	p1 =	seq.s32 @!p0 s0, $0x1  }
0x77: {  	s28 =	simm.s32 @!p0 $0x0;
	s23 =	sshrl.u32 @!p0 s23, $0x3;
	p1 =	por !p1, p0  }
0x78: {  	s0 =	sor.u32 @!p0 $0x10000, s24;
	s26 =	sadd.s32 @!p0 s4, s23;
	s25 =	simm.s32 @p1 $0x2  }
0x79: {  	[tilespmem:s0], [sflag:s25] =	stream.linear.gather @!p0 [hbm4b:s26+s28], $0x2000, $0x38;
	[tilespmem:$0x18880] =	vst v63  }
0x7a: {  	s23 =	sadd.s32 @!p0 s5, s23;
	s0 =	sor.u32 @!p0 $0x14000, s24  }
0x7b: {  	[tilespmem:s0], [sflag:s25] =	stream.linear.gather @!p0 [hbm4b:s23+s28], $0x2000, $0x38;
	[tilespmem:$0x18880] =	vst v63  }
0x7c: {  	s0 =	sand.u32 @!p0 $0x1, s22  }
0x7d: {  	p1 =	seq.s32 @!p0 s0, $0x1  }
0x7e: {  	s0 =	simm.s32 @!p0 $0x3;
	p1 =	por !p1, p0  }
0x7f: {  	s0 =	simm.s32 @p1 $0x2  }
0x80: {  	s0 =	simm.s32 @p0 $0x3  }
0x81: {  	_ =	swait.ge [sflag:s0], $0x2000  }
.Ltmp6:
0x82: {  	s31 =	sshll.u32 s22, $0x9;
	[sflag:s0] =	ssyncset.done $0x0;
	(pc) =	sbr.rel .LBB2_7-.Ltmp6, $4  }
0x83: {  	s24 =	sand.u32 $0x3FFFFE00, s31;
	s23 =	sshll.u32 @!p0 s22, $0xD;
	[sflag:s0] =	ssyncadd.s32 $0xFFFFE000  }
0x84: {  	s24 =	sadd.s32 $0x18000, s24;
	s23 =	sand.u32 @!p0 $0x2000, s23;
	_ =	swait.ge [sflag:s0], $0x2000  }
0x85: {  	s28 =	simm.s32 $0x0;
	s23 =	simm.s32 @p0 $0x2000;
	[sflag:s0] =	ssyncset.done $0x0  }
0x86: {  	s25 =	sor.u32 $0x14000, s23;
	s26 =	sor.u32 $0x10000, s23;
	[sflag:s0] =	ssyncadd.s32 $0xFFFFE000  }
.LBB2_12:
0x87: {  	v10 =	vmul.f32 v17, v6  }
0x88: {  	v11 =	vmul.f32 v18, v7  }
0x89: {  	v12 =	vmul.f32 v19, v8;
	v13 =	vmul.f32 v16, v9;
	v14 =	vshra.s32 v10, $0x1  }
0x8a: {  	v15 =	vmul.f32 $5.000000000e-01, v10;
	v49 =	vshra.s32 v11, $0x1;
	v50 =	vmul.f32 $5.000000000e-01, v11  }
0x8b: {  	v51 =	vshra.s32 v12, $0x1;
	v19 =	vmul.f32 $5.000000000e-01, v12;
	v14 =	vsub.s32 $0x5F3759DF, v14  }
0x8c: {  	v21 =	vshra.s32 v13, $0x1;
	v16 =	vsub.s32 $0x5F3759DF, v49;
	v20 =	vmul.f32 v14, v15  }
0x8d: {  	v22 =	vmul.f32 $5.000000000e-01, v13;
	v18 =	vsub.s32 $0x5F3759DF, v51;
	v23 =	vmul.f32 v16, v50  }
0x8e: {  	v21 =	vsub.s32 $0x5F3759DF, v21;
	v24 =	vmul.f32 v18, v19;
	v20 =	vmul.f32 v14, v20  }
0x8f: {  	v25 =	vmul.f32 v21, v22;
	v23 =	vmul.f32 v16, v23  }
0x90: {  	v24 =	vmul.f32 v18, v24;
	v20 =	vsub.f32 $1.500000000e+00, v20  }
0x91: {  	v25 =	vmul.f32 v21, v25;
	v23 =	vsub.f32 $1.500000000e+00, v23  }
0x92: {  	v52 =	vsub.f32 $1.500000000e+00, v24;
	v14 =	vmul.f32 v14, v20  }
0x93: {  	v53 =	vsub.f32 $1.500000000e+00, v25;
	v16 =	vmul.f32 v16, v23  }
0x94: {  	v18 =	vmul.f32 v18, v52;
	v54 =	vmul.f32 v14, v15  }
0x95: {  	v21 =	vmul.f32 v21, v53;
	v55 =	vmul.f32 v16, v50  }
0x96: {  	v56 =	vmul.f32 v18, v19;
	v20 =	vmul.f32 v54, v14  }
0x97: {  	v57 =	vmul.f32 v21, v22;
	v23 =	vmul.f32 v55, v16  }
0x98: {  	v24 =	vmul.f32 v56, v18;
	v20 =	vsub.f32 $1.500000000e+00, v20  }
0x99: {  	v25 =	vmul.f32 v57, v21;
	v23 =	vsub.f32 $1.500000000e+00, v23  }
0x9a: {  	v58 =	vsub.f32 $1.500000000e+00, v24;
	v14 =	vmul.f32 v20, v14  }
0x9b: {  	v59 =	vsub.f32 $1.500000000e+00, v25;
	v16 =	vmul.f32 v23, v16  }
0x9c: {  	v18 =	vmul.f32 v58, v18;
	v15 =	vmul.f32 v14, v15  }
0x9d: {  	v60 =	vmul.f32 v59, v21;
	v17 =	vmul.f32 v16, v50  }
0x9e: {  	v19 =	vmul.f32 v18, v19;
	v15 =	vmul.f32 v15, v14  }
0x9f: {  	v21 =	vmul.f32 v60, v22;
	v17 =	vmul.f32 v17, v16  }
0xa0: {  	v19 =	vmul.f32 v19, v18;
	v15 =	vsub.f32 $1.500000000e+00, v15  }
0xa1: {  	v21 =	vmul.f32 v21, v60;
	v17 =	vsub.f32 $1.500000000e+00, v17  }
0xa2: {  	s0 =	sshll.u32 s28, $0x6;
	v61 =	vsub.f32 $1.500000000e+00, v19;
	v14 =	vmul.f32 v15, v14  }
0xa3: {  	s28 =	sadd.s32 $0x1, s28;
	s2 =	sand.u32 $0x180, s0;
	v62 =	vsub.f32 $1.500000000e+00, v21;
	v16 =	vmul.f32 v17, v16  }
0xa4: {  	s0 =	sand.u32 $0x40, s0;
	p0 =	sne.s32 s28, $0x8;
	s2 =	sadd.s32 s2, s24;
	v15 =	vmul.f32 v61, v18;
	v10 =	vmul.f32 v14, v10  }
.Ltmp7:
0xa5: {  	s0 =	sadd.s32 s0, s2;
	v63 =	vmul.f32 v62, v60;
	v11 =	vmul.f32 v16, v11;
	(pc) =	sbr.rel @!p0 .LBB2_13-.Ltmp7, $4  }
0xa6: {  	v12 =	vmul.f32 v15, v12;
	[tilespmem:s0+$0x0] =	vst v10  }
0xa7: {  	v10 =	vmul.f32 v63, v13;
	[tilespmem:s0+$0x10] =	vst v11  }
0xa8: {  	[tilespmem:s0+$0x20] =	vst v12  }
0xa9: {  	s23 =	sadd.s32 $0x400, s23;
	s25 =	sadd.s32 $0x400, s25;
	s26 =	sadd.s32 $0x400, s26;
	[tilespmem:s0+$0x30] =	vst v10  }
.LBB2_7:
0xaa: {  	[tilespmem:$0x18800] =	vst v2  }
0xab: {  	[tilespmem:$0x18810] =	vst v3  }
0xac: {  	[tilespmem:$0x18820] =	vst v4  }
.Ltmp8:
0xad: {  	v16 =	vimm.f32 $0.0e+00;
	[tilespmem:$0x18830] =	vst v5;
	(pc) =	sbr.rel .LBB2_8-.Ltmp8, $4  }
0xae: {  	[tilespmem:$0x18840] =	vst v16  }
0xaf: {  	[tilespmem:$0x18850] =	vst v16  }
0xb0: {  	s0 =	simm.s32 $0x1;
	s29 =	simm.s32 $0x0;
	v19 =	vimm.f32 $0.0e+00;
	v18 =	vimm.f32 $0.0e+00;
	[tilespmem:$0x18860] =	vst v16  }
0xb1: {  	s30 =	smov.u32 s26;
	s31 =	smov.u32 s25;
	v17 =	vimm.f32 $0.0e+00;
	v12 =	vmovc v5;
	v13 =	vmovc v4;
	v14 =	vmov v3;
	v15 =	vmov v2;
	[tilespmem:$0x18870] =	vst v16;
	[smem:$0x0] =	sst s0  }
.LBB2_10:
0xb2: {  	v11 =	vld [tilespmem:s30+$0x0];
	_ =	sdelay $0x4  }
0xb3: {  	v10 =	vbroadcast v11, $0x0;
	_ =	sdelay $0x1  }
0xb4: {  	v20 =	vadd.s32 v0, v10;
	_ =	sdelay $0x3  }
0xb5: {  	v10 =	vld [tilespmem:s31+$0x0]  }
0xb6: {  	v21 =	vbroadcast v11, $0x1;
	v22 =	vld.idx.msk [tilespmem:v20+s3+$0x0], $0xffff  }
0xb7: {  	v23 =	vld.idx.msk [tilespmem:v20+s18+$0x0], $0xffff  }
0xb8: {  	v21 =	vadd.s32 v0, v21;
	v24 =	vld.idx.msk [tilespmem:v20+s19+$0x0], $0xffff  }
0xb9: {  	v26 =	vbroadcast v11, $0x2;
	v43 =	vbroadcast v11, $0x3;
	v20 =	vld.idx.msk [tilespmem:v20+s20+$0x0], $0xffff  }
0xba: {  	v54 =	vbroadcast v11, $0x4;
	v62 =	vbroadcast v11, $0x5  }
0xbb: {  	v38 =	vbroadcast v11, $0x6;
	v25 =	vbroadcast v10, $0x0  }
0xbc: {  	v26 =	vadd.s32 v0, v26;
	v40 =	vbroadcast v10, $0x1;
	v50 =	vbroadcast v10, $0x2  }
0xbd: {  	v28 =	vld.idx.msk [tilespmem:v21+s3+$0x0], $0xffff;
	v59 =	vbroadcast v10, $0x3;
	v37 =	vbroadcast v10, $0x4;
	v22 =	vmin.f32 v22, v15  }
0xbe: {  	v30 =	vld.idx.msk [tilespmem:v21+s18+$0x0], $0xffff;
	v23 =	vmin.f32 v23, v14;
	v24 =	vmin.f32 v24, v13;
	v20 =	vmin.f32 v20, v12  }
0xbf: {  	v41 =	vld.idx.msk [tilespmem:v21+s19+$0x0], $0xffff;
	v27 =	vmul.f32 v22, v25;
	v29 =	vmul.f32 v23, v25;
	v15 =	vsub.f32 v15, v22  }
0xc0: {  	v21 =	vld.idx.msk [tilespmem:v21+s20+$0x0], $0xffff;
	v39 =	vmul.f32 v24, v25;
	v14 =	vsub.f32 v14, v23;
	v13 =	vsub.f32 v13, v24  }
0xc1: {  	v25 =	vmul.f32 v20, v25;
	v12 =	vsub.f32 v12, v20;
	v17 =	vadd.f32 v27, v17  }
0xc2: {  	v46 =	vld.idx.msk [tilespmem:v26+s3+$0x0], $0xffff;
	v23 =	vadd.s32 v0, v38;
	v18 =	vadd.f32 v29, v18;
	v19 =	vadd.f32 v39, v19  }
0xc3: {  	v48 =	vld.idx.msk [tilespmem:v26+s18+$0x0], $0xffff;
	v42 =	vmin.f32 v28, v15;
	v45 =	vmin.f32 v30, v14;
	v16 =	vadd.f32 v25, v16  }
0xc4: {  	v51 =	vld.idx.msk [tilespmem:v26+s19+$0x0], $0xffff;
	v28 =	vadd.s32 v0, v43;
	v20 =	vmin.f32 v41, v13;
	v43 =	vbroadcast v10, $0x5  }
0xc5: {  	v26 =	vld.idx.msk [tilespmem:v26+s20+$0x0], $0xffff;
	v21 =	vmin.f32 v21, v12;
	v44 =	vmul.f32 v42, v40;
	v47 =	vmul.f32 v45, v40  }
0xc6: {  	v15 =	vsub.f32 v15, v42;
	v49 =	vmul.f32 v20, v40;
	v14 =	vsub.f32 v14, v45  }
0xc7: {  	v22 =	vmul.f32 v21, v40;
	v13 =	vsub.f32 v13, v20;
	v12 =	vsub.f32 v12, v21  }
0xc8: {  	v21 =	vadd.s32 v0, v54;
	v17 =	vadd.f32 v44, v17;
	v18 =	vadd.f32 v47, v18  }
0xc9: {  	v52 =	vmin.f32 v46, v15;
	v19 =	vadd.f32 v49, v19;
	v16 =	vadd.f32 v22, v16  }
0xca: {  	v56 =	vmin.f32 v51, v13;
	v26 =	vmin.f32 v26, v12;
	v22 =	vadd.s32 v0, v62;
	v53 =	vld.idx.msk [tilespmem:v28+s3+$0x0], $0xffff  }
0xcb: {  	v46 =	vbroadcast v11, $0x7;
	v20 =	vmul.f32 v52, v50;
	v15 =	vsub.f32 v15, v52;
	v31 =	vld.idx.msk [tilespmem:v28+s19+$0x0], $0xffff  }
0xcc: {  	v58 =	vmul.f32 v56, v50;
	v60 =	vmul.f32 v26, v50;
	v13 =	vsub.f32 v13, v56;
	v61 =	vld.idx.msk [tilespmem:v28+s20+$0x0], $0xffff  }
0xcd: {  	v52 =	vbroadcast v10, $0x6;
	v17 =	vadd.f32 v20, v17;
	v20 =	vmin.f32 v48, v14  }
0xce: {  	v12 =	vsub.f32 v12, v26;
	v56 =	vbroadcast v11, $0x8;
	v57 =	vld.idx.msk [tilespmem:v28+s18+$0x0], $0xffff;
	v55 =	vmul.f32 v20, v50  }
0xcf: {  	v27 =	vadd.s32 v0, v46;
	v19 =	vadd.f32 v58, v19;
	v16 =	vadd.f32 v60, v16  }
0xd0: {  	v36 =	vld.idx.msk [tilespmem:v21+s19+$0x0], $0xffff;
	v14 =	vsub.f32 v14, v20;
	v18 =	vadd.f32 v55, v18;
	v24 =	vmin.f32 v53, v15  }
0xd1: {  	v63 =	vld.idx.msk [tilespmem:v21+s3+$0x0], $0xffff;
	v33 =	vmin.f32 v31, v13;
	v25 =	vmin.f32 v61, v12;
	v20 =	vmul.f32 v24, v59  }
0xd2: {  	v34 =	vld.idx.msk [tilespmem:v21+s18+$0x0], $0xffff;
	v61 =	vbroadcast v10, $0x7;
	v15 =	vsub.f32 v15, v24;
	v35 =	vmul.f32 v33, v59  }
0xd3: {  	v13 =	vsub.f32 v13, v33;
	v17 =	vadd.f32 v20, v17;
	v20 =	vmin.f32 v57, v14  }
0xd4: {  	v32 =	vmul.f32 v20, v59;
	v14 =	vsub.f32 v14, v20;
	v20 =	vmul.f32 v25, v59  }
0xd5: {  	v21 =	vld.idx.msk [tilespmem:v21+s20+$0x0], $0xffff;
	v12 =	vsub.f32 v12, v25;
	v19 =	vadd.f32 v35, v19;
	v29 =	vmin.f32 v36, v13  }
0xd6: {  	v41 =	vld.idx.msk [tilespmem:v22+s3+$0x0], $0xffff;
	v13 =	vsub.f32 v13, v29;
	v16 =	vadd.f32 v20, v16;
	v20 =	vmin.f32 v63, v15  }
0xd7: {  	v42 =	vld.idx.msk [tilespmem:v22+s18+$0x0], $0xffff;
	v18 =	vadd.f32 v32, v18;
	v40 =	vmin.f32 v34, v14;
	v39 =	vmul.f32 v20, v37  }
0xd8: {  	v44 =	vld.idx.msk [tilespmem:v22+s19+$0x0], $0xffff;
	v28 =	vmul.f32 v40, v37;
	v15 =	vsub.f32 v15, v20;
	v20 =	vmul.f32 v29, v37  }
0xd9: {  	v33 =	vbroadcast v11, $0x9;
	v14 =	vsub.f32 v14, v40;
	v17 =	vadd.f32 v39, v17  }
0xda: {  	v40 =	vbroadcast v10, $0x8;
	v18 =	vadd.f32 v28, v18;
	v19 =	vadd.f32 v20, v19  }
0xdb: {  	v22 =	vld.idx.msk [tilespmem:v22+s20+$0x0], $0xffff;
	v20 =	vmin.f32 v21, v12;
	v45 =	vmin.f32 v41, v15;
	v41 =	vbroadcast v11, $0xA  }
0xdc: {  	v49 =	vld.idx.msk [tilespmem:v23+s3+$0x0], $0xffff;
	v48 =	vmin.f32 v42, v14;
	v24 =	vmul.f32 v20, v37;
	v47 =	vmul.f32 v45, v43  }
0xdd: {  	v12 =	vsub.f32 v12, v20;
	v15 =	vsub.f32 v15, v45;
	v20 =	vmin.f32 v44, v13  }
0xde: {  	v53 =	vld.idx.msk [tilespmem:v23+s19+$0x0], $0xffff;
	v50 =	vmul.f32 v48, v43;
	v14 =	vsub.f32 v14, v48;
	v13 =	vsub.f32 v13, v20  }
0xdf: {  	v25 =	vmul.f32 v20, v43;
	v16 =	vadd.f32 v24, v16;
	v17 =	vadd.f32 v47, v17  }
0xe0: {  	v51 =	vld.idx.msk [tilespmem:v23+s18+$0x0], $0xffff;
	v18 =	vadd.f32 v50, v18;
	v22 =	vmin.f32 v22, v12;
	v47 =	vbroadcast v10, $0x9  }
0xe1: {  	v23 =	vld.idx.msk [tilespmem:v23+s20+$0x0], $0xffff;
	v54 =	vmin.f32 v49, v15;
	v49 =	vbroadcast v11, $0xB;
	v21 =	vmul.f32 v22, v43  }
0xe2: {  	v55 =	vld.idx.msk [tilespmem:v27+s3+$0x0], $0xffff;
	v19 =	vadd.f32 v25, v19;
	v20 =	vmul.f32 v54, v52;
	v12 =	vsub.f32 v12, v22  }
0xe3: {  	v62 =	vld.idx.msk [tilespmem:v27+s19+$0x0], $0xffff;
	v15 =	vsub.f32 v15, v54;
	v58 =	vmin.f32 v53, v13;
	v22 =	vadd.s32 v0, v33  }
0xe4: {  	v59 =	vld.idx.msk [tilespmem:v27+s18+$0x0], $0xffff;
	v33 =	vbroadcast v10, $0xB;
	v60 =	vmul.f32 v58, v52;
	v13 =	vsub.f32 v13, v58  }
0xe5: {  	v32 =	vld.idx.msk [tilespmem:v27+s20+$0x0], $0xffff;
	v27 =	vadd.s32 v0, v49;
	v16 =	vadd.f32 v21, v16;
	v21 =	vadd.s32 v0, v56  }
0xe6: {  	v17 =	vadd.f32 v20, v17;
	v20 =	vmin.f32 v51, v14;
	v23 =	vmin.f32 v23, v12  }
0xe7: {  	v25 =	vmin.f32 v55, v15;
	v56 =	vbroadcast v10, $0xA;
	v57 =	vmul.f32 v20, v52  }
0xe8: {  	v63 =	vmul.f32 v23, v52;
	v14 =	vsub.f32 v14, v20;
	v19 =	vadd.f32 v60, v19  }
0xe9: {  	v20 =	vmul.f32 v25, v61;
	v12 =	vsub.f32 v12, v23;
	v36 =	vmin.f32 v62, v13  }
0xea: {  	v15 =	vsub.f32 v15, v25;
	v38 =	vmul.f32 v36, v61;
	v13 =	vsub.f32 v13, v36;
	v34 =	vld.idx.msk [tilespmem:v21+s3+$0x0], $0xffff  }
0xeb: {  	v18 =	vadd.f32 v57, v18;
	v17 =	vadd.f32 v20, v17;
	v20 =	vmin.f32 v59, v14;
	v37 =	vld.idx.msk [tilespmem:v21+s18+$0x0], $0xffff  }
0xec: {  	v16 =	vadd.f32 v63, v16;
	v26 =	vmin.f32 v32, v12;
	v35 =	vmul.f32 v20, v61;
	v39 =	vld.idx.msk [tilespmem:v21+s19+$0x0], $0xffff  }
0xed: {  	v14 =	vsub.f32 v14, v20;
	v20 =	vmul.f32 v26, v61;
	v61 =	vbroadcast v11, $0xC  }
0xee: {  	v23 =	vadd.s32 v0, v41;
	v44 =	vld.idx.msk [tilespmem:v22+s3+$0x0], $0xffff;
	v19 =	vadd.f32 v38, v19;
	v12 =	vsub.f32 v12, v26  }
0xef: {  	v21 =	vld.idx.msk [tilespmem:v21+s20+$0x0], $0xffff;
	v18 =	vadd.f32 v35, v18;
	v16 =	vadd.f32 v20, v16;
	v63 =	vadd.s32 v0, v61  }
0xf0: {  	v45 =	vld.idx.msk [tilespmem:v22+s18+$0x0], $0xffff;
	v20 =	vmin.f32 v34, v15;
	v43 =	vmin.f32 v37, v14;
	v37 =	vbroadcast v11, $0xD  }
0xf1: {  	v29 =	vmin.f32 v39, v13;
	v42 =	vmul.f32 v20, v40;
	v28 =	vmul.f32 v43, v40  }
0xf2: {  	v46 =	vld.idx.msk [tilespmem:v22+s19+$0x0], $0xffff;
	v15 =	vsub.f32 v15, v20;
	v20 =	vmul.f32 v29, v40;
	v14 =	vsub.f32 v14, v43  }
0xf3: {  	v22 =	vld.idx.msk [tilespmem:v22+s20+$0x0], $0xffff;
	v13 =	vsub.f32 v13, v29;
	v43 =	vbroadcast v11, $0xE;
	v17 =	vadd.f32 v42, v17  }
0xf4: {  	v52 =	vld.idx.msk [tilespmem:v23+s3+$0x0], $0xffff;
	v18 =	vadd.f32 v28, v18;
	v19 =	vadd.f32 v20, v19;
	v20 =	vmin.f32 v21, v12  }
0xf5: {  	v54 =	vld.idx.msk [tilespmem:v23+s18+$0x0], $0xffff;
	v48 =	vmin.f32 v44, v15;
	v51 =	vmin.f32 v45, v14;
	v24 =	vmul.f32 v20, v40  }
0xf6: {  	v50 =	vmul.f32 v48, v47;
	v53 =	vmul.f32 v51, v47;
	v12 =	vsub.f32 v12, v20  }
0xf7: {  	v60 =	vld.idx.msk [tilespmem:v27+s3+$0x0], $0xffff;
	v20 =	vmin.f32 v46, v13;
	v15 =	vsub.f32 v15, v48;
	v14 =	vsub.f32 v14, v51  }
0xf8: {  	v62 =	vld.idx.msk [tilespmem:v27+s18+$0x0], $0xffff;
	v42 =	vbroadcast v10, $0xC;
	v13 =	vsub.f32 v13, v20;
	v16 =	vadd.f32 v24, v16  }
0xf9: {  	v57 =	vld.idx.msk [tilespmem:v23+s19+$0x0], $0xffff;
	v55 =	vmul.f32 v20, v47;
	v17 =	vadd.f32 v50, v17;
	v18 =	vadd.f32 v53, v18  }
0xfa: {  	v23 =	vld.idx.msk [tilespmem:v23+s20+$0x0], $0xffff;
	v22 =	vmin.f32 v22, v12;
	v58 =	vmin.f32 v52, v15;
	v29 =	vmin.f32 v54, v14  }
0xfb: {  	v36 =	vld.idx.msk [tilespmem:v63+s3+$0x0], $0xffff;
	v24 =	vadd.s32 v0, v43;
	v19 =	vadd.f32 v55, v19;
	v21 =	vmul.f32 v22, v47  }
0xfc: {  	v39 =	vld.idx.msk [tilespmem:v63+s18+$0x0], $0xffff;
	v59 =	vmul.f32 v58, v56;
	v20 =	vmul.f32 v29, v56;
	v12 =	vsub.f32 v12, v22  }
0xfd: {  	v40 =	vld.idx.msk [tilespmem:v63+s19+$0x0], $0xffff;
	v15 =	vsub.f32 v15, v58;
	v14 =	vsub.f32 v14, v29;
	v55 =	vbroadcast v11, $0xF  }
0xfe: {  	s0 =	sadd.s32 s29, s23;
	v22 =	vld.idx.msk [tilespmem:v63+s20+$0x0], $0xffff;
	v63 =	vbroadcast v10, $0xE;
	v16 =	vadd.f32 v21, v16;
	v17 =	vadd.f32 v59, v17  }
0xff: {  	s2 =	sand.u32 $0x60, s29;
	s0 =	sand.u32 $0x3F80, s0;
	v34 =	vld.idx.msk [tilespmem:v27+s19+$0x0], $0xffff;
	v18 =	vadd.f32 v20, v18;
	v20 =	vmin.f32 v57, v13;
	v23 =	vmin.f32 v23, v12  }
0x100: {  	s0 =	sor.u32 s0, s2;
	v27 =	vld.idx.msk [tilespmem:v27+s20+$0x0], $0xffff;
	v35 =	vmin.f32 v60, v15;
	v21 =	vmin.f32 v62, v14;
	v26 =	vadd.s32 v0, v55  }
0x101: {  	v11 =	vld [tilespmem:s0+$0x10010];
	v32 =	vmul.f32 v20, v56;
	v25 =	vmul.f32 v23, v56;
	v13 =	vsub.f32 v13, v20  }
0x102: {  	v20 =	vmul.f32 v35, v33;
	v12 =	vsub.f32 v12, v23;
	v15 =	vsub.f32 v15, v35  }
0x103: {  	v14 =	vsub.f32 v14, v21;
	v16 =	vadd.f32 v25, v16;
	v25 =	vadd.s32 v0, v37  }
0x104: {  	v19 =	vadd.f32 v32, v19;
	v17 =	vadd.f32 v20, v17;
	v20 =	vmul.f32 v21, v33  }
0x105: {  	v38 =	vmin.f32 v34, v13;
	v27 =	vmin.f32 v27, v12;
	v45 =	vmin.f32 v39, v14  }
0x106: {  	v34 =	vbroadcast v11, $0x0;
	v41 =	vmul.f32 v27, v33;
	v13 =	vsub.f32 v13, v38  }
0x107: {  	v12 =	vsub.f32 v12, v27;
	v47 =	vmul.f32 v45, v42;
	v14 =	vsub.f32 v14, v45  }
0x108: {  	v18 =	vadd.f32 v20, v18;
	v20 =	vmul.f32 v38, v33;
	v27 =	vadd.s32 v0, v34;
	v46 =	vld.idx.msk [tilespmem:v25+s3+$0x0], $0xffff  }
0x109: {  	v34 =	vbroadcast v11, $0x4;
	v16 =	vadd.f32 v41, v16;
	v48 =	vmin.f32 v40, v13;
	v49 =	vld.idx.msk [tilespmem:v25+s18+$0x0], $0xffff  }
0x10a: {  	v22 =	vmin.f32 v22, v12;
	v19 =	vadd.f32 v20, v19;
	v20 =	vmin.f32 v36, v15;
	v50 =	vld.idx.msk [tilespmem:v25+s19+$0x0], $0xffff  }
0x10b: {  	v18 =	vadd.f32 v47, v18;
	v51 =	vmul.f32 v22, v42;
	v13 =	vsub.f32 v13, v48;
	v52 =	vld.idx.msk [tilespmem:v25+s20+$0x0], $0xffff  }
0x10c: {  	v44 =	vmul.f32 v20, v42;
	v15 =	vsub.f32 v15, v20;
	v20 =	vmul.f32 v48, v42  }
0x10d: {  	v54 =	vld.idx.msk [tilespmem:v24+s3+$0x0], $0xffff;
	v41 =	vbroadcast v10, $0xF;
	v12 =	vsub.f32 v12, v22;
	v16 =	vadd.f32 v51, v16  }
0x10e: {  	v60 =	vld.idx.msk [tilespmem:v24+s18+$0x0], $0xffff;
	v17 =	vadd.f32 v44, v17;
	v19 =	vadd.f32 v20, v19;
	v20 =	vbroadcast v10, $0xD  }
0x10f: {  	v10 =	vld [tilespmem:s0+$0x14010];
	v44 =	vbroadcast v11, $0x1;
	v53 =	vmin.f32 v46, v15;
	v57 =	vmin.f32 v49, v14  }
0x110: {  	v33 =	vld.idx.msk [tilespmem:v24+s19+$0x0], $0xffff;
	v59 =	vmin.f32 v50, v13;
	v62 =	vmin.f32 v52, v12;
	v50 =	vbroadcast v11, $0x2  }
0x111: {  	v24 =	vld.idx.msk [tilespmem:v24+s20+$0x0], $0xffff;
	v56 =	vmul.f32 v53, v20;
	v58 =	vmul.f32 v57, v20;
	v15 =	vsub.f32 v15, v53  }
0x112: {  	v37 =	vld.idx.msk [tilespmem:v26+s3+$0x0], $0xffff;
	v61 =	vmul.f32 v59, v20;
	v14 =	vsub.f32 v14, v57;
	v20 =	vmul.f32 v62, v20  }
0x113: {  	v38 =	vld.idx.msk [tilespmem:v26+s18+$0x0], $0xffff;
	v13 =	vsub.f32 v13, v59;
	v12 =	vsub.f32 v12, v62;
	v57 =	vbroadcast v11, $0x3  }
0x114: {  	v39 =	vld.idx.msk [tilespmem:v26+s19+$0x0], $0xffff;
	v47 =	vbroadcast v10, $0x0;
	v17 =	vadd.f32 v56, v17;
	v18 =	vadd.f32 v58, v18  }
0x115: {  	v26 =	vld.idx.msk [tilespmem:v26+s20+$0x0], $0xffff;
	v19 =	vadd.f32 v61, v19;
	v25 =	vmin.f32 v54, v15;
	v36 =	vmin.f32 v60, v14  }
0x116: {  	v16 =	vadd.f32 v20, v16;
	v24 =	vmin.f32 v24, v12;
	v56 =	vbroadcast v10, $0x1  }
0x117: {  	v35 =	vmul.f32 v25, v63;
	v20 =	vmul.f32 v36, v63;
	v15 =	vsub.f32 v15, v25  }
0x118: {  	v14 =	vsub.f32 v14, v36;
	v22 =	vmul.f32 v24, v63;
	v12 =	vsub.f32 v12, v24  }
0x119: {  	v43 =	vld.idx.msk [tilespmem:v27+s3+$0x0], $0xffff;
	v17 =	vadd.f32 v35, v17;
	v18 =	vadd.f32 v20, v18;
	v20 =	vmin.f32 v33, v13  }
0x11a: {  	v45 =	vld.idx.msk [tilespmem:v27+s18+$0x0], $0xffff;
	v42 =	vmin.f32 v37, v15;
	v16 =	vadd.f32 v22, v16;
	v26 =	vmin.f32 v26, v12  }
0x11b: {  	v48 =	vld.idx.msk [tilespmem:v27+s19+$0x0], $0xffff;
	v40 =	vmul.f32 v20, v63;
	v13 =	vsub.f32 v13, v20;
	v20 =	vmul.f32 v42, v41  }
0x11c: {  	v27 =	vld.idx.msk [tilespmem:v27+s20+$0x0], $0xffff;
	v22 =	vadd.s32 v0, v44;
	v15 =	vsub.f32 v15, v42;
	v49 =	vmul.f32 v26, v41  }
0x11d: {  	v12 =	vsub.f32 v12, v26;
	v17 =	vadd.f32 v20, v17;
	v20 =	vmin.f32 v38, v14  }
0x11e: {  	v63 =	vbroadcast v10, $0x2;
	v19 =	vadd.f32 v40, v19;
	v21 =	vmul.f32 v20, v41  }
0x11f: {  	v23 =	vmin.f32 v39, v13;
	v25 =	vmin.f32 v43, v15;
	v14 =	vsub.f32 v14, v20  }
0x120: {  	v20 =	vmul.f32 v25, v47;
	v18 =	vadd.f32 v21, v18;
	v21 =	vadd.s32 v0, v50  }
0x121: {  	v16 =	vadd.f32 v49, v16;
	v27 =	vmin.f32 v27, v12;
	v46 =	vmul.f32 v23, v41;
	v51 =	vld.idx.msk [tilespmem:v22+s3+$0x0], $0xffff  }
0x122: {  	v13 =	vsub.f32 v13, v23;
	v53 =	vld.idx.msk [tilespmem:v22+s18+$0x0], $0xffff;
	v17 =	vadd.f32 v20, v17;
	v20 =	vmin.f32 v45, v14  }
0x123: {  	v15 =	vsub.f32 v15, v25;
	v12 =	vsub.f32 v12, v27;
	v55 =	vld.idx.msk [tilespmem:v22+s19+$0x0], $0xffff;
	v24 =	vmul.f32 v20, v47  }
0x124: {  	v22 =	vld.idx.msk [tilespmem:v22+s20+$0x0], $0xffff;
	v14 =	vsub.f32 v14, v20;
	v20 =	vmul.f32 v27, v47;
	v27 =	vadd.s32 v0, v34  }
0x125: {  	v23 =	vadd.s32 v0, v57;
	v19 =	vadd.f32 v46, v19;
	v46 =	vbroadcast v11, $0x5;
	v60 =	vld.idx.msk [tilespmem:v21+s3+$0x0], $0xffff  }
0x126: {  	v41 =	vbroadcast v10, $0x3;
	v52 =	vmin.f32 v48, v13;
	v50 =	vbroadcast v10, $0x4;
	v61 =	vld.idx.msk [tilespmem:v21+s18+$0x0], $0xffff  }
0x127: {  	v54 =	vmul.f32 v52, v47;
	v13 =	vsub.f32 v13, v52;
	v48 =	vadd.s32 v0, v46;
	v62 =	vld.idx.msk [tilespmem:v21+s19+$0x0], $0xffff  }
0x128: {  	v18 =	vadd.f32 v24, v18;
	v16 =	vadd.f32 v20, v16;
	v20 =	vmin.f32 v51, v15;
	v21 =	vld.idx.msk [tilespmem:v21+s20+$0x0], $0xffff  }
0x129: {  	v59 =	vmin.f32 v53, v14;
	v29 =	vmin.f32 v55, v13;
	v55 =	vbroadcast v11, $0x6;
	v45 =	vld.idx.msk [tilespmem:v27+s3+$0x0], $0xffff  }
0x12a: {  	v19 =	vadd.f32 v54, v19;
	v58 =	vmul.f32 v20, v56;
	v28 =	vmul.f32 v59, v56;
	v47 =	vld.idx.msk [tilespmem:v27+s18+$0x0], $0xffff  }
0x12b: {  	v15 =	vsub.f32 v15, v20;
	v20 =	vmul.f32 v29, v56;
	v14 =	vsub.f32 v14, v59;
	v51 =	vld.idx.msk [tilespmem:v27+s19+$0x0], $0xffff  }
0x12c: {  	v13 =	vsub.f32 v13, v29;
	v59 =	vbroadcast v11, $0x7;
	v53 =	vld.idx.msk [tilespmem:v27+s20+$0x0], $0xffff;
	v27 =	vadd.s32 v0, v55  }
0x12d: {  	v55 =	vbroadcast v11, $0xB;
	v19 =	vadd.f32 v20, v19;
	v20 =	vmin.f32 v22, v12  }
0x12e: {  	v17 =	vadd.f32 v58, v17;
	v18 =	vadd.f32 v28, v18;
	v24 =	vmul.f32 v20, v56  }
0x12f: {  	v37 =	vld.idx.msk [tilespmem:v23+s3+$0x0], $0xffff;
	v58 =	vbroadcast v10, $0x5;
	v12 =	vsub.f32 v12, v20;
	v31 =	vadd.s32 v0, v55  }
0x130: {  	v39 =	vld.idx.msk [tilespmem:v23+s18+$0x0], $0xffff;
	v33 =	vmin.f32 v60, v15;
	v36 =	vmin.f32 v61, v14;
	v16 =	vadd.f32 v24, v16  }
0x131: {  	v42 =	vld.idx.msk [tilespmem:v23+s19+$0x0], $0xffff;
	v20 =	vmin.f32 v62, v13;
	v21 =	vmin.f32 v21, v12;
	v35 =	vmul.f32 v33, v63  }
0x132: {  	v23 =	vld.idx.msk [tilespmem:v23+s20+$0x0], $0xffff;
	v38 =	vmul.f32 v36, v63;
	v15 =	vsub.f32 v15, v33;
	v40 =	vmul.f32 v20, v63  }
0x133: {  	v14 =	vsub.f32 v14, v36;
	v22 =	vmul.f32 v21, v63;
	v13 =	vsub.f32 v13, v20  }
0x134: {  	v12 =	vsub.f32 v12, v21;
	v33 =	vbroadcast v11, $0x9;
	v17 =	vadd.f32 v35, v17  }
0x135: {  	v18 =	vadd.f32 v38, v18;
	v19 =	vadd.f32 v40, v19;
	v43 =	vmin.f32 v37, v15  }
0x136: {  	v29 =	vmin.f32 v39, v14;
	v16 =	vadd.f32 v22, v16;
	v35 =	vbroadcast v11, $0x8  }
0x137: {  	v23 =	vmin.f32 v23, v12;
	v40 =	vbroadcast v10, $0x6;
	v44 =	vmul.f32 v43, v41  }
0x138: {  	v20 =	vmul.f32 v29, v41;
	v15 =	vsub.f32 v15, v43;
	v14 =	vsub.f32 v14, v29  }
0x139: {  	v54 =	vld.idx.msk [tilespmem:v48+s3+$0x0], $0xffff;
	v25 =	vmul.f32 v23, v41;
	v12 =	vsub.f32 v12, v23;
	v29 =	vadd.s32 v0, v59  }
0x13a: {  	v56 =	vld.idx.msk [tilespmem:v48+s18+$0x0], $0xffff;
	v38 =	vadd.s32 v0, v35;
	v17 =	vadd.f32 v44, v17;
	v18 =	vadd.f32 v20, v18  }
0x13b: {  	v60 =	vld.idx.msk [tilespmem:v48+s19+$0x0], $0xffff;
	v20 =	vmin.f32 v42, v13;
	v52 =	vmin.f32 v45, v15;
	v16 =	vadd.f32 v25, v16  }
0x13c: {  	v22 =	vld.idx.msk [tilespmem:v48+s20+$0x0], $0xffff;
	v21 =	vmin.f32 v47, v14;
	v57 =	vmin.f32 v53, v12;
	v49 =	vmul.f32 v20, v41  }
0x13d: {  	v62 =	vld.idx.msk [tilespmem:v27+s3+$0x0], $0xffff;
	v13 =	vsub.f32 v13, v20;
	v20 =	vmul.f32 v52, v50;
	v15 =	vsub.f32 v15, v52  }
0x13e: {  	v63 =	vld.idx.msk [tilespmem:v27+s18+$0x0], $0xffff;
	v45 =	vadd.s32 v0, v33;
	v14 =	vsub.f32 v14, v21;
	v12 =	vsub.f32 v12, v57  }
0x13f: {  	v37 =	vld.idx.msk [tilespmem:v27+s20+$0x0], $0xffff;
	v19 =	vadd.f32 v49, v19;
	v17 =	vadd.f32 v20, v17;
	v20 =	vmul.f32 v21, v50  }
0x140: {  	v28 =	vmin.f32 v51, v13;
	v25 =	vmin.f32 v54, v15;
	v23 =	vmin.f32 v56, v14;
	v41 =	vld.idx.msk [tilespmem:v29+s3+$0x0], $0xffff  }
0x141: {  	v22 =	vmin.f32 v22, v12;
	v32 =	vld.idx.msk [tilespmem:v29+s18+$0x0], $0xffff;
	v49 =	vbroadcast v11, $0xA;
	v61 =	vmul.f32 v25, v58  }
0x142: {  	v43 =	vld.idx.msk [tilespmem:v29+s19+$0x0], $0xffff;
	v13 =	vsub.f32 v13, v28;
	v18 =	vadd.f32 v20, v18;
	v20 =	vmul.f32 v28, v50  }
0x143: {  	v44 =	vld.idx.msk [tilespmem:v29+s20+$0x0], $0xffff;
	v15 =	vsub.f32 v15, v25;
	v14 =	vsub.f32 v14, v23;
	v24 =	vmul.f32 v22, v58  }
0x144: {  	v12 =	vsub.f32 v12, v22;
	v47 =	vld.idx.msk [tilespmem:v38+s3+$0x0], $0xffff;
	v19 =	vadd.f32 v20, v19;
	v20 =	vmul.f32 v57, v50  }
0x145: {  	v48 =	vld.idx.msk [tilespmem:v38+s18+$0x0], $0xffff;
	v52 =	vadd.s32 v0, v49;
	v17 =	vadd.f32 v61, v17;
	v36 =	vmin.f32 v60, v13  }
0x146: {  	v34 =	vld.idx.msk [tilespmem:v38+s19+$0x0], $0xffff;
	v28 =	vmin.f32 v62, v15;
	v16 =	vadd.f32 v20, v16;
	v20 =	vmul.f32 v23, v58  }
0x147: {  	v26 =	vld.idx.msk [tilespmem:v38+s20+$0x0], $0xffff;
	v21 =	vmin.f32 v63, v14;
	v25 =	vmin.f32 v37, v12;
	v39 =	vmul.f32 v36, v58  }
0x148: {  	v13 =	vsub.f32 v13, v36;
	v42 =	vmul.f32 v28, v40;
	v18 =	vadd.f32 v20, v18;
	v20 =	vld.idx.msk [tilespmem:v27+s19+$0x0], $0xffff  }
0x149: {  	v38 =	vld.idx.msk [tilespmem:v31+s3+$0x0], $0xffff;
	v46 =	vmul.f32 v21, v40;
	v15 =	vsub.f32 v15, v28;
	v14 =	vsub.f32 v14, v21  }
0x14a: {  	v54 =	vld.idx.msk [tilespmem:v45+s18+$0x0], $0xffff;
	v51 =	vmul.f32 v25, v40;
	v12 =	vsub.f32 v12, v25;
	v36 =	vbroadcast v11, $0xC  }
0x14b: {  	v56 =	vld.idx.msk [tilespmem:v45+s19+$0x0], $0xffff;
	v19 =	vadd.f32 v39, v19;
	v17 =	vadd.f32 v42, v17;
	v53 =	vmin.f32 v41, v15  }
0x14c: {  	v29 =	vld.idx.msk [tilespmem:v45+s20+$0x0], $0xffff;
	v32 =	vmin.f32 v32, v14;
	v36 =	vadd.s32 v0, v36;
	v15 =	vsub.f32 v15, v53  }
0x14d: {  	v39 =	vld.idx.msk [tilespmem:v31+s18+$0x0], $0xffff;
	v14 =	vsub.f32 v14, v32;
	v16 =	vadd.f32 v24, v16;
	v20 =	vmin.f32 v20, v13  }
0x14e: {  	v41 =	vld.idx.msk [tilespmem:v31+s19+$0x0], $0xffff;
	v24 =	vmin.f32 v44, v12;
	v44 =	vbroadcast v11, $0xE;
	v13 =	vsub.f32 v13, v20  }
0x14f: {  	v31 =	vld.idx.msk [tilespmem:v31+s20+$0x0], $0xffff;
	v12 =	vsub.f32 v12, v24;
	v28 =	vmin.f32 v48, v14;
	v18 =	vadd.f32 v46, v18  }
0x150: {  	v16 =	vadd.f32 v51, v16;
	v50 =	vmul.f32 v20, v40;
	v20 =	vld.idx.msk [tilespmem:v45+s3+$0x0], $0xffff;
	v27 =	vmin.f32 v43, v13  }
0x151: {  	v33 =	vld.idx.msk [tilespmem:v52+s3+$0x0], $0xffff;
	v23 =	vmin.f32 v47, v15;
	v14 =	vsub.f32 v14, v28;
	v13 =	vsub.f32 v13, v27  }
0x152: {  	v35 =	vld.idx.msk [tilespmem:v52+s18+$0x0], $0xffff;
	v15 =	vsub.f32 v15, v23;
	v44 =	vadd.s32 v0, v44;
	v26 =	vmin.f32 v26, v12  }
0x153: {  	v37 =	vld.idx.msk [tilespmem:v52+s19+$0x0], $0xffff;
	v12 =	vsub.f32 v12, v26;
	v22 =	vmin.f32 v54, v14;
	v34 =	vmin.f32 v34, v13  }
0x154: {  	v30 =	vld.idx.msk [tilespmem:v52+s20+$0x0], $0xffff;
	v14 =	vsub.f32 v14, v22;
	v40 =	vbroadcast v11, $0xD;
	v13 =	vsub.f32 v13, v34  }
0x155: {  	v42 =	vld.idx.msk [tilespmem:v36+s3+$0x0], $0xffff;
	v29 =	vmin.f32 v29, v12;
	v45 =	vbroadcast v10, $0x7;
	v20 =	vmin.f32 v20, v15  }
0x156: {  	v46 =	vld.idx.msk [tilespmem:v36+s19+$0x0], $0xffff;
	v40 =	vadd.s32 v0, v40;
	v15 =	vsub.f32 v15, v20;
	v25 =	vmin.f32 v56, v13  }
0x157: {  	v11 =	vbroadcast v11, $0xF;
	v12 =	vsub.f32 v12, v29;
	v58 =	vld.idx.msk [tilespmem:v44+s3+$0x0], $0xffff;
	v13 =	vsub.f32 v13, v25  }
0x158: {  	v35 =	vmin.f32 v35, v14;
	v51 =	vld.idx.msk [tilespmem:v44+s19+$0x0], $0xffff;
	v19 =	vadd.f32 v50, v19;
	v33 =	vmin.f32 v33, v15  }
0x159: {  	v43 =	vld.idx.msk [tilespmem:v36+s18+$0x0], $0xffff;
	v14 =	vsub.f32 v14, v35;
	v15 =	vsub.f32 v15, v33;
	v37 =	vmin.f32 v37, v13  }
0x15a: {  	v36 =	vld.idx.msk [tilespmem:v36+s20+$0x0], $0xffff;
	v11 =	vadd.s32 v0, v11;
	v30 =	vmin.f32 v30, v12;
	v13 =	vsub.f32 v13, v37  }
0x15b: {  	v12 =	vsub.f32 v12, v30;
	v39 =	vmin.f32 v39, v14;
	v47 =	vld.idx.msk [tilespmem:v40+s3+$0x0], $0xffff;
	v38 =	vmin.f32 v38, v15  }
0x15c: {  	v14 =	vsub.f32 v14, v39;
	v48 =	vld.idx.msk [tilespmem:v40+s18+$0x0], $0xffff;
	v15 =	vsub.f32 v15, v38;
	v41 =	vmin.f32 v41, v13  }
0x15d: {  	v21 =	vmul.f32 v53, v45;
	v57 =	vmin.f32 v31, v12;
	v49 =	vld.idx.msk [tilespmem:v40+s19+$0x0], $0xffff;
	v13 =	vsub.f32 v13, v41  }
0x15e: {  	v40 =	vld.idx.msk [tilespmem:v40+s20+$0x0], $0xffff;
	v12 =	vsub.f32 v12, v57;
	v43 =	vmin.f32 v43, v14;
	v42 =	vmin.f32 v42, v15  }
0x15f: {  	v50 =	vld.idx.msk [tilespmem:v44+s18+$0x0], $0xffff;
	v14 =	vsub.f32 v14, v43;
	v15 =	vsub.f32 v15, v42;
	v46 =	vmin.f32 v46, v13  }
0x160: {  	v32 =	vmul.f32 v32, v45;
	v44 =	vld.idx.msk [tilespmem:v44+s20+$0x0], $0xffff;
	v36 =	vmin.f32 v36, v12;
	v13 =	vsub.f32 v13, v46  }
0x161: {  	v52 =	vld.idx.msk [tilespmem:v11+s3+$0x0], $0xffff;
	v12 =	vsub.f32 v12, v36;
	v48 =	vmin.f32 v48, v14;
	v47 =	vmin.f32 v47, v15  }
0x162: {  	v53 =	vld.idx.msk [tilespmem:v11+s18+$0x0], $0xffff;
	v14 =	vsub.f32 v14, v48;
	v15 =	vsub.f32 v15, v47;
	v49 =	vmin.f32 v49, v13  }
0x163: {  	v18 =	vadd.f32 v32, v18;
	v59 =	vld.idx.msk [tilespmem:v11+s19+$0x0], $0xffff;
	v32 =	vmin.f32 v40, v12;
	v13 =	vsub.f32 v13, v49  }
0x164: {  	v11 =	vld.idx.msk [tilespmem:v11+s20+$0x0], $0xffff;
	v12 =	vsub.f32 v12, v32;
	v50 =	vmin.f32 v50, v14;
	v31 =	vmin.f32 v58, v15  }
0x165: {  	v14 =	vsub.f32 v14, v50;
	v15 =	vsub.f32 v15, v31;
	v51 =	vmin.f32 v51, v13  }
0x166: {  	v44 =	vmin.f32 v44, v12;
	v13 =	vsub.f32 v13, v51  }
0x167: {  	v12 =	vsub.f32 v12, v44;
	v53 =	vmin.f32 v53, v14;
	v52 =	vmin.f32 v52, v15  }
0x168: {  	v14 =	vsub.f32 v14, v53;
	v15 =	vsub.f32 v15, v52;
	v40 =	vmin.f32 v59, v13  }
0x169: {  	v11 =	vmin.f32 v11, v12;
	v13 =	vsub.f32 v13, v40  }
0x16a: {  	v12 =	vsub.f32 v12, v11;
	vm1 =	vle.f32 v14, $0.0e+00;
	vm0 =	vle.f32 v15, $0.0e+00  }
0x16b: {  	vm0 =	vmand vm0, vm1;
	vm14 =	vle.f32 v13, $0.0e+00  }
0x16c: {  	v60 =	vbroadcast v10, $0x8;
	vm15 =	vle.f32 v12, $0.0e+00;
	vm0 =	vmand vm0, vm14  }
0x16d: {  	v61 =	vbroadcast v10, $0x9;
	v63 =	vbroadcast v10, $0xA;
	vm0 =	vmand vm0, vm15  }
0x16e: {  	v23 =	vmul.f32 v23, v60;
	v28 =	vmul.f32 v28, v60;
	v54 =	vsel vm0, $0x3F800000, v1  }
0x16f: {  	v24 =	vmul.f32 v24, v45;
	v27 =	vmul.f32 v27, v45;
	(xrf0) =	vmin.scan.msk.f32 $0xffff, v54  }
0x170: {  	v62 =	vmul.f32 v26, v60;
	v22 =	vmul.f32 v22, v61;
	v17 =	vadd.f32 v21, v17  }
0x171: {  	v16 =	vadd.f32 v24, v16;
	v19 =	vadd.f32 v27, v19;
	v34 =	vmul.f32 v34, v60  }
0x172: {  	v17 =	vadd.f32 v23, v17;
	v18 =	vadd.f32 v28, v18;
	v20 =	vmul.f32 v20, v61  }
0x173: {  	v16 =	vadd.f32 v62, v16;
	v28 =	vmul.f32 v29, v61;
	v23 =	vmul.f32 v30, v63  }
0x174: {  	v19 =	vadd.f32 v34, v19;
	v17 =	vadd.f32 v20, v17;
	v20 =	vmul.f32 v25, v61  }
0x175: {  	v16 =	vadd.f32 v28, v16;
	v29 =	vmul.f32 v33, v63;
	v33 =	vmul.f32 v35, v63;
	v35, _, _ =	vpop (xrf0)  }
0x176: {  	v19 =	vadd.f32 v20, v19;
	v20 =	vbroadcast v10, $0xB;
	(v2sf) =	vpush v35, $0xF  }
0x177: {  	v18 =	vadd.f32 v22, v18;
	v56 =	vbroadcast v10, $0xE;
	v16 =	vadd.f32 v23, v16  }
0x178: {  	v17 =	vadd.f32 v29, v17;
	v34 =	vmul.f32 v37, v63;
	v37 =	vmul.f32 v38, v20  }
0x179: {  	v18 =	vadd.f32 v33, v18;
	v38 =	vmul.f32 v39, v20;
	v39 =	vbroadcast v10, $0xC  }
0x17a: {  	v19 =	vadd.f32 v34, v19;
	v41 =	vmul.f32 v41, v20;
	v20 =	vmul.f32 v57, v20  }
0x17b: {  	v17 =	vadd.f32 v37, v17;
	v18 =	vadd.f32 v38, v18;
	v42 =	vmul.f32 v42, v39  }
0x17c: {  	v19 =	vadd.f32 v41, v19;
	v16 =	vadd.f32 v20, v16;
	v20 =	vmul.f32 v46, v39  }
0x17d: {  	v45 =	vmul.f32 v43, v39;
	v17 =	vadd.f32 v42, v17;
	v54 =	vbroadcast v10, $0xD  }
0x17e: {  	v19 =	vadd.f32 v20, v19;
	v20 =	vmul.f32 v36, v39;
	v58 =	vmul.f32 v31, v56  }
0x17f: {  	v18 =	vadd.f32 v45, v18;
	v61 =	vmul.f32 v51, v56;
	v55 =	vmul.f32 v47, v54  }
0x180: {  	v16 =	vadd.f32 v20, v16;
	v57 =	vmul.f32 v48, v54;
	v20 =	vmul.f32 v49, v54  }
0x181: {  	v59 =	vmul.f32 v50, v56;
	v10 =	vbroadcast v10, $0xF;
	v17 =	vadd.f32 v55, v17  }
0x182: {  	v18 =	vadd.f32 v57, v18;
	v19 =	vadd.f32 v20, v19;
	v20 =	vmul.f32 v32, v54  }
0x183: {  	[tilespmem:$0x18810] =	vst v14;
	v60 =	vmul.f32 v52, v10;
	v62 =	vmul.f32 v53, v10;
	v17 =	vadd.f32 v58, v17  }
0x184: {  	[tilespmem:$0x18830] =	vst v12;
	v18 =	vadd.f32 v59, v18;
	v16 =	vadd.f32 v20, v16;
	v20 =	vmul.f32 v44, v56  }
0x185: {  	[tilespmem:$0x18800] =	vst v15;
	v63 =	vmul.f32 v40, v10;
	v19 =	vadd.f32 v61, v19;
	v17 =	vadd.f32 v60, v17;
	s2 =	spop (v2sf)  }
0x186: {  	[tilespmem:$0x18820] =	vst v13;
	v10 =	vmul.f32 v11, v10;
	v18 =	vadd.f32 v62, v18;
	v16 =	vadd.f32 v20, v16;
	p0 =	sgt.f32 s2, $0.0e+00  }
0x187: {  	v19 =	vadd.f32 v63, v19;
	[tilespmem:$0x18840] =	vst v17  }
0x188: {  	s0 =	simm.s32 $0x1;
	[tilespmem:$0x18850] =	vst v18;
	v16 =	vadd.f32 v10, v16;
	p0 =	por !p0, !p0  }
0x189: {  	[tilespmem:$0x18860] =	vst v19;
	s0 =	simm.s32 @!p0 $0x0  }
0x18a: {  	[tilespmem:$0x18870] =	vst v16;
	[smem:$0x0] =	sst s0  }
.LBB2_11:
0x18b: {  	s29 =	sadd.s32 $0x20, s29  }
0x18c: {  	p0 =	sne.s32 s29, $0x400  }
.Ltmp9:
0x18d: {  	_ = 	snop;
	(pc) =	sbr.rel @!p0 .LBB2_12-.Ltmp9, $2  }
0x18e: {  	_ =	sdelay $0x2  }
0x18f: {  	s31 =	sadd.s32 $0x20, s31;
	s30 =	sadd.s32 $0x20, s30  }
.LBB2_8:
0x190: {  	p0 =	seq.s32 s0, $0x0  }
.Ltmp10:
0x191: {  	_ = 	snop;
	(pc) =	sbr.rel @!p0 .LBB2_10-.Ltmp10, $1  }
0x192: {  	_ =	sdelay $0x3  }
.Ltmp11:
0x193: {  	(pc) =	sbr.rel .LBB2_11-.Ltmp11, $2  }
0x194: {  	_ =	sdelay $0x2  }
0x195: {  	s0 =	simm.s32 $0x0  }
.LBB2_15:
0x196: {  	_ =	sfence.sel $0x180000  }
0x197: {  	[bflag:$0x0] =	sbarrier.arrive $0xFFFF  }
0x198: {  	_ =	strace $0x90000047  }
0x199: {  	s0 =	stileid.u32;
	[bflag:$0x2] =	sbarrier.arrive $0xFFFF  }
0x19a: {  	p0 =	sne.s32 s0, $0x0;
	s0 =	rddreg [dreg:$0x2]  }
0x19b: {  	s0 =	sadd.s32 @!p0 $0x100000, s0  }
0x19c: {  	[sflag:s0] =	ssyncadd.tile.s32 @!p0 $0x1;
	_ =	shalt  }
.Lfunc_end2:
_tile_overlayer_lowered:
.L_overlay_start_2:
0x19d: {  	(tag) =	ssettag $0x2  }
0x19e: {  	s0 =	rddreg [dreg:$0x0];
	s2 =	stileid.u32  }
0x19f: {  	s1 =	rddreg [dreg:$0x1];
	p0 =	sne.s32 s2, $0x0  }
0x1a0: {  	s3 =	rddreg [dreg:$0x2];
	[bflag:$0x3] =	sbarrier.arrive $0xFFFF;
	s2 =	simm.s32 @!p0 $0x1C05  }
0x1a1: {  	[timem:s3], [sflag:s2] =	dma.local @!p0 [hbm:s0], s1  }
0x1a2: {  	s0 =	simm.s32 @!p0 $0x5  }
0x1a3: {  	_ =	swait.ge @!p0 [sflag:s0], s1  }
0x1a4: {  	s1 =	ssub.s32 @!p0 $0x0, s1;
	[sflag:s0] =	ssyncset.done @!p0 $0x0  }
0x1a5: {  	[sflag:s0] =	ssyncadd.s32 @!p0 s1  }
0x1a6: {  	[bflag:$0x3] =	sbarrier.arrive $0xFFFF  }
0x1a7: {  	_ =	shalt  }

</sc_bundles>
